<compile_context>
chip_gen: v7x
topology: tpu7x:2x2x1
jax: 0.10.2.dev20260603
libtpu: 0.0.44.dev20260713+nightly
codegen_flags: <defaults>
</compile_context>

<pallas_src>
import functools

import jax
import jax.numpy as jnp
from jax import lax
from jax.experimental import pallas as pl
from jax.experimental.pallas import tpu as pltpu
from jax.experimental.pallas import tpu_sc as plsc

L = 16
NW = 32

_GDN = lax.GatherDimensionNumbers(
    offset_dims=(), collapsed_slice_dims=(0,), start_index_map=(0,)
)


def _lane_shuffle(x, idx2d):
    return lax.gather(x, idx2d, _GDN, (1,),
                      mode=lax.GatherScatterMode.PROMISE_IN_BOUNDS)


def _pre_body(d, x_ref, w1_ref, b1_ref, w_ref):
    xb = x_ref[...]
    w_ref[0] = (
        jnp.dot(xb, w1_ref[:d, :], preferred_element_type=jnp.float32)
        + b1_ref[...]
    )
    w_ref[1] = jnp.dot(xb, w1_ref[d:, :], preferred_element_type=jnp.float32)
    w_ref[2] = xb


def _precompute(x, W1, b1):
    n, d = x.shape
    bn = 1000 if n % 1000 == 0 else n
    grid = n // bn
    return pl.pallas_call(
        functools.partial(_pre_body, d),
        grid=(grid,),
        in_specs=[
            pl.BlockSpec((bn, d), lambda i: (i, 0)),
            pl.BlockSpec((2 * d, d), lambda i: (0, 0)),
            pl.BlockSpec((1, d), lambda i: (0, 0)),
        ],
        out_specs=pl.BlockSpec((3, bn, d), lambda i: (0, i, 0)),
        out_shape=jax.ShapeDtypeStruct((3, n, d), jnp.float32),
    )(x, W1, b1.reshape(1, d))


def _mask_body(nchunks, c, d,
               eb_h, w_h, w2_h, b2_h, m_h,
               idxuv, uvrows, mbuf, w2v, b2v, sem1):
    nd = d // L
    cid = lax.axis_index("c")
    sid = lax.axis_index("s")
    wid = sid * 2 + cid

    pltpu.sync_copy(w2_h, w2v)
    pltpu.sync_copy(b2_h, b2v)
    w2regs = [w2v[pl.ds(k * L, L)] for k in range(nd)]
    b2vec = b2v[...]
    zeros = jnp.zeros((L,), jnp.float32)
    lanes = lax.iota(jnp.int32, L)
    perms = [(lanes ^ sh)[:, None] for sh in (8, 4, 2, 1)]

    def mchunk(k, carry):
        pltpu.sync_copy(eb_h.at[wid, k, pl.ds(0, 2 * c)], idxuv)
        pltpu.async_copy(w_h.at[idxuv], uvrows, sem1).wait()

        def edge(e, mgrp):
            acc = zeros
            for kk in range(nd):
                uu = uvrows[e, pl.ds(kk * L, L)]
                vv = uvrows[c + e, pl.ds(kk * L, L)]
                acc = acc + jnp.maximum(uu + vv, 0.0) * w2regs[kk]
            for pp in perms:
                acc = acc + _lane_shuffle(acc, pp)
            mv = 1.0 / (1.0 + jnp.exp(-(acc + b2vec)))
            j = jnp.bitwise_and(e, L - 1)
            mgrp = jnp.where(lanes == j, mv, mgrp)

            @pl.when(j == L - 1)
            def _():
                mbuf[pl.ds(k * c + e - (L - 1), L)] = mgrp

            return mgrp

        lax.fori_loop(0, c, edge, zeros)
        return carry

    lax.fori_loop(0, nchunks, mchunk, 0)
    pltpu.sync_copy(mbuf, m_h.at[wid])


def _mask_pass(eb, W, W2f, b2v):
    d = W.shape[1]
    nw, nchunks, c3 = eb.shape
    c = c3 // 3
    mesh = plsc.VectorSubcoreMesh(core_axis_name="c", subcore_axis_name="s",
                                  num_cores=2, num_subcores=16)
    body = functools.partial(_mask_body, nchunks, c, d)
    f = pl.kernel(
        body,
        out_type=jax.ShapeDtypeStruct((nw, nchunks * c), jnp.float32),
        mesh=mesh,
        scratch_types=[
            pltpu.VMEM((2 * c,), jnp.int32),
            pltpu.VMEM((2 * c, d), jnp.float32),
            pltpu.VMEM((nchunks * c,), jnp.float32),
            pltpu.VMEM((d,), jnp.float32),
            pltpu.VMEM((L,), jnp.float32),
            pltpu.SemaphoreType.DMA,
        ],
    )
    return f(eb, W, W2f, b2v)


def kernel(x, edge_index, W1, b1, W2, b2, W3, b3):
    n, d = x.shape
    e = edge_index.shape[1]
    c = 64
    per_w = -(-e // (NW * c)) * c
    nchunks = per_w // c
    epad = NW * per_w - e

    Wt = _precompute(x, W1, b1).reshape(3 * n, d)
    row = jnp.concatenate(
        [edge_index[0], jnp.full((epad,), n, jnp.int32)]).reshape(
            NW, nchunks, c)
    col = jnp.concatenate(
        [edge_index[1], jnp.zeros((epad,), jnp.int32)]).reshape(
            NW, nchunks, c)
    eb = jnp.concatenate([row, n + col, 2 * n + col], axis=2)
    b2v = jnp.broadcast_to(b2.reshape(1), (L,)).astype(jnp.float32)
    m = _mask_pass(eb, Wt, W2.reshape(d), b2v)
    mm = m.reshape(-1)[:e]
    row0 = edge_index[0]
    col0 = edge_index[1]
    denom = jax.ops.segment_sum(mm, row0, num_segments=n) + 1e-09
    w = mm / jnp.take(denom, row0, axis=0)
    agg = jax.ops.segment_sum(w[:, None] * jnp.take(x, col0, axis=0), row0,
                              num_segments=n)
    deg = jax.ops.segment_sum(jnp.ones_like(mm), row0, num_segments=n)
    oe = jnp.where(deg[:, None] > 0, 0.5 * x + 0.5 * agg, x)
    return jax.nn.relu(oe @ W3 + b3)

# --- scband reference (transcript-rebuilt; emitter-appended) ---
"""Pipeline reference for scband-gnnexplainer-agg-44770739093934 (READ-ONLY COPY).

The authoritative reference and input builder live on the scoring server;
editing this copy changes nothing except your own understanding.
"""

import jax, jax.numpy as jnp
import numpy as np

N = 10000
E = 320000
D = 128
OUT = 128


def setup_inputs(seed: int = 0) -> dict:
    key = jax.random.key(seed)
    ks = jax.random.split(key, 6)
    x = jax.random.normal(ks[0], (N, D), dtype=jnp.float32)
    edge_index = jax.random.randint(ks[1], (2, E), 0, N, dtype=jnp.int32)
    # mask_mlp: Linear(2D -> D), ReLU, Linear(D -> 1); stored as (in, out) for right-multiply
    W1 = jax.random.normal(ks[2], (2 * D, D), dtype=jnp.float32) * 0.05
    b1 = jnp.zeros((D,), dtype=jnp.float32)
    W2 = jax.random.normal(ks[3], (D, 1), dtype=jnp.float32) * 0.05
    b2 = jnp.zeros((1,), dtype=jnp.float32)
    # final linear: Linear(D -> OUT)
    W3 = jax.random.normal(ks[4], (D, OUT), dtype=jnp.float32) * 0.05
    b3 = jnp.zeros((OUT,), dtype=jnp.float32)
    return {"x": x, "edge_index": edge_index, "W1": W1, "b1": b1, "W2": W2, "b2": b2, "W3": W3, "b3": b3}


def reference(x, edge_index, W1, b1, W2, b2, W3, b3):
    # Vectorized but mathematically faithful translation of the per-node loop:
    # for each node i with neighbors j (edges row==i):
    #   mask_ij = sigmoid(MLP([x_i || x_j])); weights = mask / (sum_j mask + 1e-9)
    #   agg_i = sum_j weights_ij * x_j; out_emb_i = 0.5*x_i + 0.5*agg_i
    # nodes with zero neighbors keep out_emb_i = x_i.
    row = edge_index[0]
    col = edge_index[1]
    x_i = jnp.take(x, row, axis=0)
    x_j = jnp.take(x, col, axis=0)
    pairs = jnp.concatenate([x_i, x_j], axis=1)
    h = jax.nn.relu(pairs @ W1 + b1)
    m = jax.nn.sigmoid(h @ W2 + b2)[:, 0]
    denom = jax.ops.segment_sum(m, row, num_segments=N) + 1e-09
    w = m / jnp.take(denom, row, axis=0)
    agg = jax.ops.segment_sum(w[:, None] * x_j, row, num_segments=N)
    deg = jax.ops.segment_sum(jnp.ones_like(m), row, num_segments=N)
    out_emb = jnp.where(deg[:, None] > 0, 0.5 * x + 0.5 * agg, x)
    out = jax.nn.relu(out_emb @ W3 + b3)
    return out

if __name__ == "__main__":
    import jax
    _d = setup_inputs()
    print(jax.jit(kernel)(*tuple(_d.values())))

</pallas_src>

<mosaic_0001>
#map = affine_map<(d0, d1) -> (0, 0, 0)>
#map1 = affine_map<(d0, d1) -> (0, 0)>
#map2 = affine_map<(d0, d1) -> (0)>
module attributes {stable_mosaic.version = 14 : i64} {
  func.func @_mask_body(%arg0: i32, %arg1: i32, %arg2: memref<32x157x192xi32, #tpu.memory_space<hbm>>, %arg3: memref<30000x128xf32, #tpu.memory_space<hbm>>, %arg4: memref<128xf32, #tpu.memory_space<hbm>>, %arg5: memref<16xf32, #tpu.memory_space<hbm>>, %arg6: memref<32x10048xf32, #tpu.memory_space<hbm>>, %arg7: memref<128xi32, #tpu.memory_space<vmem>>, %arg8: memref<128x128xf32, #tpu.memory_space<vmem>>, %arg9: memref<10048xf32, #tpu.memory_space<vmem>>, %arg10: memref<128xf32, #tpu.memory_space<vmem>>, %arg11: memref<16xf32, #tpu.memory_space<vmem>>, %arg12: memref<!tpu.dma_semaphore, #tpu.memory_space<semaphore_mem>>) attributes {dimension_semantics = [#tpu.dimension_semantics<core_parallel>, #tpu.dimension_semantics<subcore_parallel>], iteration_bounds = array<i64: 2, 16>, scalar_prefetch = 0 : i64, scratch_operands = 6 : i64, tpu.core_type = #tpu.core_type<sc_vector_subcore>, window_params = [{transform_indices = #map}, {transform_indices = #map1}, {transform_indices = #map2}, {transform_indices = #map2}, {transform_indices = #map1}]} {
    %mul3A = arith.constant 2 : i32
    %mul3A_0 = arith.muli %arg1, %mul3A : i32
    %add3A = arith.addi %mul3A_0, %arg0 : i32
    "tpu.region"() ({
      %run_scoped3A = tpu.sem_alloc : memref<!tpu.dma_semaphore, #tpu.memory_space<semaphore_mem>>
      tpu.enqueue_dma source(%arg4 : memref<128xf32, #tpu.memory_space<hbm>>) target(%arg10 : memref<128xf32, #tpu.memory_space<vmem>>) target_semaphore(%run_scoped3A : memref<!tpu.dma_semaphore, #tpu.memory_space<semaphore_mem>>)
      tpu.wait_dma2 semaphore(%run_scoped3A : memref<!tpu.dma_semaphore, #tpu.memory_space<semaphore_mem>>) src(%arg4 : memref<128xf32, #tpu.memory_space<hbm>>) dst(%arg10 : memref<128xf32, #tpu.memory_space<vmem>>)
      tpu.yield
    }) : () -> ()
    "tpu.region"() ({
      %run_scoped3A = tpu.sem_alloc : memref<!tpu.dma_semaphore, #tpu.memory_space<semaphore_mem>>
      tpu.enqueue_dma source(%arg5 : memref<16xf32, #tpu.memory_space<hbm>>) target(%arg11 : memref<16xf32, #tpu.memory_space<vmem>>) target_semaphore(%run_scoped3A : memref<!tpu.dma_semaphore, #tpu.memory_space<semaphore_mem>>)
      tpu.wait_dma2 semaphore(%run_scoped3A : memref<!tpu.dma_semaphore, #tpu.memory_space<semaphore_mem>>) src(%arg5 : memref<16xf32, #tpu.memory_space<hbm>>) dst(%arg11 : memref<16xf32, #tpu.memory_space<vmem>>)
      tpu.yield
    }) : () -> ()
    %get3A = arith.constant 0 : index
    %get3A_1 = tpu.vector_load %arg10[%get3A] {strides = array<i32>} : memref<128xf32, #tpu.memory_space<vmem>>, vector<16xf32>,
    %get3A_2 = vector.shape_cast %get3A_1 : vector<16xf32> to vector<16xf32>
    %get3A_3 = arith.constant 16 : index
    %get3A_4 = tpu.vector_load %arg10[%get3A_3] {strides = array<i32>} : memref<128xf32, #tpu.memory_space<vmem>>, vector<16xf32>,
    %get3A_5 = vector.shape_cast %get3A_4 : vector<16xf32> to vector<16xf32>
    %get3A_6 = arith.constant 32 : index
    %get3A_7 = tpu.vector_load %arg10[%get3A_6] {strides = array<i32>} : memref<128xf32, #tpu.memory_space<vmem>>, vector<16xf32>,
    %get3A_8 = vector.shape_cast %get3A_7 : vector<16xf32> to vector<16xf32>
    %get3A_9 = arith.constant 48 : index
    %get3A_10 = tpu.vector_load %arg10[%get3A_9] {strides = array<i32>} : memref<128xf32, #tpu.memory_space<vmem>>, vector<16xf32>,
    %get3A_11 = vector.shape_cast %get3A_10 : vector<16xf32> to vector<16xf32>
    %get3A_12 = arith.constant 64 : index
    %get3A_13 = tpu.vector_load %arg10[%get3A_12] {strides = array<i32>} : memref<128xf32, #tpu.memory_space<vmem>>, vector<16xf32>,
    %get3A_14 = vector.shape_cast %get3A_13 : vector<16xf32> to vector<16xf32>
    %get3A_15 = arith.constant 80 : index
    %get3A_16 = tpu.vector_load %arg10[%get3A_15] {strides = array<i32>} : memref<128xf32, #tpu.memory_space<vmem>>, vector<16xf32>,
    %get3A_17 = vector.shape_cast %get3A_16 : vector<16xf32> to vector<16xf32>
    %get3A_18 = arith.constant 96 : index
    %get3A_19 = tpu.vector_load %arg10[%get3A_18] {strides = array<i32>} : memref<128xf32, #tpu.memory_space<vmem>>, vector<16xf32>,
    %get3A_20 = vector.shape_cast %get3A_19 : vector<16xf32> to vector<16xf32>
    %get3A_21 = arith.constant 112 : index
    %get3A_22 = tpu.vector_load %arg10[%get3A_21] {strides = array<i32>} : memref<128xf32, #tpu.memory_space<vmem>>, vector<16xf32>,
    %get3A_23 = vector.shape_cast %get3A_22 : vector<16xf32> to vector<16xf32>
    %get3A_24 = arith.constant 0 : index
    %get3A_25 = tpu.vector_load %arg11[%get3A_24] {strides = array<i32>} : memref<16xf32, #tpu.memory_space<vmem>>, vector<16xf32>,
    %get3A_26 = vector.shape_cast %get3A_25 : vector<16xf32> to vector<16xf32>
    %broadcast_in_dim3A = arith.constant 0.000000e+00 : f32
    %broadcast_in_dim3A_27 = vector.broadcast %broadcast_in_dim3A : f32 to vector<16xf32>
    %iota3A = tpu.iota {dimensions = array<i32: 0>} : vector<16xi32>
    %xor3A = arith.constant 8 : i32
    %xor3A_28 = vector.broadcast %xor3A : i32 to vector<16xi32>
    %xor3A_29 = arith.xori %iota3A, %xor3A_28 : vector<16xi32>
    %broadcast_in_dim3A_30 = vector.shape_cast %xor3A_29 : vector<16xi32> to vector<16x1xi32>
    %xor3A_31 = arith.constant 4 : i32
    %xor3A_32 = vector.broadcast %xor3A_31 : i32 to vector<16xi32>
    %xor3A_33 = arith.xori %iota3A, %xor3A_32 : vector<16xi32>
    %broadcast_in_dim3A_34 = vector.shape_cast %xor3A_33 : vector<16xi32> to vector<16x1xi32>
    %xor3A_35 = arith.constant 2 : i32
    %xor3A_36 = vector.broadcast %xor3A_35 : i32 to vector<16xi32>
    %xor3A_37 = arith.xori %iota3A, %xor3A_36 : vector<16xi32>
    %broadcast_in_dim3A_38 = vector.shape_cast %xor3A_37 : vector<16xi32> to vector<16x1xi32>
    %xor3A_39 = arith.constant 1 : i32
    %xor3A_40 = vector.broadcast %xor3A_39 : i32 to vector<16xi32>
    %xor3A_41 = arith.xori %iota3A, %xor3A_40 : vector<16xi32>
    %broadcast_in_dim3A_42 = vector.shape_cast %xor3A_41 : vector<16xi32> to vector<16x1xi32>
    %scan3A = arith.constant 0 : i32
    %scan3A_43 = arith.constant 0 : i32
    %scan3A_44 = arith.constant 157 : i32
    %scan3A_45 = arith.addi %scan3A_43, %scan3A_44 : i32
    %scan3A_46 = arith.constant 1 : i32
    scf.for %scan3A_48 = %scan3A_43 to %scan3A_45 step %scan3A_46  : i32 {
      "tpu.region"() ({
        %run_scoped3A = tpu.sem_alloc : memref<!tpu.dma_semaphore, #tpu.memory_space<semaphore_mem>>
        %dma_start3A_59 = arith.constant 0 : i32
        %dma_start3A_60 = tpu.memref_slice %arg2[%add3A, %scan3A_48, %dma_start3A_59] : memref<32x157x192xi32, #tpu.memory_space<hbm>> -> memref<1x1x128xi32, #tpu.memory_space<hbm>>
        %dma_start3A_61 = tpu.memref_squeeze %dma_start3A_60 : memref<1x1x128xi32, #tpu.memory_space<hbm>> -> memref<128xi32, #tpu.memory_space<hbm>>
        %dma_start3A_62 = arith.constant 0 : i32
        %dma_start3A_63 = tpu.memref_slice %arg2[%add3A, %scan3A_48, %dma_start3A_62] : memref<32x157x192xi32, #tpu.memory_space<hbm>> -> memref<1x1x128xi32, #tpu.memory_space<hbm>>
        %dma_start3A_64 = tpu.memref_squeeze %dma_start3A_63 : memref<1x1x128xi32, #tpu.memory_space<hbm>> -> memref<128xi32, #tpu.memory_space<hbm>>
        tpu.enqueue_dma source(%dma_start3A_64 : memref<128xi32, #tpu.memory_space<hbm>>) target(%arg7 : memref<128xi32, #tpu.memory_space<vmem>>) target_semaphore(%run_scoped3A : memref<!tpu.dma_semaphore, #tpu.memory_space<semaphore_mem>>)
        %dma_wait3A_65 = arith.constant 0 : i32
        %dma_wait3A_66 = tpu.memref_slice %arg2[%add3A, %scan3A_48, %dma_wait3A_65] : memref<32x157x192xi32, #tpu.memory_space<hbm>> -> memref<1x1x128xi32, #tpu.memory_space<hbm>>
        %dma_wait3A_67 = tpu.memref_squeeze %dma_wait3A_66 : memref<1x1x128xi32, #tpu.memory_space<hbm>> -> memref<128xi32, #tpu.memory_space<hbm>>
        %dma_wait3A_68 = arith.constant 0 : i32
        %dma_wait3A_69 = tpu.memref_slice %arg2[%add3A, %scan3A_48, %dma_wait3A_68] : memref<32x157x192xi32, #tpu.memory_space<hbm>> -> memref<1x1x128xi32, #tpu.memory_space<hbm>>
        %dma_wait3A_70 = tpu.memref_squeeze %dma_wait3A_69 : memref<1x1x128xi32, #tpu.memory_space<hbm>> -> memref<128xi32, #tpu.memory_space<hbm>>
        tpu.wait_dma2 semaphore(%run_scoped3A : memref<!tpu.dma_semaphore, #tpu.memory_space<semaphore_mem>>) src(%dma_wait3A_70 : memref<128xi32, #tpu.memory_space<hbm>>) dst(%arg7 : memref<128xi32, #tpu.memory_space<vmem>>)
        tpu.yield
      }) : () -> ()
      %dma_start3A = arith.constant 0 : i32
      %dma_start3A_49 = arith.constant 0 : i32
      %dma_start3A_50 = tpu.memref_slice %arg3[%dma_start3A, %dma_start3A_49] : memref<30000x128xf32, #tpu.memory_space<hbm>> -> memref<30000x128xf32, #tpu.memory_space<hbm>>
      tpu.enqueue_indirect_dma source(%dma_start3A_50 : memref<30000x128xf32, #tpu.memory_space<hbm>>) target(%arg8 : memref<128x128xf32, #tpu.memory_space<vmem>>) offsets(%arg7 : memref<128xi32, #tpu.memory_space<vmem>>) semaphore(%arg12 : memref<!tpu.dma_semaphore, #tpu.memory_space<semaphore_mem>>)
      %dma_wait3A = arith.constant 0 : i32
      %dma_wait3A_51 = arith.constant 0 : i32
      %dma_wait3A_52 = tpu.memref_slice %arg3[%dma_wait3A, %dma_wait3A_51] : memref<30000x128xf32, #tpu.memory_space<hbm>> -> memref<30000x128xf32, #tpu.memory_space<hbm>>
      tpu.wait_indirect_dma semaphore(%arg12 : memref<!tpu.dma_semaphore, #tpu.memory_space<semaphore_mem>>) src(%dma_wait3A_52 : memref<30000x128xf32, #tpu.memory_space<hbm>>) dst(%arg8 : memref<128x128xf32, #tpu.memory_space<vmem>>)
      %scan3A_53 = arith.constant 0 : i32
      %scan3A_54 = arith.constant 64 : i32
      %scan3A_55 = arith.addi %scan3A_53, %scan3A_54 : i32
      %scan3A_56 = arith.constant 1 : i32
      %scan3A_57 = scf.for %scan3A_59 = %scan3A_53 to %scan3A_55 step %scan3A_56 iter_args(%scan3A_60 = %broadcast_in_dim3A_27) -> (vector<16xf32>)  : i32 {
        %get3A_61 = arith.index_cast %scan3A_59 : i32 to index
        %get3A_62 = arith.constant 0 : index
        %get3A_63 = tpu.vector_load %arg8[%get3A_61, %get3A_62] {strides = array<i32>} : memref<128x128xf32, #tpu.memory_space<vmem>>, vector<1x16xf32>,
        %get3A_64 = vector.shape_cast %get3A_63 : vector<1x16xf32> to vector<16xf32>
        %add3A_65 = arith.constant 64 : i32
        %add3A_66 = arith.addi %add3A_65, %scan3A_59 : i32
        %get3A_67 = arith.index_cast %add3A_66 : i32 to index
        %get3A_68 = arith.constant 0 : index
        %get3A_69 = tpu.vector_load %arg8[%get3A_67, %get3A_68] {strides = array<i32>} : memref<128x128xf32, #tpu.memory_space<vmem>>, vector<1x16xf32>,
        %get3A_70 = vector.shape_cast %get3A_69 : vector<1x16xf32> to vector<16xf32>
        %add3A_71 = arith.addf %get3A_64, %get3A_70 : vector<16xf32>
        %max3A = arith.constant 0.000000e+00 : f32
        %max3A_72 = vector.broadcast %max3A : f32 to vector<16xf32>
        %max3A_73 = arith.maximumf %add3A_71, %max3A_72 : vector<16xf32>
        %mul3A_74 = arith.mulf %max3A_73, %get3A_2 : vector<16xf32>
        %add3A_75 = arith.addf %broadcast_in_dim3A_27, %mul3A_74 : vector<16xf32>
        %get3A_76 = arith.index_cast %scan3A_59 : i32 to index
        %get3A_77 = arith.constant 16 : index
        %get3A_78 = tpu.vector_load %arg8[%get3A_76, %get3A_77] {strides = array<i32>} : memref<128x128xf32, #tpu.memory_space<vmem>>, vector<1x16xf32>,
        %get3A_79 = vector.shape_cast %get3A_78 : vector<1x16xf32> to vector<16xf32>
        %add3A_80 = arith.constant 64 : i32
        %add3A_81 = arith.addi %add3A_80, %scan3A_59 : i32
        %get3A_82 = arith.index_cast %add3A_81 : i32 to index
        %get3A_83 = arith.constant 16 : index
        %get3A_84 = tpu.vector_load %arg8[%get3A_82, %get3A_83] {strides = array<i32>} : memref<128x128xf32, #tpu.memory_space<vmem>>, vector<1x16xf32>,
        %get3A_85 = vector.shape_cast %get3A_84 : vector<1x16xf32> to vector<16xf32>
        %add3A_86 = arith.addf %get3A_79, %get3A_85 : vector<16xf32>
        %max3A_87 = arith.constant 0.000000e+00 : f32
        %max3A_88 = vector.broadcast %max3A_87 : f32 to vector<16xf32>
        %max3A_89 = arith.maximumf %add3A_86, %max3A_88 : vector<16xf32>
        %mul3A_90 = arith.mulf %max3A_89, %get3A_5 : vector<16xf32>
        %add3A_91 = arith.addf %add3A_75, %mul3A_90 : vector<16xf32>
        %get3A_92 = arith.index_cast %scan3A_59 : i32 to index
        %get3A_93 = arith.constant 32 : index
        %get3A_94 = tpu.vector_load %arg8[%get3A_92, %get3A_93] {strides = array<i32>} : memref<128x128xf32, #tpu.memory_space<vmem>>, vector<1x16xf32>,
        %get3A_95 = vector.shape_cast %get3A_94 : vector<1x16xf32> to vector<16xf32>
        %add3A_96 = arith.constant 64 : i32
        %add3A_97 = arith.addi %add3A_96, %scan3A_59 : i32
        %get3A_98 = arith.index_cast %add3A_97 : i32 to index
        %get3A_99 = arith.constant 32 : index
        %get3A_100 = tpu.vector_load %arg8[%get3A_98, %get3A_99] {strides = array<i32>} : memref<128x128xf32, #tpu.memory_space<vmem>>, vector<1x16xf32>,
        %get3A_101 = vector.shape_cast %get3A_100 : vector<1x16xf32> to vector<16xf32>
        %add3A_102 = arith.addf %get3A_95, %get3A_101 : vector<16xf32>
        %max3A_103 = arith.constant 0.000000e+00 : f32
        %max3A_104 = vector.broadcast %max3A_103 : f32 to vector<16xf32>
        %max3A_105 = arith.maximumf %add3A_102, %max3A_104 : vector<16xf32>
        %mul3A_106 = arith.mulf %max3A_105, %get3A_8 : vector<16xf32>
        %add3A_107 = arith.addf %add3A_91, %mul3A_106 : vector<16xf32>
        %get3A_108 = arith.index_cast %scan3A_59 : i32 to index
        %get3A_109 = arith.constant 48 : index
        %get3A_110 = tpu.vector_load %arg8[%get3A_108, %get3A_109] {strides = array<i32>} : memref<128x128xf32, #tpu.memory_space<vmem>>, vector<1x16xf32>,
        %get3A_111 = vector.shape_cast %get3A_110 : vector<1x16xf32> to vector<16xf32>
        %add3A_112 = arith.constant 64 : i32
        %add3A_113 = arith.addi %add3A_112, %scan3A_59 : i32
        %get3A_114 = arith.index_cast %add3A_113 : i32 to index
        %get3A_115 = arith.constant 48 : index
        %get3A_116 = tpu.vector_load %arg8[%get3A_114, %get3A_115] {strides = array<i32>} : memref<128x128xf32, #tpu.memory_space<vmem>>, vector<1x16xf32>,
        %get3A_117 = vector.shape_cast %get3A_116 : vector<1x16xf32> to vector<16xf32>
        %add3A_118 = arith.addf %get3A_111, %get3A_117 : vector<16xf32>
        %max3A_119 = arith.constant 0.000000e+00 : f32
        %max3A_120 = vector.broadcast %max3A_119 : f32 to vector<16xf32>
        %max3A_121 = arith.maximumf %add3A_118, %max3A_120 : vector<16xf32>
        %mul3A_122 = arith.mulf %max3A_121, %get3A_11 : vector<16xf32>
        %add3A_123 = arith.addf %add3A_107, %mul3A_122 : vector<16xf32>
        %get3A_124 = arith.index_cast %scan3A_59 : i32 to index
        %get3A_125 = arith.constant 64 : index
        %get3A_126 = tpu.vector_load %arg8[%get3A_124, %get3A_125] {strides = array<i32>} : memref<128x128xf32, #tpu.memory_space<vmem>>, vector<1x16xf32>,
        %get3A_127 = vector.shape_cast %get3A_126 : vector<1x16xf32> to vector<16xf32>
        %add3A_128 = arith.constant 64 : i32
        %add3A_129 = arith.addi %add3A_128, %scan3A_59 : i32
        %get3A_130 = arith.index_cast %add3A_129 : i32 to index
        %get3A_131 = arith.constant 64 : index
        %get3A_132 = tpu.vector_load %arg8[%get3A_130, %get3A_131] {strides = array<i32>} : memref<128x128xf32, #tpu.memory_space<vmem>>, vector<1x16xf32>,
        %get3A_133 = vector.shape_cast %get3A_132 : vector<1x16xf32> to vector<16xf32>
        %add3A_134 = arith.addf %get3A_127, %get3A_133 : vector<16xf32>
        %max3A_135 = arith.constant 0.000000e+00 : f32
        %max3A_136 = vector.broadcast %max3A_135 : f32 to vector<16xf32>
        %max3A_137 = arith.maximumf %add3A_134, %max3A_136 : vector<16xf32>
        %mul3A_138 = arith.mulf %max3A_137, %get3A_14 : vector<16xf32>
        %add3A_139 = arith.addf %add3A_123, %mul3A_138 : vector<16xf32>
        %get3A_140 = arith.index_cast %scan3A_59 : i32 to index
        %get3A_141 = arith.constant 80 : index
        %get3A_142 = tpu.vector_load %arg8[%get3A_140, %get3A_141] {strides = array<i32>} : memref<128x128xf32, #tpu.memory_space<vmem>>, vector<1x16xf32>,
        %get3A_143 = vector.shape_cast %get3A_142 : vector<1x16xf32> to vector<16xf32>
        %add3A_144 = arith.constant 64 : i32
        %add3A_145 = arith.addi %add3A_144, %scan3A_59 : i32
        %get3A_146 = arith.index_cast %add3A_145 : i32 to index
        %get3A_147 = arith.constant 80 : index
        %get3A_148 = tpu.vector_load %arg8[%get3A_146, %get3A_147] {strides = array<i32>} : memref<128x128xf32, #tpu.memory_space<vmem>>, vector<1x16xf32>,
        %get3A_149 = vector.shape_cast %get3A_148 : vector<1x16xf32> to vector<16xf32>
        %add3A_150 = arith.addf %get3A_143, %get3A_149 : vector<16xf32>
        %max3A_151 = arith.constant 0.000000e+00 : f32
        %max3A_152 = vector.broadcast %max3A_151 : f32 to vector<16xf32>
        %max3A_153 = arith.maximumf %add3A_150, %max3A_152 : vector<16xf32>
        %mul3A_154 = arith.mulf %max3A_153, %get3A_17 : vector<16xf32>
        %add3A_155 = arith.addf %add3A_139, %mul3A_154 : vector<16xf32>
        %get3A_156 = arith.index_cast %scan3A_59 : i32 to index
        %get3A_157 = arith.constant 96 : index
        %get3A_158 = tpu.vector_load %arg8[%get3A_156, %get3A_157] {strides = array<i32>} : memref<128x128xf32, #tpu.memory_space<vmem>>, vector<1x16xf32>,
        %get3A_159 = vector.shape_cast %get3A_158 : vector<1x16xf32> to vector<16xf32>
        %add3A_160 = arith.constant 64 : i32
        %add3A_161 = arith.addi %add3A_160, %scan3A_59 : i32
        %get3A_162 = arith.index_cast %add3A_161 : i32 to index
        %get3A_163 = arith.constant 96 : index
        %get3A_164 = tpu.vector_load %arg8[%get3A_162, %get3A_163] {strides = array<i32>} : memref<128x128xf32, #tpu.memory_space<vmem>>, vector<1x16xf32>,
        %get3A_165 = vector.shape_cast %get3A_164 : vector<1x16xf32> to vector<16xf32>
        %add3A_166 = arith.addf %get3A_159, %get3A_165 : vector<16xf32>
        %max3A_167 = arith.constant 0.000000e+00 : f32
        %max3A_168 = vector.broadcast %max3A_167 : f32 to vector<16xf32>
        %max3A_169 = arith.maximumf %add3A_166, %max3A_168 : vector<16xf32>
        %mul3A_170 = arith.mulf %max3A_169, %get3A_20 : vector<16xf32>
        %add3A_171 = arith.addf %add3A_155, %mul3A_170 : vector<16xf32>
        %get3A_172 = arith.index_cast %scan3A_59 : i32 to index
        %get3A_173 = arith.constant 112 : index
        %get3A_174 = tpu.vector_load %arg8[%get3A_172, %get3A_173] {strides = array<i32>} : memref<128x128xf32, #tpu.memory_space<vmem>>, vector<1x16xf32>,
        %get3A_175 = vector.shape_cast %get3A_174 : vector<1x16xf32> to vector<16xf32>
        %add3A_176 = arith.constant 64 : i32
        %add3A_177 = arith.addi %add3A_176, %scan3A_59 : i32
        %get3A_178 = arith.index_cast %add3A_177 : i32 to index
        %get3A_179 = arith.constant 112 : index
        %get3A_180 = tpu.vector_load %arg8[%get3A_178, %get3A_179] {strides = array<i32>} : memref<128x128xf32, #tpu.memory_space<vmem>>, vector<1x16xf32>,
        %get3A_181 = vector.shape_cast %get3A_180 : vector<1x16xf32> to vector<16xf32>
        %add3A_182 = arith.addf %get3A_175, %get3A_181 : vector<16xf32>
        %max3A_183 = arith.constant 0.000000e+00 : f32
        %max3A_184 = vector.broadcast %max3A_183 : f32 to vector<16xf32>
        %max3A_185 = arith.maximumf %add3A_182, %max3A_184 : vector<16xf32>
        %mul3A_186 = arith.mulf %max3A_185, %get3A_23 : vector<16xf32>
        %add3A_187 = arith.addf %add3A_171, %mul3A_186 : vector<16xf32>
        %gather3A = vector.shape_cast %broadcast_in_dim3A_30 : vector<16x1xi32> to vector<16xi32>
        %gather3A_188 = tpu.dynamic_gather %add3A_187[%gather3A] in [0] : vector<16xf32>, vector<16xi32> -> vector<16xf32>
        %add3A_189 = arith.addf %add3A_187, %gather3A_188 : vector<16xf32>
        %gather3A_190 = vector.shape_cast %broadcast_in_dim3A_34 : vector<16x1xi32> to vector<16xi32>
        %gather3A_191 = tpu.dynamic_gather %add3A_189[%gather3A_190] in [0] : vector<16xf32>, vector<16xi32> -> vector<16xf32>
        %add3A_192 = arith.addf %add3A_189, %gather3A_191 : vector<16xf32>
        %gather3A_193 = vector.shape_cast %broadcast_in_dim3A_38 : vector<16x1xi32> to vector<16xi32>
        %gather3A_194 = tpu.dynamic_gather %add3A_192[%gather3A_193] in [0] : vector<16xf32>, vector<16xi32> -> vector<16xf32>
        %add3A_195 = arith.addf %add3A_192, %gather3A_194 : vector<16xf32>
        %gather3A_196 = vector.shape_cast %broadcast_in_dim3A_42 : vector<16x1xi32> to vector<16xi32>
        %gather3A_197 = tpu.dynamic_gather %add3A_195[%gather3A_196] in [0] : vector<16xf32>, vector<16xi32> -> vector<16xf32>
        %add3A_198 = arith.addf %add3A_195, %gather3A_197 : vector<16xf32>
        %add3A_199 = arith.addf %add3A_198, %get3A_26 : vector<16xf32>
        %neg3A = arith.constant 0.000000e+00 : f32
        %neg3A_200 = vector.broadcast %neg3A : f32 to vector<16xf32>
        %neg3A_201 = arith.subf %neg3A_200, %add3A_199 : vector<16xf32>
        %exp3A = math.exp %neg3A_201 : vector<16xf32>
        %add3A_202 = arith.constant 1.000000e+00 : f32
        %add3A_203 = vector.broadcast %add3A_202 : f32 to vector<16xf32>
        %add3A_204 = arith.addf %add3A_203, %exp3A : vector<16xf32>
        %div3A = arith.constant 1.000000e+00 : f32
        %div3A_205 = vector.broadcast %div3A : f32 to vector<16xf32>
        %div3A_206 = arith.divf %div3A_205, %add3A_204 : vector<16xf32>
        %and3A = arith.constant 15 : i32
        %and3A_207 = arith.andi %scan3A_59, %and3A : i32
        %eq3A = vector.broadcast %and3A_207 : i32 to vector<16xi32>
        %eq3A_208 = arith.cmpi eq, %iota3A, %eq3A : vector<16xi32>
        %select_n3A = arith.select %eq3A_208, %div3A_206, %scan3A_60 : vector<16xi1>, vector<16xf32>
        %eq3A_209 = arith.constant 15 : i32
        %eq3A_210 = arith.cmpi eq, %and3A_207, %eq3A_209 : i32
        %convert_element_type3A = arith.extui %eq3A_210 : i1 to i32
        %cond3A = arith.constant 0 : i32
        %cond3A_211 = arith.cmpi ne, %convert_element_type3A, %cond3A : i32
        scf.if %cond3A_211 {
          %mul3A_212 = arith.constant 64 : i32
          %mul3A_213 = arith.muli %scan3A_48, %mul3A_212 : i32
          %add3A_214 = arith.addi %mul3A_213, %scan3A_59 : i32
          %sub3A = arith.constant 15 : i32
          %sub3A_215 = arith.subi %add3A_214, %sub3A : i32
          %swap3A = arith.index_cast %sub3A_215 : i32 to index
          %swap3A_216 = tpu.vector_load %arg9[%swap3A] {strides = array<i32>} : memref<10048xf32, #tpu.memory_space<vmem>>, vector<16xf32>,
          %swap3A_217 = vector.shape_cast %swap3A_216 : vector<16xf32> to vector<16xf32>
          %swap3A_218 = vector.shape_cast %select_n3A : vector<16xf32> to vector<16xf32>
          tpu.vector_store %arg9[%swap3A], %swap3A_218 {strides = array<i32>} : memref<10048xf32, #tpu.memory_space<vmem>>, vector<16xf32>,
        } else {
        }
        scf.yield %select_n3A : vector<16xf32>
      }
      %scan3A_58 = arith.constant 64 : i32
    }
    %scan3A_47 = arith.constant 157 : i32
    "tpu.region"() ({
      %run_scoped3A = tpu.sem_alloc : memref<!tpu.dma_semaphore, #tpu.memory_space<semaphore_mem>>
      %dma_start3A = arith.constant 0 : i32
      %dma_start3A_48 = tpu.memref_slice %arg6[%add3A, %dma_start3A] : memref<32x10048xf32, #tpu.memory_space<hbm>> -> memref<1x10048xf32, #tpu.memory_space<hbm>>
      %dma_start3A_49 = tpu.memref_squeeze %dma_start3A_48 : memref<1x10048xf32, #tpu.memory_space<hbm>> -> memref<10048xf32, #tpu.memory_space<hbm>>
      %dma_start3A_50 = arith.constant 0 : i32
      %dma_start3A_51 = tpu.memref_slice %arg6[%add3A, %dma_start3A_50] : memref<32x10048xf32, #tpu.memory_space<hbm>> -> memref<1x10048xf32, #tpu.memory_space<hbm>>
      %dma_start3A_52 = tpu.memref_squeeze %dma_start3A_51 : memref<1x10048xf32, #tpu.memory_space<hbm>> -> memref<10048xf32, #tpu.memory_space<hbm>>
      tpu.enqueue_dma source(%arg9 : memref<10048xf32, #tpu.memory_space<vmem>>) target(%dma_start3A_52 : memref<10048xf32, #tpu.memory_space<hbm>>) target_semaphore(%run_scoped3A : memref<!tpu.dma_semaphore, #tpu.memory_space<semaphore_mem>>)
      %dma_wait3A = arith.constant 0 : i32
      %dma_wait3A_53 = tpu.memref_slice %arg6[%add3A, %dma_wait3A] : memref<32x10048xf32, #tpu.memory_space<hbm>> -> memref<1x10048xf32, #tpu.memory_space<hbm>>
      %dma_wait3A_54 = tpu.memref_squeeze %dma_wait3A_53 : memref<1x10048xf32, #tpu.memory_space<hbm>> -> memref<10048xf32, #tpu.memory_space<hbm>>
      %dma_wait3A_55 = arith.constant 0 : i32
      %dma_wait3A_56 = tpu.memref_slice %arg6[%add3A, %dma_wait3A_55] : memref<32x10048xf32, #tpu.memory_space<hbm>> -> memref<1x10048xf32, #tpu.memory_space<hbm>>
      %dma_wait3A_57 = tpu.memref_squeeze %dma_wait3A_56 : memref<1x10048xf32, #tpu.memory_space<hbm>> -> memref<10048xf32, #tpu.memory_space<hbm>>
      tpu.wait_dma2 semaphore(%run_scoped3A : memref<!tpu.dma_semaphore, #tpu.memory_space<semaphore_mem>>) src(%arg9 : memref<10048xf32, #tpu.memory_space<vmem>>) dst(%dma_wait3A_57 : memref<10048xf32, #tpu.memory_space<hbm>>)
      tpu.yield
    }) : () -> ()
    return
  }
}

module attributes {stable_mosaic.version = 14 : i64} {
  func.func @_pre_body(%arg0: i32, %arg1: memref<1000x128xf32, #tpu.memory_space<vmem>>, %arg2: memref<256x128xf32, #tpu.memory_space<vmem>>, %arg3: memref<1x128xf32, #tpu.memory_space<vmem>>, %arg4: memref<3x1000x128xf32, #tpu.memory_space<vmem>>) attributes {dimension_semantics = [#tpu.dimension_semantics<arbitrary>], iteration_bounds = array<i64: 10>, scalar_prefetch = 0 : i64, scratch_operands = 0 : i64, tpu.core_type = #tpu.core_type<tc>, window_params = [{transform_indices = @transform_0, window_bounds = array<i64: 1000, 128>}, {pipeline_mode = #tpu.pipeline_mode<synchronous>, transform_indices = @transform_1, window_bounds = array<i64: 256, 128>}, {pipeline_mode = #tpu.pipeline_mode<synchronous>, transform_indices = @transform_2, window_bounds = array<i64: 1, 128>}, {transform_indices = @transform_3, window_bounds = array<i64: 3, 1000, 128>}]} {
    %get3A = arith.constant 0 : index
    %get3A_0 = arith.constant 0 : index
    %get3A_1 = vector.load %arg1[%get3A, %get3A_0] : memref<1000x128xf32, #tpu.memory_space<vmem>>, vector<1000x128xf32>
    %get3A_2 = arith.constant 0 : index
    %get3A_3 = arith.constant 0 : index
    %get3A_4 = vector.load %arg2[%get3A_2, %get3A_3] : memref<256x128xf32, #tpu.memory_space<vmem>>, vector<128x128xf32>
    %dot_general3A = arith.constant dense<0.000000e+00> : vector<1000x128xf32>
    %dot_general3A_5 = tpu.matmul %get3A_1, %get3A_4, %dot_general3A {dimension_numbers = #tpu.dot_dimension_numbers<[1], [0], [0], [1], [0, 0, 1, 1], [], []>, transpose_lhs_hint = false} : vector<1000x128xf32>, vector<128x128xf32>, vector<1000x128xf32> -> vector<1000x128xf32>
    %get3A_6 = arith.constant 0 : index
    %get3A_7 = arith.constant 0 : index
    %get3A_8 = vector.load %arg3[%get3A_6, %get3A_7] : memref<1x128xf32, #tpu.memory_space<vmem>>, vector<1x128xf32>
    %add3A = vector.broadcast %get3A_8 : vector<1x128xf32> to vector<1000x128xf32>
    %add3A_9 = arith.addf %dot_general3A_5, %add3A : vector<1000x128xf32>
    %swap3A = arith.constant 0 : index
    %swap3A_10 = arith.constant 0 : index
    %swap3A_11 = arith.constant 0 : index
    %swap3A_12 = vector.load %arg4[%swap3A, %swap3A_10, %swap3A_11] : memref<3x1000x128xf32, #tpu.memory_space<vmem>>, vector<1x1000x128xf32>
    %swap3A_13 = vector.shape_cast %swap3A_12 : vector<1x1000x128xf32> to vector<1000x128xf32>
    %swap3A_14 = vector.shape_cast %add3A_9 : vector<1000x128xf32> to vector<1x1000x128xf32>
    tpu.vector_store %arg4[%swap3A, %swap3A_10, %swap3A_11], %swap3A_14 {strides = array<i32>} : memref<3x1000x128xf32, #tpu.memory_space<vmem>>, vector<1x1000x128xf32>,
    %get3A_15 = arith.constant 128 : index
    %get3A_16 = arith.constant 0 : index
    %get3A_17 = vector.load %arg2[%get3A_15, %get3A_16] : memref<256x128xf32, #tpu.memory_space<vmem>>, vector<128x128xf32>
    %dot_general3A_18 = arith.constant dense<0.000000e+00> : vector<1000x128xf32>
    %dot_general3A_19 = tpu.matmul %get3A_1, %get3A_17, %dot_general3A_18 {dimension_numbers = #tpu.dot_dimension_numbers<[1], [0], [0], [1], [0, 0, 1, 1], [], []>, transpose_lhs_hint = false} : vector<1000x128xf32>, vector<128x128xf32>, vector<1000x128xf32> -> vector<1000x128xf32>
    %swap3A_20 = arith.constant 1 : index
    %swap3A_21 = arith.constant 0 : index
    %swap3A_22 = arith.constant 0 : index
    %swap3A_23 = vector.load %arg4[%swap3A_20, %swap3A_21, %swap3A_22] : memref<3x1000x128xf32, #tpu.memory_space<vmem>>, vector<1x1000x128xf32>
    %swap3A_24 = vector.shape_cast %swap3A_23 : vector<1x1000x128xf32> to vector<1000x128xf32>
    %swap3A_25 = vector.shape_cast %dot_general3A_19 : vector<1000x128xf32> to vector<1x1000x128xf32>
    tpu.vector_store %arg4[%swap3A_20, %swap3A_21, %swap3A_22], %swap3A_25 {strides = array<i32>} : memref<3x1000x128xf32, #tpu.memory_space<vmem>>, vector<1x1000x128xf32>,
    %swap3A_26 = arith.constant 2 : index
    %swap3A_27 = arith.constant 0 : index
    %swap3A_28 = arith.constant 0 : index
    %swap3A_29 = vector.load %arg4[%swap3A_26, %swap3A_27, %swap3A_28] : memref<3x1000x128xf32, #tpu.memory_space<vmem>>, vector<1x1000x128xf32>
    %swap3A_30 = vector.shape_cast %swap3A_29 : vector<1x1000x128xf32> to vector<1000x128xf32>
    %swap3A_31 = vector.shape_cast %get3A_1 : vector<1000x128xf32> to vector<1x1000x128xf32>
    tpu.vector_store %arg4[%swap3A_26, %swap3A_27, %swap3A_28], %swap3A_31 {strides = array<i32>} : memref<3x1000x128xf32, #tpu.memory_space<vmem>>, vector<1x1000x128xf32>,
    return
  }
  func.func @transform_0(%arg0: i32) -> (i32, i32) {
    %c0_i32 = arith.constant 0 : i32
    %c0_i32_0 = arith.constant 0 : i32
    return %arg0, %c0_i32 : i32, i32
  }
  func.func @transform_1(%arg0: i32) -> (i32, i32) {
    %c0_i32 = arith.constant 0 : i32
    %c0_i32_0 = arith.constant 0 : i32
    %c0_i32_1 = arith.constant 0 : i32
    return %c0_i32, %c0_i32_0 : i32, i32
  }
  func.func @transform_2(%arg0: i32) -> (i32, i32) {
    %c0_i32 = arith.constant 0 : i32
    %c0_i32_0 = arith.constant 0 : i32
    %c0_i32_1 = arith.constant 0 : i32
    return %c0_i32, %c0_i32_0 : i32, i32
  }
  func.func @transform_3(%arg0: i32) -> (i32, i32, i32) {
    %c0_i32 = arith.constant 0 : i32
    %c0_i32_0 = arith.constant 0 : i32
    %c0_i32_1 = arith.constant 0 : i32
    return %c0_i32, %arg0, %c0_i32_0 : i32, i32, i32
  }
}

</mosaic_0001>

<sc_bundles>
// kernel: kernel.4.cloned.1.call-start
scs
__scs_entry_jumppad:
0x0: {  	(pc) =	sbr.rel $0x88, $3  }
0x1: {  	(tag) =	ssettag $0x0;
	lr =	simm.s32 $0x1  }
0x2: {  	[smem:$0x3F99] =	sst lr;
	_ =	strace $0xD0000000  }
0x3: {  	_ = 	snop  }
0x4: {  	_ = 	snop  }
0x5: {  	_ = 	snop  }
0x6: {  	_ = 	snop  }
0x7: {  	_ = 	snop  }
__scs_overlays_trampoline_lowered:
0x8: {  	[smem:$0x3FA8] =	sst s0  }
0x9: {  	[smem:$0x3FA9] =	sst s1  }
0xa: {  	[smem:$0x3FAA] =	sst s2  }
0xb: {  	[smem:$0x3FAB] =	sst s3  }
0xc: {  	[smem:$0x3FAC] =	sst s4  }
0xd: {  	[smem:$0x3FAD] =	sst s5  }
0xe: {  	[smem:$0x3FAE] =	sst s6  }
0xf: {  	[smem:$0x3FAF] =	sst s7  }
0x10: {  	[smem:$0x3FB0] =	sst s8  }
0x11: {  	[smem:$0x3FB1] =	sst s9;
	s0 =	simm.s32 @!p0 $0x0  }
0x12: {  	s1 =	sld [smem:$0x3F97];
	s0 =	simm.s32 @p0 $0x1  }
0x13: {  	[smem:$0x3FB2] =	sst s0;
	s0 =	simm.s32 @!p1 $0x0  }
0x14: {  	s2 =	sld [smem:$0x3F96];
	s0 =	simm.s32 @p1 $0x1  }
0x15: {  	[smem:$0x3FB3] =	sst s0;
	s0 =	simm.s32 @!p2 $0x0  }
0x16: {  	s3 =	sld [smem:$0x3FDB];
	s0 =	simm.s32 @p2 $0x1  }
0x17: {  	s4 =	simm.s32 $0x1BF5;
	[smem:$0x3FB5] =	sst s0  }
0x18: {  	s0 =	sld [smem:$0x3F98];
	_ =	swait.ge [sflag:s4], $0x0  }
0x19: {  	s7 =	sld [smem:$0x3F99]  }
0x1a: {  	s8 =	sadd.s32 $0xFFFFE003, lr  }
0x1b: {  	s9 =	sadd.s32 $0xFFFFFEF7, lr;
	s5 =	simm.s32 $0xFFFFFFFF;
	p2 =	slt.u32 s8, $0xFFFFF086  }
0x1c: {  	p1 =	slt.u32 s9, $0xF7A;
	s5 =	simm.s32 @!p2 $0x0  }
0x1d: {  	s5 =	simm.s32 @p1 $0x1;
	p0 =	seq.s32 s7, s2  }
0x1e: {  	s7 =	smul.u32 @!p0 $0xF7A, s2;
	p2 =	seq.s32 @!p0 s5, $0x0  }
0x1f: {  	s9 =	smul.u32 $0xF7A, s1;
	s8 =	simm.s32 @!p0 $0x1BF5;
	p2 =	por !p2, p0  }
0x20: {  	[sflag:s8] =	ssyncset.s32 @!p0 $0xFFFFF086;
	s6 =	sadd.s32 @!p0 s3, s7;
	s7 =	simm.s32 @!p0 $0x108  }
0x21: {  	s3 =	sadd.s32 s3, s9;
	s6 =	sadd.s32 @!p0 $0x88, s6;
	s7 =	simm.s32 @p2 $0x1082  }
0x22: {  	[simem:s7], [sflag:s8] =	dma.local @!p0 [hbm:s6], $0xF7A  }
0x23: {  	s9 =	sor.u32 $0xD0000000, s2;
	s6 =	simm.s32 $0x108;
	_ =	swait.ge @!p0 [sflag:s8], $0x0  }
0x24: {  	s3 =	sadd.s32 $0x88, s3;
	s6 =	simm.s32 @!p1 $0x1082;
	[sflag:s4] =	ssyncset.s32 $0xFFFFF086  }
0x25: {  	[simem:s6], [sflag:s4] =	dma.local [hbm:s3], $0xF7A  }
0x26: {  	[smem:$0x3F99] =	sst s1;
	(tag) =	ssettag s2;
	_ =	strace s9  }
0x27: {  	s1 =	sld [smem:$0x3FA9]  }
0x28: {  	s2 =	sld [smem:$0x3FAA]  }
0x29: {  	s4 =	sld [smem:$0x3FAC]  }
0x2a: {  	p0 =	seq.s32 s5, $0x0;
	s5 =	sld [smem:$0x3FAD]  }
0x2b: {  	s6 =	sld [smem:$0x3FAE]  }
0x2c: {  	s7 =	sld [smem:$0x3FAF]  }
0x2d: {  	s3 =	simm.s32 $0x108;
	s8 =	sld [smem:$0x3FB0]  }
0x2e: {  	s3 =	simm.s32 @!p0 $0x1082;
	s9 =	sld [smem:$0x3FB1]  }
0x2f: {  	lr =	sadd.s32 s0, s3;
	s0 =	sld [smem:$0x3FA8]  }
0x30: {  	s3 =	sld [smem:$0x3FAB]  }
0x31: {  	[smem:$0x3FB4] =	sst s10  }
0x32: {  	s10 =	sld [smem:$0x3FB2];
	_ =	sdelay $0x3  }
0x33: {  	p0 =	seq.s32 s10, $0x1;
	s10 =	sld [smem:$0x3FB4];
	_ =	sdelay $0x3  }
0x34: {  	[smem:$0x3FB4] =	sst s10  }
0x35: {  	s10 =	sld [smem:$0x3FB3];
	_ =	sdelay $0x3  }
0x36: {  	p1 =	seq.s32 s10, $0x1;
	s10 =	sld [smem:$0x3FB4];
	_ =	sdelay $0x3  }
0x37: {  	[smem:$0x3FB4] =	sst s10  }
0x38: {  	s10 =	sld [smem:$0x3FB5]  }
0x39: {  	_ = 	snop;
	(pc) =	sbr.ind lr, $3  }
0x3a: {  	_ = 	snop  }
0x3b: {  	_ = 	snop  }
0x3c: {  	p2 =	seq.s32 s10, $0x1;
	s10 =	sld [smem:$0x3FB4]  }
0x3d: {  	_ =	shalt  }
0x3e: {  	_ =	shalt  }
0x3f: {  	_ =	shalt  }
0x40: {  	_ =	shalt  }
0x41: {  	_ =	shalt  }
0x42: {  	_ =	shalt  }
0x43: {  	_ =	shalt  }
0x44: {  	_ =	shalt  }
0x45: {  	_ =	shalt  }
0x46: {  	_ =	shalt  }
0x47: {  	_ =	shalt  }
0x48: {  	_ =	shalt  }
0x49: {  	_ =	shalt  }
0x4a: {  	_ =	shalt  }
0x4b: {  	_ =	shalt  }
0x4c: {  	_ =	shalt  }
0x4d: {  	_ =	shalt  }
0x4e: {  	_ =	shalt  }
0x4f: {  	_ =	shalt  }
0x50: {  	_ =	shalt  }
0x51: {  	_ =	shalt  }
0x52: {  	_ =	shalt  }
0x53: {  	_ =	shalt  }
0x54: {  	_ =	shalt  }
0x55: {  	_ =	shalt  }
0x56: {  	_ =	shalt  }
0x57: {  	_ =	shalt  }
0x58: {  	_ =	shalt  }
0x59: {  	_ =	shalt  }
0x5a: {  	_ =	shalt  }
0x5b: {  	_ =	shalt  }
0x5c: {  	_ =	shalt  }
0x5d: {  	_ =	shalt  }
0x5e: {  	_ =	shalt  }
0x5f: {  	_ =	shalt  }
0x60: {  	_ =	shalt  }
0x61: {  	_ =	shalt  }
0x62: {  	_ =	shalt  }
0x63: {  	_ =	shalt  }
0x64: {  	_ =	shalt  }
0x65: {  	_ =	shalt  }
0x66: {  	_ =	shalt  }
0x67: {  	_ =	shalt  }
0x68: {  	_ =	shalt  }
0x69: {  	_ =	shalt  }
0x6a: {  	_ =	shalt  }
0x6b: {  	_ =	shalt  }
0x6c: {  	_ =	shalt  }
0x6d: {  	_ =	shalt  }
0x6e: {  	_ =	shalt  }
0x6f: {  	_ =	shalt  }
0x70: {  	_ =	shalt  }
0x71: {  	_ =	shalt  }
0x72: {  	_ =	shalt  }
0x73: {  	_ =	shalt  }
0x74: {  	_ =	shalt  }
0x75: {  	_ =	shalt  }
0x76: {  	_ =	shalt  }
0x77: {  	_ =	shalt  }
0x78: {  	_ =	shalt  }
0x79: {  	_ =	shalt  }
0x7a: {  	_ =	shalt  }
0x7b: {  	_ =	shalt  }
0x7c: {  	_ =	shalt  }
0x7d: {  	_ =	shalt  }
0x7e: {  	_ =	shalt  }
0x7f: {  	_ =	shalt  }
0x80: {  	_ =	shalt  }
0x81: {  	_ =	shalt  }
0x82: {  	_ =	shalt  }
0x83: {  	_ =	shalt  }
0x84: {  	_ =	shalt  }
0x85: {  	_ =	shalt  }
0x86: {  	_ =	shalt  }
0x87: {  	_ =	shalt  }
.Lfunc_end0:
.L_simem_size_0:
called_computation.3_lowered:
.L_overlay_start_0:
0x88: {  	s2 =	sld [smem:$0x3FD9]  }
0x89: {  	s3 =	sld [smem:$0x3FFE];
	_ =	sdelay $0x1  }
0x8a: {  	s1 =	srdreg.scid  }
0x8b: {  	s0 =	sand.u32 $0x1, s1  }
0x8c: {  	s17 =	sshll.u32 s0, $0xA;
	s2 =	sadd.s32 s3, s2  }
0x8d: {  	s2 =	sadd.s32 s2, s17  }
0x8e: {  	[smem:$0x3FC0] =	sst s2  }
0x8f: {  	_ = 	snop  }
0x90: {  	s2 =	sld [smem:$0x3FC5]  }
0x91: {  	s18 =	sld [smem:$0x3FD0];
	(tm) =	ssettm $0x1  }
0x92: {  	s4 =	sld [smem:$0x3FFB];
	_ =	sdelay $0x3  }
0x93: {  	_ =	strace s4  }
0x94: {  	s4 =	sld [smem:$0x3FFC];
	_ =	sdelay $0x3  }
0x95: {  	_ =	strace s4  }
0x96: {  	s4 =	sld [smem:$0x3FFD];
	_ =	sdelay $0x3  }
0x97: {  	_ =	strace s4  }
0x98: {  	_ =	strace $0x8FFFFFFF  }
0x99: {  	s19 =	sld [smem:$0x3FDB];
	_ =	sdelay $0x1  }
0x9a: {  	s5 =	simm.s32 $_scs_section_size  }
0x9b: {  	s6 =	simm.s32 $_size__tile_overlayer_lowered;
	s7 =	simm.s32 $_tile_overlayer_lowered  }
0x9c: {  	s22 =	simm.s32 $0x1BFF;
	s21 =	sshll.u32 s7, $0x1;
	s4 =	sadd.s32 s5, s19  }
0x9d: {  	s8 =	simm.s32 $0x0;
	s20 =	sshll.u32 s6, $0x1;
	s6 =	sadd.s32 s21, s4  }
0x9e: {  	[timem:s8], [sflag:s22] =	dma.local [hbm:s6], s20  }
0x9f: {  	_ =	swait.ge [sflag:s22], s20  }
0xa0: {  	s5 =	ssub.s32 $0x0, s20;
	[sflag:s22] =	ssyncset.done $0x0  }
0xa1: {  	[sflag:s22] =	ssyncadd.s32 s5;
	_ =	sdelay $0x1  }
0xa2: {  	s23 =	simm.s32 $0x1B8B  }
0xa3: {  	_ =	swait.ge [sflag:s23], $0x1  }
0xa4: {  	[sflag:s23] =	ssyncset.done $0x0  }
0xa5: {  	s25 =	simm.s32 $0x1B8E;
	s24 =	sld [smem:$0x3FFE];
	[sflag:s23] =	ssyncadd.s32 $0xFFFFFFFF  }
0xa6: {  	s26 =	simm.s32 $execute0_lowered;
	[smem:$0x3FD2] =	sst s25  }
0xa7: {  	s6 =	sshll.u32 s26, $0x1;
	_ =	strace $0x80000046;
	[dreg:$0x1] =	wrdreg $0xFFFFFFFF  }
0xa8: {  	s28 =	simm.s32 $_size_execute0_lowered;
	s4 =	sadd.s32 s4, s6;
	[dreg:$0x0] =	wrdreg $0x0  }
0xa9: {  	s6 =	sshll.u32 s28, $0x1;
	[dreg:$0x2] =	wrdreg s4  }
0xaa: {  	[dreg:$0x3] =	wrdreg s6  }
0xab: {  	[dreg:$0x4] =	wrdreg $0xC0  }
0xac: {  	_ =	task [dreg:s8], $0x5FFFF  }
0xad: {  	[dreg:$0x1] =	wrdreg $0xFFFFFFFF  }
0xae: {  	[dreg:$0x0] =	wrdreg $0x60  }
0xaf: {  	[dreg:$0x2] =	wrdreg s24  }
0xb0: {  	[dreg:$0x3] =	wrdreg s2  }
0xb1: {  	[dreg:$0x4] =	wrdreg s18  }
0xb2: {  	[dreg:$0x5] =	wrdreg $0x9  }
0xb3: {  	_ =	task.clear_ibuf [dreg:s8], $0x6FFFF;
	_ =	strace $0x90000046  }
0xb4: {  	s29 =	simm.s32 $0x9;
	_ =	strace $0x80000048  }
0xb5: {  	_ =	swait.ge [sflag:s29], $0x1  }
0xb6: {  	[sflag:s29] =	ssyncadd.s32 $0xFFFFFFFF  }
0xb7: {  	_ =	strace $0x90000048  }
0xb8: {  	_ =	sfence  }
0xb9: {  	s30 =	sld [smem:$0x0];
	_ =	sdelay $0x2  }
0xba: {  	s31 =	sshll.u32 s1, $0xD;
	s1 =	sshrl.u32 s1, $0x2  }
0xbb: {  	s3 =	sand.u32 $0x4000, s31;
	s1 =	sadd.s32 s1, s30  }
0xbc: {  	s0 =	sor.u32 s3, s0;
	s1 =	sshll.u32 s1, $0x11  }
0xbd: {  	s0 =	sor.u32 s1, s0  }
0xbe: {  	s0 =	sadd.s32 $0x8F2B, s0  }
0xbf: {  	[sflag:s0] =	ssyncadd.remote.s32 $0x1  }
0xc0: {  	_ =	sfence.sel $0xFFFF  }
0xc1: {  	[dreg:$0x0] =	wrdreg $0xFFFFFFFF;
	(pc) =	sbr.abs _section_cstart, $3  }
0xc2: {  	[dreg:$0x1] =	wrdreg $0xFFFFFFFF  }
0xc3: {  	_ =	task.clear_ibuf [dreg:s8], $0x2FFFF;
	_ =	strace $0x9FFFFFFF  }
0xc4: {  	(tm) =	ssettm $0x7FFFFFFF  }
0xc5: {  	_ =	shalt  }
tec
execute0_lowered:
.L_overlay_start_1:
0x0: {  	(tag) =	ssettag $0x1  }
0x1: {  	s6 =	rddreg [dreg:$0x0]  }
0x2: {  	s1 =	rddreg [dreg:$0x1]  }
0x3: {  	s8 =	rddreg [dreg:$0x2]  }
0x4: {  	v0 =	vimm.s32 $0xFEDCBA98;
	s0 =	rddreg [dreg:$0x3];
	s2 =	simm.s32 $0x0;
	v1 =	vimm.s32 $0x76543210;
	v2 =	vimm.s32 $0xBA98FEDC  }
0x5: {  	s4 =	srdreg.scid;
	s3 =	stileid.u32;
	v3 =	vimm.s32 $0x32107654;
	v4 =	vimm.s32 $0xDCFE98BA;
	s12 =	simm.s32 $0x6880  }
0x6: {  	v5 =	vimm.s32 $0x54761032;
	v6 =	vimm.s32 $0xEFCDAB89;
	s13 =	simm.s32 $0x80;
	s14 =	simm.s32 $0x1;
	s15 =	simm.s32 $0x400  }
0x7: {  	v7 =	vimm.s32 $0x67452301;
	s16 =	simm.s32 $0x4080;
	s17 =	simm.s32 $0x0;
	v0 =	vunpack.c.l.s4.s8 v0;
	[smem:$0x7FF] =	sst s2;
	v1 =	vunpack.c.l.s4.s8 v1  }
0x8: {  	s7 =	sand.u32 $0x1, s4;
	s30 =	sshll.u32 s3, $0x1;
	s5 =	sshrl.u32 s3, $0x2;
	v2 =	vunpack.c.l.s4.s8 v2;
	v3 =	vunpack.c.l.s4.s8 v3;
	v4 =	vunpack.c.l.s4.s8 v4  }
0x9: {  	s4 =	sadd.s32 $0x13C00, s6;
	v5 =	vunpack.c.l.s4.s8 v5;
	v6 =	vunpack.c.l.s4.s8 v6;
	v7 =	vunpack.c.l.s4.s8 v7;
	_ =	strace $0x80000047;
	s9 =	sor.u32 s7, s30  }
0xa: {  	s10 =	smul.u32 $0x13C00, s5;
	s7 =	ssub.s32 $0x2, s7;
	v0 =	vunpack.c.0.s8.s32 v0;
	v1 =	vunpack.c.0.s8.s32 v1;
	s11 =	sshll.u32 s9, $0x7;
	v2 =	vunpack.c.0.s8.s32 v2  }
0xb: {  	s5 =	sadd.s32 $0x3BC00, s6;
	s31 =	sshrl.u32 s7, $0x1;
	v3 =	vunpack.c.0.s8.s32 v3;
	v4 =	vunpack.c.0.s8.s32 v4;
	v5 =	vunpack.c.0.s8.s32 v5;
	s11 =	sand.u32 $0x380, s11  }
0xc: {  	s6 =	sadd.s32 $0xB1000, s6;
	v6 =	vunpack.c.0.s8.s32 v6;
	v7 =	vunpack.c.0.s8.s32 v7;
	v0 =	vand.u32 $0xF, v0;
	s10 =	sor.u32 s10, s11;
	s11 =	ssub.s32 s7, s31  }
0xd: {  	s7 =	smul.u32 $0xA000, s9;
	s10 =	sshrl.u32 s10, $0x3;
	s9 =	smax.u32 s11, $0x1;
	v0 =	vcombine.low v0, v1;
	v1 =	vcombine.low v3, v2  }
0xe: {  	s11 =	simm.s32 $0x2;
	v2 =	vcombine.low v5, v4;
	v3 =	vcombine.low v7, v6;
	v4 =	vlaneseq.u32;
	s8 =	sadd.s32 s8, s10;
	s10 =	simm.s32 $0x6800  }
.LBB2_1:
0xf: {  	[tilespmem:s10], [sflag:$0x2] =	stream.linear.gather [hbm4b:s1+s2], $0x80, $0x38;
	[tilespmem:$0x6900] =	vst v63  }
0x10: {  	_ =	swait.ge [sflag:s11], $0x80  }
0x11: {  	[sflag:s11] =	ssyncset.done $0x0  }
0x12: {  	[sflag:s11] =	ssyncadd.s32 $0xFFFFFF80  }
0x13: {  	[tilespmem:s12], [sflag:$0x2] =	stream.linear.gather [hbm4b:s6+s2], $0x80, $0x38;
	[tilespmem:$0x6900] =	vst v63  }
0x14: {  	_ =	swait.ge [sflag:s11], $0x80  }
0x15: {  	[sflag:s11] =	ssyncset.done $0x0  }
0x16: {  	[sflag:s11] =	ssyncadd.s32 $0xFFFFFF80  }
0x17: {  	v5 =	vld [tilespmem:$0x6800]  }
0x18: {  	v6 =	vld [tilespmem:$0x6810]  }
0x19: {  	v7 =	vld [tilespmem:$0x6820]  }
0x1a: {  	v8 =	vld [tilespmem:$0x6830]  }
0x1b: {  	v9 =	vld [tilespmem:$0x6840]  }
0x1c: {  	v10 =	vld [tilespmem:$0x6850]  }
0x1d: {  	v11 =	vld [tilespmem:$0x6860]  }
0x1e: {  	v12 =	vld [tilespmem:$0x6870]  }
0x1f: {  	s18 =	simm.s32 $0x4071;
	s19 =	simm.s32 $0x0;
	v13 =	vld [tilespmem:$0x6880]  }
.LBB2_2:
0x20: {  	s20 =	sshll.u32 s19, $0x8  }
0x21: {  	s21 =	sshll.u32 s19, $0x7;
	s20 =	sand.u32 $0xF800, s20  }
0x22: {  	s21 =	sand.u32 $0x380, s21;
	s20 =	sadd.s32 s7, s20  }
0x23: {  	s20 =	sor.u32 s21, s20  }
0x24: {  	s20 =	sshrl.u32 s20, $0x3  }
0x25: {  	s30 =	simm.s32 $0x0;
	s29 =	sadd.s32 s4, s20  }
0x26: {  	[tilespmem:s30], [sflag:$0x2] =	stream.linear.gather [hbm4b:s29+s30], $0x80, $0x38;
	[tilespmem:$0x6900] =	vst v63  }
0x27: {  	_ =	swait.ge [sflag:s11], $0x80  }
0x28: {  	[sflag:s11] =	ssyncset.done $0x0  }
0x29: {  	[sflag:s11] =	ssyncadd.s32 $0xFFFFFF80  }
0x2a: {  	[tilespmem:s13], [sflag:$0x1] =	stream.indirect.gather [hbm4b:s5+s13], $0x80, s30, s13, $0xb8;
	[tilespmem:$0x6900] =	vst v63  }
0x2b: {  	_ =	swait.ge [sflag:s14], $0x4000  }
0x2c: {  	[sflag:s14] =	ssyncset.done $0x0  }
0x2d: {  	s31 =	simm.s32 $0x2080;
	[sflag:s14] =	ssyncadd.s32 $0xFFFFC000  }
0x2e: {  	v14 =	vld [tilespmem:s31+$0x0]  }
0x2f: {  	v15 =	vld [tilespmem:s31+$0xFFFFE000]  }
0x30: {  	v16 =	vld [tilespmem:s31+$0xFFFFE010]  }
0x31: {  	v17 =	vld [tilespmem:s31+$0x10]  }
0x32: {  	v18 =	vld [tilespmem:s31+$0xFFFFE020]  }
0x33: {  	v19 =	vld [tilespmem:s31+$0x20]  }
0x34: {  	v20 =	vld [tilespmem:s31+$0x30];
	v14 =	vadd.f32 v14, v15  }
0x35: {  	v15 =	vld [tilespmem:s31+$0xFFFFE030]  }
0x36: {  	v55 =	vld [tilespmem:s31+$0xFFFFE040];
	v16 =	vadd.f32 v17, v16;
	v14 =	vmax.f32 v14, $0.0e+00  }
0x37: {  	v21 =	vld [tilespmem:s31+$0x40];
	v14 =	vmul.f32 v14, v5  }
0x38: {  	v56 =	vld [tilespmem:s31+$0xFFFFE050];
	v18 =	vadd.f32 v19, v18;
	v16 =	vmax.f32 v16, $0.0e+00  }
0x39: {  	v22 =	vld [tilespmem:s31+$0x50];
	v16 =	vmul.f32 v16, v6;
	v14 =	vadd.f32 $0.0e+00, v14  }
0x3a: {  	v57 =	vld [tilespmem:s31+$0xFFFFE060];
	v18 =	vmax.f32 v18, $0.0e+00;
	v15 =	vadd.f32 v20, v15  }
0x3b: {  	v59 =	vld [tilespmem:s31+$0x60];
	v58 =	vmul.f32 v18, v7;
	v14 =	vadd.f32 v16, v14  }
0x3c: {  	v60 =	vld [tilespmem:s31+$0xFFFFE070];
	v17 =	vadd.f32 v21, v55;
	v15 =	vmax.f32 v15, $0.0e+00  }
0x3d: {  	v61 =	vld [tilespmem:s31+$0x70];
	v15 =	vmul.f32 v15, v8;
	v14 =	vadd.f32 v58, v14  }
0x3e: {  	v19 =	vadd.f32 v22, v56;
	v17 =	vmax.f32 v17, $0.0e+00  }
0x3f: {  	v14 =	vadd.f32 v15, v14;
	v15 =	vmul.f32 v17, v9  }
0x40: {  	v62 =	vmax.f32 v19, $0.0e+00;
	v18 =	vadd.f32 v59, v57  }
0x41: {  	v14 =	vadd.f32 v15, v14;
	v15 =	vmul.f32 v62, v10  }
0x42: {  	v63 =	vmax.f32 v18, $0.0e+00;
	v16 =	vadd.f32 v61, v60  }
0x43: {  	v14 =	vadd.f32 v15, v14;
	v15 =	vmul.f32 v63, v11  }
0x44: {  	v16 =	vmax.f32 v16, $0.0e+00  }
0x45: {  	v14 =	vadd.f32 v15, v14;
	v15 =	vmul.f32 v16, v12;
	_ =	sdelay $0x1  }
0x46: {  	v14 =	vadd.f32 v15, v14;
	_ =	sdelay $0x1  }
0x47: {  	v15 =	vperm.xlane v14, v0;
	_ =	sdelay $0x1  }
0x48: {  	v14 =	vadd.f32 v14, v15;
	_ =	sdelay $0x1  }
0x49: {  	v15 =	vperm.xlane v14, v1;
	_ =	sdelay $0x1  }
0x4a: {  	v14 =	vadd.f32 v14, v15;
	_ =	sdelay $0x1  }
0x4b: {  	v15 =	vperm.xlane v14, v2;
	_ =	sdelay $0x1  }
0x4c: {  	v14 =	vadd.f32 v14, v15;
	_ =	sdelay $0x1  }
0x4d: {  	v15 =	vperm.xlane v14, v3;
	_ =	sdelay $0x1  }
0x4e: {  	v14 =	vadd.f32 v14, v15;
	_ =	sdelay $0x1  }
0x4f: {  	v14 =	vadd.f32 v14, v13;
	_ =	sdelay $0x1  }
0x50: {  	v14 =	vsub.f32 $0.0e+00, v14;
	_ =	sdelay $0x1  }
0x51: {  	v14 =	vmul.f32 $1.442695020e+00, v14;
	_ =	sdelay $0x1  }
0x52: {  	(erf) = vpow2.f32 v14;
	_ =	sdelay $0x8  }
0x53: {  	v14 =	vpop (erf)  }
0x54: {  	v14 =	vadd.f32 $1.000000000e+00, v14;
	_ =	sdelay $0x1  }
0x55: {  	(erf) = vrcp.f32 v14;
	_ =	sdelay $0x4  }
0x56: {  	s20 =	sand.u32 $0xF, s30  }
0x57: {  	v14 =	vmov s20;
	_ =	sdelay $0x2  }
0x58: {  	v15 =	vimm.f32 $0.0e+00;
	vm0 =	veq.s32 v14, v4;
	v14 =	vpop (erf)  }
0x59: {  	p0 =	sne.s32 s20, $0xF;
	v14 =	vsel vm0, v14, v15  }
0x5a: {  	s22 =	smov.u32 s18;
	s21 =	simm.s32 $0x2100;
	s20 =	simm.s32 $0x1;
	[tilespmem:s18+$0x0] =	vst @!p0 v14  }
.LBB2_3:
0x5b: {  	v15 =	vld [tilespmem:s21+$0x0];
	s23 =	smov.u32 s20  }
0x5c: {  	s20 =	sadd.s32 $0x1, s20;
	v16 =	vld [tilespmem:s21+$0xFFFFE000]  }
0x5d: {  	p0 =	sne.s32 s20, $0x40;
	v17 =	vld [tilespmem:s21+$0xFFFFE010]  }
0x5e: {  	v18 =	vld [tilespmem:s21+$0x10]  }
0x5f: {  	v19 =	vld [tilespmem:s21+$0xFFFFE020]  }
0x60: {  	v20 =	vld [tilespmem:s21+$0x20]  }
0x61: {  	v15 =	vadd.f32 v15, v16;
	v16 =	vld [tilespmem:s21+$0xFFFFE030]  }
0x62: {  	v21 =	vld [tilespmem:s21+$0x30]  }
0x63: {  	v15 =	vmax.f32 v15, $0.0e+00;
	v17 =	vadd.f32 v18, v17;
	v18 =	vld [tilespmem:s21+$0xFFFFE040]  }
0x64: {  	v15 =	vmul.f32 v15, v5;
	v22 =	vld [tilespmem:s21+$0x40]  }
0x65: {  	v17 =	vmax.f32 v17, $0.0e+00;
	v19 =	vadd.f32 v20, v19;
	v20 =	vld [tilespmem:s21+$0xFFFFE050]  }
0x66: {  	v15 =	vadd.f32 $0.0e+00, v15;
	v17 =	vmul.f32 v17, v6;
	v23 =	vld [tilespmem:s21+$0x50]  }
0x67: {  	v19 =	vmax.f32 v19, $0.0e+00;
	v16 =	vadd.f32 v21, v16;
	v21 =	vld [tilespmem:s21+$0xFFFFE060]  }
0x68: {  	v15 =	vadd.f32 v17, v15;
	v17 =	vmul.f32 v19, v7;
	v19 =	vld [tilespmem:s21+$0x60]  }
0x69: {  	v16 =	vmax.f32 v16, $0.0e+00;
	v18 =	vadd.f32 v22, v18;
	v22 =	vld [tilespmem:s21+$0xFFFFE070]  }
0x6a: {  	v15 =	vadd.f32 v17, v15;
	v16 =	vmul.f32 v16, v8;
	v17 =	vld [tilespmem:s21+$0x70]  }
0x6b: {  	v18 =	vmax.f32 v18, $0.0e+00;
	v20 =	vadd.f32 v23, v20  }
0x6c: {  	v15 =	vadd.f32 v16, v15;
	v16 =	vmul.f32 v18, v9  }
0x6d: {  	v18 =	vmax.f32 v20, $0.0e+00;
	v19 =	vadd.f32 v19, v21  }
0x6e: {  	v15 =	vadd.f32 v16, v15;
	v16 =	vmul.f32 v18, v10  }
0x6f: {  	v18 =	vmax.f32 v19, $0.0e+00;
	v17 =	vadd.f32 v17, v22  }
0x70: {  	v15 =	vadd.f32 v16, v15;
	v16 =	vmul.f32 v18, v11  }
0x71: {  	v17 =	vmax.f32 v17, $0.0e+00  }
0x72: {  	v15 =	vadd.f32 v16, v15;
	v16 =	vmul.f32 v17, v12;
	_ =	sdelay $0x1  }
0x73: {  	v15 =	vadd.f32 v16, v15;
	_ =	sdelay $0x1  }
0x74: {  	v16 =	vperm.xlane v15, v0;
	_ =	sdelay $0x1  }
0x75: {  	v15 =	vadd.f32 v15, v16;
	_ =	sdelay $0x1  }
0x76: {  	v16 =	vperm.xlane v15, v1;
	_ =	sdelay $0x1  }
0x77: {  	v15 =	vadd.f32 v15, v16;
	_ =	sdelay $0x1  }
0x78: {  	v16 =	vperm.xlane v15, v2;
	_ =	sdelay $0x1  }
0x79: {  	v15 =	vadd.f32 v15, v16;
	_ =	sdelay $0x1  }
0x7a: {  	v16 =	vperm.xlane v15, v3;
	_ =	sdelay $0x1  }
0x7b: {  	v15 =	vadd.f32 v15, v16;
	_ =	sdelay $0x1  }
0x7c: {  	v15 =	vadd.f32 v15, v13;
	_ =	sdelay $0x1  }
0x7d: {  	v15 =	vsub.f32 $0.0e+00, v15;
	_ =	sdelay $0x1  }
0x7e: {  	v15 =	vmul.f32 $1.442695020e+00, v15;
	_ =	sdelay $0x1  }
0x7f: {  	(erf) = vpow2.f32 v15;
	_ =	sdelay $0x8  }
0x80: {  	v15 =	vpop (erf)  }
0x81: {  	v15 =	vadd.f32 $1.000000000e+00, v15;
	_ =	sdelay $0x1  }
0x82: {  	(erf) = vrcp.f32 v15;
	_ =	sdelay $0x6  }
.Ltmp0:
0x83: {  	s23 =	sand.u32 $0xF, s23;
	(pc) =	sbr.rel @p0 .LBB2_3-.Ltmp0, $4  }
0x84: {  	v16 =	vmov s23  }
0x85: {  	vm0 =	veq.s32 v16, v4;
	v15 =	vpop (erf)  }
0x86: {  	s22 =	sadd.s32 $0x1, s22;
	p1 =	sne.s32 s23, $0xF;
	v14 =	vsel vm0, v15, v14  }
0x87: {  	s21 =	sadd.s32 $0x80, s21;
	[tilespmem:s22+$0x0] =	vst @!p1 v14  }
0x88: {  	s19 =	sadd.s32 $0x1, s19  }
0x89: {  	p0 =	sne.s32 s19, $0x9D  }
.Ltmp1:
0x8a: {  	_ = 	snop;
	(pc) =	sbr.rel @p0 .LBB2_2-.Ltmp1, $2  }
0x8b: {  	_ =	sdelay $0x2  }
0x8c: {  	s18 =	sadd.s32 $0x40, s18  }
0x8d: {  	s17 =	sadd.s32 $0x1, s17  }
0x8e: {  	p0 =	sne.s32 s17, s9  }
.Ltmp2:
0x8f: {  	_ = 	snop;
	(pc) =	sbr.rel @p0 .LBB2_1-.Ltmp2, $4  }
0x90: {  	[hbm4b:s8+s13] =	stream.strided.scatter [tilespmem:s16], [sflag:$0x2], $0x2780, s15, s13, $0x38;
	[tilespmem:$0x6900] =	vst v63  }
0x91: {  	_ =	swait.ge [sflag:s11], $0x2780  }
0x92: {  	[sflag:s11] =	ssyncset.done $0x0  }
0x93: {  	[sflag:s11] =	ssyncadd.s32 $0xFFFFD880  }
0x94: {  	_ =	sfence.sel $0x180000  }
0x95: {  	[bflag:$0x0] =	sbarrier.arrive $0xFFFF  }
0x96: {  	p0 =	sne.s32 s3, $0x0;
	_ =	strace $0x90000047  }
0x97: {  	s0 =	sadd.s32 @!p0 $0x100000, s0;
	[bflag:$0x2] =	sbarrier.arrive $0xFFFF  }
0x98: {  	[sflag:s0] =	ssyncadd.tile.s32 @!p0 $0x1;
	_ =	shalt  }
.Lfunc_end2:
_tile_overlayer_lowered:
.L_overlay_start_2:
0x99: {  	(tag) =	ssettag $0x2  }
0x9a: {  	s0 =	rddreg [dreg:$0x0];
	s2 =	stileid.u32  }
0x9b: {  	s1 =	rddreg [dreg:$0x1];
	p0 =	sne.s32 s2, $0x0  }
0x9c: {  	s3 =	rddreg [dreg:$0x2];
	[bflag:$0x3] =	sbarrier.arrive $0xFFFF;
	s2 =	simm.s32 @!p0 $0x1C02  }
0x9d: {  	[timem:s3], [sflag:s2] =	dma.local @!p0 [hbm:s0], s1  }
0x9e: {  	s0 =	simm.s32 @!p0 $0x2  }
0x9f: {  	_ =	swait.ge @!p0 [sflag:s0], s1  }
0xa0: {  	s1 =	ssub.s32 @!p0 $0x0, s1;
	[sflag:s0] =	ssyncset.done @!p0 $0x0  }
0xa1: {  	[sflag:s0] =	ssyncadd.s32 @!p0 s1  }
0xa2: {  	[bflag:$0x3] =	sbarrier.arrive $0xFFFF  }
0xa3: {  	_ =	shalt  }

// kernel: scatter_offload_async_start.1
scs
__scs_entry_jumppad:
0x0: {  	(pc) =	sbr.rel $0x88, $3  }
0x1: {  	(tag) =	ssettag $0x0;
	lr =	simm.s32 $0x1  }
0x2: {  	[smem:$0x3F99] =	sst lr;
	_ =	strace $0xD0000000  }
0x3: {  	_ = 	snop  }
0x4: {  	_ = 	snop  }
0x5: {  	_ = 	snop  }
0x6: {  	_ = 	snop  }
0x7: {  	_ = 	snop  }
__scs_overlays_trampoline_lowered:
0x8: {  	[smem:$0x3FA8] =	sst s0  }
0x9: {  	[smem:$0x3FA9] =	sst s1  }
0xa: {  	[smem:$0x3FAA] =	sst s2  }
0xb: {  	[smem:$0x3FAB] =	sst s3  }
0xc: {  	[smem:$0x3FAC] =	sst s4  }
0xd: {  	[smem:$0x3FAD] =	sst s5  }
0xe: {  	[smem:$0x3FAE] =	sst s6  }
0xf: {  	[smem:$0x3FAF] =	sst s7  }
0x10: {  	[smem:$0x3FB0] =	sst s8  }
0x11: {  	[smem:$0x3FB1] =	sst s9;
	s0 =	simm.s32 @!p0 $0x0  }
0x12: {  	s1 =	sld [smem:$0x3F97];
	s0 =	simm.s32 @p0 $0x1  }
0x13: {  	[smem:$0x3FB2] =	sst s0;
	s0 =	simm.s32 @!p1 $0x0  }
0x14: {  	s2 =	sld [smem:$0x3F96];
	s0 =	simm.s32 @p1 $0x1  }
0x15: {  	[smem:$0x3FB3] =	sst s0;
	s0 =	simm.s32 @!p2 $0x0  }
0x16: {  	s3 =	sld [smem:$0x3FDB];
	s0 =	simm.s32 @p2 $0x1  }
0x17: {  	s4 =	simm.s32 $0x1BF5;
	[smem:$0x3FB5] =	sst s0  }
0x18: {  	s0 =	sld [smem:$0x3F98];
	_ =	swait.ge [sflag:s4], $0x0  }
0x19: {  	s7 =	sld [smem:$0x3F99]  }
0x1a: {  	s8 =	sadd.s32 $0xFFFFE003, lr  }
0x1b: {  	s9 =	sadd.s32 $0xFFFFFEF7, lr;
	s5 =	simm.s32 $0xFFFFFFFF;
	p2 =	slt.u32 s8, $0xFFFFF086  }
0x1c: {  	p1 =	slt.u32 s9, $0xF7A;
	s5 =	simm.s32 @!p2 $0x0  }
0x1d: {  	s5 =	simm.s32 @p1 $0x1;
	p0 =	seq.s32 s7, s2  }
0x1e: {  	s7 =	smul.u32 @!p0 $0xF7A, s2;
	p2 =	seq.s32 @!p0 s5, $0x0  }
0x1f: {  	s9 =	smul.u32 $0xF7A, s1;
	s8 =	simm.s32 @!p0 $0x1BF5;
	p2 =	por !p2, p0  }
0x20: {  	[sflag:s8] =	ssyncset.s32 @!p0 $0xFFFFF086;
	s6 =	sadd.s32 @!p0 s3, s7;
	s7 =	simm.s32 @!p0 $0x108  }
0x21: {  	s3 =	sadd.s32 s3, s9;
	s6 =	sadd.s32 @!p0 $0x88, s6;
	s7 =	simm.s32 @p2 $0x1082  }
0x22: {  	[simem:s7], [sflag:s8] =	dma.local @!p0 [hbm:s6], $0xF7A  }
0x23: {  	s9 =	sor.u32 $0xD0000000, s2;
	s6 =	simm.s32 $0x108;
	_ =	swait.ge @!p0 [sflag:s8], $0x0  }
0x24: {  	s3 =	sadd.s32 $0x88, s3;
	s6 =	simm.s32 @!p1 $0x1082;
	[sflag:s4] =	ssyncset.s32 $0xFFFFF086  }
0x25: {  	[simem:s6], [sflag:s4] =	dma.local [hbm:s3], $0xF7A  }
0x26: {  	[smem:$0x3F99] =	sst s1;
	(tag) =	ssettag s2;
	_ =	strace s9  }
0x27: {  	s1 =	sld [smem:$0x3FA9]  }
0x28: {  	s2 =	sld [smem:$0x3FAA]  }
0x29: {  	s4 =	sld [smem:$0x3FAC]  }
0x2a: {  	p0 =	seq.s32 s5, $0x0;
	s5 =	sld [smem:$0x3FAD]  }
0x2b: {  	s6 =	sld [smem:$0x3FAE]  }
0x2c: {  	s7 =	sld [smem:$0x3FAF]  }
0x2d: {  	s3 =	simm.s32 $0x108;
	s8 =	sld [smem:$0x3FB0]  }
0x2e: {  	s3 =	simm.s32 @!p0 $0x1082;
	s9 =	sld [smem:$0x3FB1]  }
0x2f: {  	lr =	sadd.s32 s0, s3;
	s0 =	sld [smem:$0x3FA8]  }
0x30: {  	s3 =	sld [smem:$0x3FAB]  }
0x31: {  	[smem:$0x3FB4] =	sst s10  }
0x32: {  	s10 =	sld [smem:$0x3FB2];
	_ =	sdelay $0x3  }
0x33: {  	p0 =	seq.s32 s10, $0x1;
	s10 =	sld [smem:$0x3FB4];
	_ =	sdelay $0x3  }
0x34: {  	[smem:$0x3FB4] =	sst s10  }
0x35: {  	s10 =	sld [smem:$0x3FB3];
	_ =	sdelay $0x3  }
0x36: {  	p1 =	seq.s32 s10, $0x1;
	s10 =	sld [smem:$0x3FB4];
	_ =	sdelay $0x3  }
0x37: {  	[smem:$0x3FB4] =	sst s10  }
0x38: {  	s10 =	sld [smem:$0x3FB5]  }
0x39: {  	_ = 	snop;
	(pc) =	sbr.ind lr, $3  }
0x3a: {  	_ = 	snop  }
0x3b: {  	_ = 	snop  }
0x3c: {  	p2 =	seq.s32 s10, $0x1;
	s10 =	sld [smem:$0x3FB4]  }
0x3d: {  	_ =	shalt  }
0x3e: {  	_ =	shalt  }
0x3f: {  	_ =	shalt  }
0x40: {  	_ =	shalt  }
0x41: {  	_ =	shalt  }
0x42: {  	_ =	shalt  }
0x43: {  	_ =	shalt  }
0x44: {  	_ =	shalt  }
0x45: {  	_ =	shalt  }
0x46: {  	_ =	shalt  }
0x47: {  	_ =	shalt  }
0x48: {  	_ =	shalt  }
0x49: {  	_ =	shalt  }
0x4a: {  	_ =	shalt  }
0x4b: {  	_ =	shalt  }
0x4c: {  	_ =	shalt  }
0x4d: {  	_ =	shalt  }
0x4e: {  	_ =	shalt  }
0x4f: {  	_ =	shalt  }
0x50: {  	_ =	shalt  }
0x51: {  	_ =	shalt  }
0x52: {  	_ =	shalt  }
0x53: {  	_ =	shalt  }
0x54: {  	_ =	shalt  }
0x55: {  	_ =	shalt  }
0x56: {  	_ =	shalt  }
0x57: {  	_ =	shalt  }
0x58: {  	_ =	shalt  }
0x59: {  	_ =	shalt  }
0x5a: {  	_ =	shalt  }
0x5b: {  	_ =	shalt  }
0x5c: {  	_ =	shalt  }
0x5d: {  	_ =	shalt  }
0x5e: {  	_ =	shalt  }
0x5f: {  	_ =	shalt  }
0x60: {  	_ =	shalt  }
0x61: {  	_ =	shalt  }
0x62: {  	_ =	shalt  }
0x63: {  	_ =	shalt  }
0x64: {  	_ =	shalt  }
0x65: {  	_ =	shalt  }
0x66: {  	_ =	shalt  }
0x67: {  	_ =	shalt  }
0x68: {  	_ =	shalt  }
0x69: {  	_ =	shalt  }
0x6a: {  	_ =	shalt  }
0x6b: {  	_ =	shalt  }
0x6c: {  	_ =	shalt  }
0x6d: {  	_ =	shalt  }
0x6e: {  	_ =	shalt  }
0x6f: {  	_ =	shalt  }
0x70: {  	_ =	shalt  }
0x71: {  	_ =	shalt  }
0x72: {  	_ =	shalt  }
0x73: {  	_ =	shalt  }
0x74: {  	_ =	shalt  }
0x75: {  	_ =	shalt  }
0x76: {  	_ =	shalt  }
0x77: {  	_ =	shalt  }
0x78: {  	_ =	shalt  }
0x79: {  	_ =	shalt  }
0x7a: {  	_ =	shalt  }
0x7b: {  	_ =	shalt  }
0x7c: {  	_ =	shalt  }
0x7d: {  	_ =	shalt  }
0x7e: {  	_ =	shalt  }
0x7f: {  	_ =	shalt  }
0x80: {  	_ =	shalt  }
0x81: {  	_ =	shalt  }
0x82: {  	_ =	shalt  }
0x83: {  	_ =	shalt  }
0x84: {  	_ =	shalt  }
0x85: {  	_ =	shalt  }
0x86: {  	_ =	shalt  }
0x87: {  	_ =	shalt  }
.Lfunc_end0:
.L_simem_size_0:
called_computation.1_lowered:
.L_overlay_start_0:
0x88: {  	s2 =	sld [smem:$0x3FD9]  }
0x89: {  	s3 =	sld [smem:$0x3FFE];
	_ =	sdelay $0x1  }
0x8a: {  	s1 =	srdreg.scid  }
0x8b: {  	s0 =	sand.u32 $0x1, s1  }
0x8c: {  	s12 =	sshll.u32 s0, $0xA;
	s2 =	sadd.s32 s3, s2  }
0x8d: {  	s2 =	sadd.s32 s2, s12  }
0x8e: {  	[smem:$0x3FC0] =	sst s2  }
0x8f: {  	_ = 	snop  }
0x90: {  	s4 =	sld [smem:$0x3FC9];
	(tm) =	ssettm $0x1  }
0x91: {  	s13 =	sld [smem:$0x3FFB];
	_ =	sdelay $0x3  }
0x92: {  	_ =	strace s13  }
0x93: {  	s2 =	sld [smem:$0x3FFC];
	_ =	sdelay $0x3  }
0x94: {  	_ =	strace s2  }
0x95: {  	s2 =	sld [smem:$0x3FFD];
	_ =	sdelay $0x3  }
0x96: {  	_ =	strace s2  }
0x97: {  	_ =	strace $0x8FFFFFFF  }
0x98: {  	s14 =	sld [smem:$0x3FDB];
	_ =	sdelay $0x1  }
0x99: {  	s15 =	simm.s32 $_scs_section_size  }
0x9a: {  	s5 =	simm.s32 $_size__tile_overlayer_lowered;
	s6 =	simm.s32 $_tile_overlayer_lowered  }
0x9b: {  	s19 =	simm.s32 $0x1BFF;
	s17 =	sshll.u32 s6, $0x1;
	s7 =	sadd.s32 s15, s14  }
0x9c: {  	s20 =	simm.s32 $0x0;
	s16 =	sshll.u32 s5, $0x1;
	s18 =	sadd.s32 s17, s7  }
0x9d: {  	[timem:s20], [sflag:s19] =	dma.local [hbm:s18], s16  }
0x9e: {  	_ =	swait.ge [sflag:s19], s16  }
0x9f: {  	s3 =	ssub.s32 $0x0, s16;
	[sflag:s19] =	ssyncset.done $0x0  }
0xa0: {  	[sflag:s19] =	ssyncadd.s32 s3;
	_ =	sdelay $0x1  }
0xa1: {  	s21 =	simm.s32 $0x1B8B  }
0xa2: {  	_ =	swait.ge [sflag:s21], $0x1  }
0xa3: {  	[sflag:s21] =	ssyncset.done $0x0  }
0xa4: {  	[sflag:s21] =	ssyncadd.s32 $0xFFFFFFFF  }
0xa5: {  	s3 =	sld [smem:$0x0]  }
0xa6: {  	s5 =	sand.u32 $0xFFFFFFFE, s1  }
0xa7: {  	p0 =	sne.s32 s1, s5  }
0xa8: {  	s5 =	sshll.u32 @p0 s5, $0xE  }
0xa9: {  	s6 =	sadd.s32 @p0 $0x11B8D, s5;
	s8 =	sshll.u32 @p0 s3, $0x11  }
0xaa: {  	s6 =	sor.u32 @p0 s8, s6  }
0xab: {  	[sflag:s6] =	ssyncadd.remote.s32 @p0 $0x1;
	_ =	sdelay $0x1  }
0xac: {  	s6 =	simm.s32 @p0 $0x1B8D  }
0xad: {  	_ =	swait.eq @p0 [sflag:s6], $0x1  }
0xae: {  	[sflag:s6] =	ssyncadd.s32 @p0 $0xFFFFFFFF  }
0xaf: {  	s8 =	sshll.u32 @!p0 s1, $0xE  }
0xb0: {  	s8 =	sor.u32 @!p0 $0x4000, s8;
	s6 =	simm.s32 @!p0 $0x1B8D  }
0xb1: {  	s10 =	sshll.u32 @!p0 s3, $0x11;
	s9 =	sadd.s32 @!p0 $0x11B8D, s8;
	_ =	swait.eq @!p0 [sflag:s6], $0x1  }
0xb2: {  	[sflag:s6] =	ssyncadd.s32 @!p0 $0xFFFFFFFF;
	s6 =	sor.u32 @!p0 s10, s9  }
0xb3: {  	s23 =	simm.s32 $0x1B8E;
	s22 =	sld [smem:$0x3FFE];
	[sflag:s6] =	ssyncadd.remote.s32 @!p0 $0x1  }
0xb4: {  	s24 =	simm.s32 $execute0_lowered;
	[smem:$0x3FD2] =	sst s23  }
0xb5: {  	s9 =	sshll.u32 s24, $0x1;
	_ =	strace $0x8000004F;
	[dreg:$0x1] =	wrdreg $0xFFFFFFFF  }
0xb6: {  	s25 =	simm.s32 $_size_execute0_lowered;
	s9 =	sadd.s32 s7, s9;
	[dreg:$0x0] =	wrdreg $0x0  }
0xb7: {  	s10 =	sshll.u32 s25, $0x1;
	[dreg:$0x2] =	wrdreg s9  }
0xb8: {  	[dreg:$0x3] =	wrdreg s10  }
0xb9: {  	[dreg:$0x4] =	wrdreg $0xC0  }
0xba: {  	s26 =	simm.s32 $execute1_lowered;
	_ =	task [dreg:s20], $0x5FFFF  }
0xbb: {  	s9 =	sshll.u32 s26, $0x1;
	[dreg:$0x1] =	wrdreg $0xFFFFFFFF  }
0xbc: {  	s7 =	sadd.s32 s7, s9;
	[dreg:$0x0] =	wrdreg $0x60  }
0xbd: {  	[dreg:$0x2] =	wrdreg s7  }
0xbe: {  	[dreg:$0x3] =	wrdreg s4  }
0xbf: {  	[dreg:$0x4] =	wrdreg s22  }
0xc0: {  	[dreg:$0x5] =	wrdreg $0x9  }
0xc1: {  	_ =	task.clear_ibuf [dreg:s20], $0x6FFFF;
	_ =	strace $0x9000004F  }
0xc2: {  	s28 =	simm.s32 $0x9;
	_ =	strace $0x80000051  }
0xc3: {  	_ =	swait.ge [sflag:s28], $0x1  }
0xc4: {  	[sflag:s28] =	ssyncadd.s32 $0xFFFFFFFF  }
0xc5: {  	_ =	strace $0x90000051  }
0xc6: {  	s4 =	sld [smem:$0x0];
	_ =	sdelay $0x3  }
0xc7: {  	s5 =	sadd.s32 @p0 $0x11BF3, s5;
	s7 =	sshll.u32 @p0 s4, $0x11  }
0xc8: {  	s5 =	sor.u32 @p0 s7, s5  }
0xc9: {  	[sflag:s5] =	ssyncadd.remote.s32 @p0 $0x1;
	_ =	sdelay $0x1  }
0xca: {  	s5 =	simm.s32 @p0 $0x1BF3  }
0xcb: {  	_ =	swait.eq @p0 [sflag:s5], $0x1  }
0xcc: {  	[sflag:s5] =	ssyncadd.s32 @p0 $0xFFFFFFFF;
	_ =	sdelay $0x1  }
0xcd: {  	s5 =	simm.s32 @!p0 $0x1BF3  }
0xce: {  	s4 =	sshll.u32 @!p0 s4, $0x11;
	s7 =	sadd.s32 @!p0 $0x11BF3, s8;
	_ =	swait.eq @!p0 [sflag:s5], $0x1  }
0xcf: {  	s4 =	sor.u32 @!p0 s4, s7;
	[sflag:s5] =	ssyncadd.s32 @!p0 $0xFFFFFFFF  }
0xd0: {  	[sflag:s4] =	ssyncadd.remote.s32 @!p0 $0x1  }
0xd1: {  	_ =	strace $0x80000052;
	[dreg:$0x1] =	wrdreg $0xFFFFFFFF  }
0xd2: {  	[dreg:$0x0] =	wrdreg $0x2030  }
0xd3: {  	[dreg:$0x2] =	wrdreg s22  }
0xd4: {  	[dreg:$0x3] =	wrdreg s1  }
0xd5: {  	[dreg:$0x4] =	wrdreg s3  }
0xd6: {  	[dreg:$0x5] =	wrdreg $0xA  }
0xd7: {  	_ =	task.clear_ibuf [dreg:s20], $0x6FFFF;
	_ =	strace $0x90000052  }
0xd8: {  	s29 =	simm.s32 $0xA;
	_ =	strace $0x80000054  }
0xd9: {  	_ =	swait.ge [sflag:s29], $0x1  }
0xda: {  	[sflag:s29] =	ssyncadd.s32 $0xFFFFFFFF  }
0xdb: {  	_ =	strace $0x90000054  }
0xdc: {  	_ =	sfence  }
0xdd: {  	s30 =	sld [smem:$0x0];
	_ =	sdelay $0x2  }
0xde: {  	s31 =	sshll.u32 s1, $0xD;
	s1 =	sshrl.u32 s1, $0x2  }
0xdf: {  	s4 =	sand.u32 $0x4000, s31;
	s1 =	sadd.s32 s1, s30  }
0xe0: {  	s0 =	sor.u32 s4, s0;
	s1 =	sshll.u32 s1, $0x11  }
0xe1: {  	s0 =	sor.u32 s1, s0  }
0xe2: {  	s0 =	sadd.s32 $0x8F2B, s0  }
0xe3: {  	[sflag:s0] =	ssyncadd.remote.s32 $0x1  }
0xe4: {  	_ =	sfence.sel $0xFFFF  }
0xe5: {  	[dreg:$0x0] =	wrdreg $0xFFFFFFFF;
	(pc) =	sbr.abs _section_cstart, $3  }
0xe6: {  	[dreg:$0x1] =	wrdreg $0xFFFFFFFF  }
0xe7: {  	_ =	task.clear_ibuf [dreg:s20], $0x2FFFF;
	_ =	strace $0x9FFFFFFF  }
0xe8: {  	(tm) =	ssettm $0x7FFFFFFF  }
0xe9: {  	_ =	shalt  }
tec
execute0_lowered:
.L_overlay_start_1:
0x0: {  	(tag) =	ssettag $0x1  }
0x1: {  	s4 =	rddreg [dreg:$0x0]  }
0x2: {  	s2 =	rddreg [dreg:$0x1]  }
0x3: {  	s3 =	rddreg [dreg:$0x2]  }
0x4: {  	s0 =	rddreg [dreg:$0x3];
	s5 =	stileid.u32;
	[bflag:$0x3] =	sbarrier.arrive $0xFFFF  }
0x5: {  	s1 =	simm.s32 $_size_execute1_lowered;
	s29 =	srdreg.scid;
	p0 =	sne.s32 s5, $0x0  }
0x6: {  	s1 =	sshll.u32 s1, $0x1;
	s6 =	simm.s32 @!p0 $0x1C3F;
	s7 =	simm.s32 @!p0 $0x4060  }
0x7: {  	[timem:s7], [sflag:s6] =	dma.local @!p0 [hbm:s4], s1  }
0x8: {  	s31 =	simm.s32 $0x2;
	s8 =	simm.s32 $0x0;
	s4 =	sshll.u32 s29, $0x7  }
.Ltmp0:
0x9: {  	s5 =	sshll.u32 s5, $0x8;
	s4 =	sand.u32 $0x80, s4;
	(pc) =	sbr.rel .LBB2_1-.Ltmp0, $4  }
0xa: {  	s12 =	simm.s32 $0x0;
	s10 =	simm.s32 $0x0;
	s4 =	sor.u32 s5, s4  }
0xb: {  	_ =	strace $0x80000050;
	s5 =	simm.s32 $0x1;
	s30 =	ssub.s32 $0x2700, s4  }
0xc: {  	s11 =	simm.s32 $0x0;
	[sflag:s5] =	ssyncpa.u1 $0x0;
	s6 =	sshrl.u32 s30, $0xC  }
0xd: {  	s9 =	smov.u32 s4;
	[sflag:s31] =	ssyncpa.u1 $0x0;
	s7 =	sadd.s32 $0x2, s6  }
.LBB2_4:
0xe: {  	_ = 	snop  }
.LBB2_7:
0xf: {  	_ =	sdelay $0x3  }
0x10: {  	[tilespmem:v0+s16+$0x0 ss:$0x1] =	vst.idx.msk @p1 $0xffff, v2  }
0x11: {  	v56 =	vld.idx.msk [tilespmem:v1+s15+$0x0 ss:$0x1], $0xffff;
	s24 =	sor.u32 $0x70, s15;
	[tilespmem:v0+s17+$0x0 ss:$0x1] =	vst.idx.msk @p1 $0xffff, v4  }
0x12: {  	s25 =	sor.u32 $0x10, s15;
	[tilespmem:v0+s18+$0x0 ss:$0x1] =	vst.idx.msk @p1 $0xffff, v3;
	v57 =	vld.idx.msk [tilespmem:v1+s24+$0x0 ss:$0x1], $0xffff  }
0x13: {  	s26 =	sor.u32 $0x20, s15;
	[tilespmem:v0+s19+$0x0 ss:$0x1] =	vst.idx.msk @p1 $0xffff, v5;
	v58 =	vld.idx.msk [tilespmem:v1+s25+$0x0 ss:$0x1], $0xffff  }
0x14: {  	s28 =	sor.u32 $0x30, s15;
	[tilespmem:v0+s20+$0x0 ss:$0x1] =	vst.idx.msk @p1 $0xffff, v6;
	v59 =	vld.idx.msk [tilespmem:v1+s26+$0x0 ss:$0x1], $0xffff  }
0x15: {  	s29 =	sor.u32 $0x40, s15;
	[tilespmem:v0+s21+$0x0 ss:$0x1] =	vst.idx.msk @p1 $0xffff, v7;
	v60 =	vld.idx.msk [tilespmem:v1+s28+$0x0 ss:$0x1], $0xffff  }
0x16: {  	s30 =	sor.u32 $0x50, s15;
	v61 =	vld.idx.msk [tilespmem:v1+s29+$0x0 ss:$0x1], $0xffff;
	[tilespmem:v0+s15+$0x0 ss:$0x1] =	vst.idx.msk $0xffff, v56  }
0x17: {  	s31 =	sor.u32 $0x60, s15;
	v62 =	vld.idx.msk [tilespmem:v1+s30+$0x0 ss:$0x1], $0xffff;
	[tilespmem:v0+s24+$0x0 ss:$0x1] =	vst.idx.msk $0xffff, v57  }
0x18: {  	v63 =	vld.idx.msk [tilespmem:v1+s31+$0x0 ss:$0x1], $0xffff;
	[tilespmem:v0+s25+$0x0 ss:$0x1] =	vst.idx.msk $0xffff, v58  }
0x19: {  	[tilespmem:v0+s26+$0x0 ss:$0x1] =	vst.idx.msk $0xffff, v59  }
0x1a: {  	[tilespmem:v0+s28+$0x0 ss:$0x1] =	vst.idx.msk $0xffff, v60  }
0x1b: {  	[tilespmem:v0+s29+$0x0 ss:$0x1] =	vst.idx.msk $0xffff, v61  }
0x1c: {  	[tilespmem:v0+s30+$0x0 ss:$0x1] =	vst.idx.msk $0xffff, v62  }
0x1d: {  	[tilespmem:v0+s31+$0x0 ss:$0x1] =	vst.idx.msk $0xffff, v63  }
.LBB2_8:
0x1e: {  	s15 =	sand.u32 $0x1FFFFFF, s10  }
0x1f: {  	s16 =	smulhi.u32 $0x1A36E2F, s15;
	_ =	sdelay $0x1  }
0x20: {  	s16 =	sshrl.u32 s16, $0x6  }
0x21: {  	s16 =	smul.u32 $0x2710, s16;
	_ =	sdelay $0x1  }
0x22: {  	s15 =	ssub.s32 s15, s16  }
0x23: {  	s15 =	sshll.u32 s15, $0x4  }
0x24: {  	s15 =	sadd.s32 s3, s15  }
0x25: {  	[hbm4b:s15+s8] =	stream.linear.scatter [tilespmem:s14], [sflag:$0x2], s13, $0x38;
	[tilespmem:$0x10000] =	vst v63  }
.LBB2_9:
0x26: {  	p1 =	slt.u32 s11, $0x2  }
0x27: {  	p2 =	sgt.s32 @!p1 s12, $0x2690  }
0x28: {  	s13 =	smov.u32 s12;
	s14 =	sshra.s32 @!p1 s12, $0x1F;
	p2 =	por !p2, p1  }
0x29: {  	s12 =	sand.u32 @!p1 s14, s12;
	s13 =	simm.s32 @p2 $0x2690  }
0x2a: {  	s12 =	ssub.s32 @!p1 s13, s12  }
0x2b: {  	s12 =	sadd.s32 @!p1 $0xFFFFD970, s12  }
0x2c: {  	s13 =	sshll.u32 @!p1 s12, $0x9  }
0x2d: {  	p2 =	sgt.s32 @!p1 s12, $0x7F;
	s12 =	ssub.s32 @!p1 $0x10000, s13  }
0x2e: {  	s14 =	sadd.s32 $0x1000, s9;
	p2 =	por !p2, p1;
	s12 =	sshrl.u32 @!p1 s12, $0x2  }
0x2f: {  	s12 =	simm.s32 @!p2 $0x0;
	p2 =	sgt.s32 s14, $0x270F  }
0x30: {  	s14 =	smov.u32 @p2 s4;
	p2 =	sne.s32 s11, s7  }
.Ltmp1:
0x31: {  	_ = 	snop;
	(pc) =	sbr.rel @!p2 .LBB2_10-.Ltmp1, $4  }
0x32: {  	s13 =	simm.s32 @!p1 $0x2  }
0x33: {  	_ =	swait.ge @!p1 [sflag:s13], s12;
	s15 =	ssub.s32 @!p1 $0x0, s12  }
0x34: {  	s12 =	smov.u32 s10;
	s11 =	sadd.s32 $0x1, s11;
	[sflag:s13] =	ssyncset.done @!p1 $0x0  }
0x35: {  	s10 =	smov.u32 s9;
	s9 =	smov.u32 s14;
	[sflag:s13] =	ssyncadd.s32 @!p1 s15  }
.LBB2_1:
0x36: {  	p1 =	sgt.u32 s11, s6  }
0x37: {  	s13 =	sand.u32 @!p1 $0x1FFFFFF, s9  }
0x38: {  	p2 =	sgt.s32 @!p1 s9, $0x2690;
	s14 =	smulhi.u32 @!p1 $0x1A36E2F, s13  }
0x39: {  	s15 =	smov.u32 s9;
	s16 =	sshra.s32 @!p1 s9, $0x1F;
	p2 =	por !p2, p1  }
0x3a: {  	s16 =	sand.u32 @!p1 s16, s9;
	s15 =	simm.s32 @p2 $0x2690;
	s14 =	sshrl.u32 @!p1 s14, $0x6  }
0x3b: {  	s15 =	ssub.s32 @!p1 s15, s16;
	s14 =	smul.u32 @!p1 $0x2710, s14  }
0x3c: {  	s16 =	sxor.u32 @!p1 $0xFFFFFFFF, s11;
	s15 =	sadd.s32 @!p1 $0xFFFFD970, s15  }
0x3d: {  	s16 =	sshll.u32 @!p1 s16, $0xE;
	s13 =	ssub.s32 @!p1 s13, s14;
	s14 =	sshll.u32 @!p1 s15, $0x9  }
0x3e: {  	s16 =	sand.u32 @!p1 $0x4000, s16;
	p2 =	sgt.s32 @!p1 s15, $0x7F;
	s14 =	ssub.s32 @!p1 $0x10000, s14  }
0x3f: {  	p2 =	por !p2, p1;
	s13 =	sshll.u32 @!p1 s13, $0x4;
	s14 =	sshrl.u32 @!p1 s14, $0x2  }
0x40: {  	s15 =	simm.s32 @!p1 $0x0;
	s13 =	sadd.s32 @!p1 s2, s13;
	s14 =	simm.s32 @!p2 $0x0  }
0x41: {  	[tilespmem:s16], [sflag:$0x1] =	stream.linear.gather @!p1 [hbm4b:s13+s15], s14, $0x38;
	[tilespmem:$0x10000] =	vst v63  }
0x42: {  	p1 =	seq.s32 s11, $0x0  }
0x43: {  	p2 =	sge.u32 @!p1 s11, s7  }
0x44: {  	p1 =	por p1, p2  }
.Ltmp2:
0x45: {  	_ = 	snop;
	(pc) =	sbr.rel @p1 .LBB2_9-.Ltmp2, $1  }
0x46: {  	_ =	sdelay $0x3  }
0x47: {  	p1 =	sgt.s32 s10, $0x2690;
	s13 =	smov.u32 s10;
	s14 =	sshra.s32 s10, $0x1F  }
0x48: {  	s13 =	simm.s32 @!p1 $0x2690;
	s14 =	sand.u32 s14, s10  }
0x49: {  	s13 =	ssub.s32 s13, s14  }
0x4a: {  	s13 =	sadd.s32 $0xFFFFD970, s13  }
0x4b: {  	s31 =	sshll.u32 s13, $0x9  }
0x4c: {  	s14 =	ssub.s32 $0x10000, s31  }
0x4d: {  	p1 =	sgt.s32 s13, $0x7F;
	s13 =	sshrl.u32 s14, $0x2;
	s14 =	sadd.s32 $0x80, s10  }
0x4e: {  	s13 =	simm.s32 @p1 $0x0;
	p1 =	slt.s32 s14, $0x2710  }
0x4f: {  	s14 =	simm.s32 @!p1 $0x2710  }
0x50: {  	s16 =	ssub.s32 s14, s10  }
0x51: {  	p1 =	slt.s32 s16, $0x1  }
.Ltmp3:
0x52: {  	_ = 	snop;
	(pc) =	sbr.rel @p1 .LBB2_8-.Ltmp3, $4  }
0x53: {  	_ = 	snop  }
0x54: {  	s15 =	sshll.u32 s11, $0xE;
	_ =	swait.ge [sflag:s5], s13  }
0x55: {  	s15 =	sand.u32 $0x4000, s15;
	s17 =	ssub.s32 $0x0, s13;
	[sflag:s5] =	ssyncset.done $0x0  }
0x56: {  	s14 =	sor.u32 $0x8000, s15;
	[sflag:s5] =	ssyncadd.s32 s17  }
0x57: {  	p2 =	sne.s32 s16, $0x1  }
.Ltmp4:
0x58: {  	v1 =	vmov s15;
	v0 =	vmov s14;
	(pc) =	sbr.rel @!p2 .LBB2_4-.Ltmp4, $3  }
0x59: {  	_ =	sdelay $0x1  }
0x5a: {  	s17 =	simm.s32 $0x0  }
0x5b: {  	s23 =	sadd.s32 $0xFFFFFFFF, s16;
	p1 =	por $0x0, $0x0;
	s15 =	sand.u32 $0x3F80, s17  }
0x5c: {  	_ =	sdelay $0x3  }
0x5d: {  	v6 =	vld.idx.msk [tilespmem:v1+s15+$0x0 ss:$0x1], $0xffff;
	s24 =	sor.u32 $0x70, s15  }
0x5e: {  	s16 =	sor.u32 $0x10, s15;
	v8 =	vld.idx.msk [tilespmem:v1+s24+$0x0 ss:$0x1], $0xffff  }
0x5f: {  	s17 =	sor.u32 $0x20, s15;
	p2 =	sne.s32 s23, $0x1;
	v2 =	vld.idx.msk [tilespmem:v1+s16+$0x0 ss:$0x1], $0xffff  }
.Ltmp5:
0x60: {  	s18 =	sor.u32 $0x30, s15;
	v4 =	vld.idx.msk [tilespmem:v1+s17+$0x0 ss:$0x1], $0xffff;
	(pc) =	sbr.rel @!p2 .LBB2_7-.Ltmp5, $4  }
0x61: {  	s19 =	sor.u32 $0x40, s15;
	v3 =	vld.idx.msk [tilespmem:v1+s18+$0x0 ss:$0x1], $0xffff  }
0x62: {  	s21 =	sor.u32 $0x60, s15;
	v5 =	vld.idx.msk [tilespmem:v1+s19+$0x0 ss:$0x1], $0xffff  }
0x63: {  	s20 =	sor.u32 $0x50, s15;
	s22 =	simm.s32 $0x80;
	v7 =	vld.idx.msk [tilespmem:v1+s21+$0x0 ss:$0x1], $0xffff;
	[tilespmem:v0+s15+$0x0 ss:$0x1] =	vst.idx.msk $0xffff, v6  }
0x64: {  	s23 =	sadd.s32 $0xFFFFFFFF, s23;
	p1 =	por $0x1, $0x1;
	v6 =	vld.idx.msk [tilespmem:v1+s20+$0x0 ss:$0x1], $0xffff;
	s15 =	sand.u32 $0x3F80, s22;
	[tilespmem:v0+s24+$0x0 ss:$0x1] =	vst.idx.msk $0xffff, v8  }
.LBB2_6:
0x65: {  	p2 =	sne.s32 s23, $0x1;
	v8 =	vld.idx.msk [tilespmem:v1+s15+$0x0 ss:$0x1], $0xffff;
	s24 =	sor.u32 $0x70, s15;
	[tilespmem:v0+s16+$0x0 ss:$0x1] =	vst.idx.msk $0xffff, v2;
	s16 =	sor.u32 $0x10, s15  }
0x66: {  	s25 =	sor.u32 $0x30, s15;
	s26 =	sor.u32 $0x40, s15;
	v9 =	vld.idx.msk [tilespmem:v1+s24+$0x0 ss:$0x1], $0xffff;
	[tilespmem:v0+s17+$0x0 ss:$0x1] =	vst.idx.msk $0xffff, v4;
	s17 =	sor.u32 $0x20, s15  }
0x67: {  	s28 =	sor.u32 $0x50, s15;
	s29 =	sor.u32 $0x60, s15;
	v2 =	vld.idx.msk [tilespmem:v1+s16+$0x0 ss:$0x1], $0xffff;
	[tilespmem:v0+s18+$0x0 ss:$0x1] =	vst.idx.msk $0xffff, v3;
	s18 =	smov.u32 s25  }
.Ltmp6:
0x68: {  	v4 =	vld.idx.msk [tilespmem:v1+s17+$0x0 ss:$0x1], $0xffff;
	[tilespmem:v0+s19+$0x0 ss:$0x1] =	vst.idx.msk $0xffff, v5;
	s19 =	smov.u32 s26;
	(pc) =	sbr.rel @p2 .LBB2_6-.Ltmp6, $4  }
0x69: {  	v3 =	vld.idx.msk [tilespmem:v1+s18+$0x0 ss:$0x1], $0xffff;
	[tilespmem:v0+s20+$0x0 ss:$0x1] =	vst.idx.msk $0xffff, v6;
	s20 =	smov.u32 s28  }
0x6a: {  	v5 =	vld.idx.msk [tilespmem:v1+s19+$0x0 ss:$0x1], $0xffff;
	[tilespmem:v0+s21+$0x0 ss:$0x1] =	vst.idx.msk $0xffff, v7;
	s21 =	smov.u32 s29  }
0x6b: {  	s22 =	sadd.s32 $0x80, s22;
	[tilespmem:v0+s15+$0x0 ss:$0x1] =	vst.idx.msk $0xffff, v8;
	v6 =	vld.idx.msk [tilespmem:v1+s20+$0x0 ss:$0x1], $0xffff  }
0x6c: {  	s23 =	sadd.s32 $0xFFFFFFFF, s23;
	s15 =	sand.u32 $0x3F80, s22;
	v7 =	vld.idx.msk [tilespmem:v1+s21+$0x0 ss:$0x1], $0xffff;
	[tilespmem:v0+s24+$0x0 ss:$0x1] =	vst.idx.msk $0xffff, v9  }
.Ltmp7:
0x6d: {  	_ = 	snop;
	(pc) =	sbr.rel .LBB2_7-.Ltmp7, $1  }
0x6e: {  	_ =	sdelay $0x3  }
.LBB2_10:
0x6f: {  	_ =	sfence.sel $0x180000  }
0x70: {  	s2 =	simm.s32 $0x1;
	[bflag:$0x0] =	sbarrier.arrive $0xFFFF  }
0x71: {  	s31 =	simm.s32 $0x2;
	[sflag:s2] =	ssyncpa.u1 $0x1  }
0x72: {  	[sflag:s31] =	ssyncpa.u1 $0x1  }
0x73: {  	_ =	strace $0x90000050  }
0x74: {  	s0 =	sadd.s32 @!p0 $0x100000, s0;
	[bflag:$0x2] =	sbarrier.arrive $0xFFFF  }
0x75: {  	[sflag:s0] =	ssyncadd.tile.s32 @!p0 $0x1;
	s0 =	simm.s32 @!p0 $0x3F  }
0x76: {  	_ =	swait.ge @!p0 [sflag:s0], s1  }
0x77: {  	s1 =	ssub.s32 @!p0 $0x0, s1;
	[sflag:s0] =	ssyncset.done @!p0 $0x0  }
0x78: {  	[sflag:s0] =	ssyncadd.s32 @!p0 s1  }
0x79: {  	[bflag:$0x3] =	sbarrier.arrive $0xFFFF  }
0x7a: {  	_ =	shalt  }
.Lfunc_end2:
execute1_lowered:
.L_overlay_start_2:
0x7b: {  	(tag) =	ssettag $0x2  }
0x7c: {  	s1 =	rddreg [dreg:$0x0]  }
0x7d: {  	s2 =	rddreg [dreg:$0x1];
	_ =	strace $0x80000053;
	s0 =	simm.s32 $0x1  }
0x7e: {  	v0 =	vimm.s32 $0x0;
	[sflag:s0] =	ssyncpa.u1 $0x0;
	s0 =	simm.s32 $0x108  }
0x7f: {  	[tilespmem:s0+$0x70] =	vst v0  }
0x80: {  	[tilespmem:s0+$0x60] =	vst v0  }
0x81: {  	[tilespmem:s0+$0x50] =	vst v0  }
0x82: {  	[tilespmem:s0+$0x40] =	vst v0  }
0x83: {  	[tilespmem:s0+$0x30] =	vst v0  }
0x84: {  	s3 =	simm.s32 $0x40;
	s15 =	sadd.s32 $0xB1200, s1;
	[tilespmem:s0+$0x20] =	vst v0  }
0x85: {  	s6 =	sadd.s32 $0xE2800, s1;
	s14 =	sadd.s32 $0xBB000, s1;
	s5 =	sand.u32 $0x1, s2;
	[tilespmem:s0+$0x10] =	vst v0  }
.LBB3_1:
0x86: {  	s3 =	sadd.s32 $0x40, s3;
	[tilespmem:s0+$0x0] =	vst v0;
	s0 =	sadd.s32 $0x80, s0  }
0x87: {  	p0 =	slt.u32 s3, $0x3C40;
	[tilespmem:s0+$0x70] =	vst v0  }
0x88: {  	[tilespmem:s0+$0x60] =	vst v0  }
.Ltmp8:
0x89: {  	[tilespmem:s0+$0x50] =	vst v0;
	(pc) =	sbr.rel @p0 .LBB3_1-.Ltmp8, $4  }
0x8a: {  	[tilespmem:s0+$0x40] =	vst v0  }
0x8b: {  	[tilespmem:s0+$0x30] =	vst v0  }
0x8c: {  	[tilespmem:s0+$0x20] =	vst v0  }
0x8d: {  	[tilespmem:s0+$0x10] =	vst v0  }
0x8e: {  	s9 =	stileid.u32  }
0x8f: {  	s2 =	smul.u32 $0x29, s9  }
0x90: {  	s3 =	smin.u32 s9, $0xB  }
0x91: {  	s2 =	sadd.s32 s3, s2  }
0x92: {  	p0 =	slt.u32 s9, $0xB;
	s7 =	smul.u32 $0xF0, s2;
	s2 =	simm.s32 $0x2760  }
0x93: {  	s2 =	simm.s32 @!p0 $0x2670  }
0x94: {  	s2 =	sadd.s32 s2, s7  }
0x95: {  	s8 =	smin.u32 s2, $0x27100  }
0x96: {  	s2 =	ssub.s32 s8, s7  }
0x97: {  	p0 =	sgt.s32 s2, $0x0  }
0x98: {  	s29 =	simm.s32 $0x2;
	s10 =	simm.s32 $0x9;
	s2 =	simm.s32 @!p0 $0x0  }
0x99: {  	s4 =	simm.s32 $0xA;
	s11 =	simm.s32 $0xB;
	s28 =	smulhi.u32 $0x88888889, s2  }
0x9a: {  	[dreg:$0x4] =	wrdreg s5;
	s31 =	smul.u32 $0x4E20, s5;
	s12 =	simm.s32 $0x1  }
0x9b: {  	s22 =	simm.s32 $0x0;
	s18 =	simm.s32 $0xC;
	s30 =	sshrl.u32 s28, $0x7  }
0x9c: {  	s20 =	simm.s32 $0x0;
	s21 =	simm.s32 $0x0;
	s3 =	smul.u32 $0xF0, s30  }
.Ltmp9:
0x9d: {  	[tilespmem:s0+$0x0] =	vst v0;
	v0 =	vimm.s32 $0xFFFFFFFF;
	[sflag:s29] =	ssyncpa.u1 $0x0;
	s16 =	sshll.u32 s9, $0x8;
	(pc) =	sbr.rel .LBB3_3-.Ltmp9, $4  }
0x9e: {  	[tilespmem:$0xF208] =	vst v0;
	[sflag:s10] =	ssyncpa.u1 $0x0;
	p0 =	sne.s32 s2, s3;
	s2 =	simm.s32 $0x1  }
0x9f: {  	s14 =	sadd.s32 s31, s14;
	[sflag:s4] =	ssyncpa.u1 $0x0;
	s2 =	simm.s32 @!p0 $0x0  }
0xa0: {  	s15 =	sadd.s32 s31, s15;
	[sflag:s11] =	ssyncpa.u1 $0x0;
	s13 =	sadd.s32 s2, s30  }
0xa1: {  	v0 =	vlaneseq.u32;
	s19 =	smov.u32 s7;
	p0 =	por $0x0, $0x0;
	s17 =	sadd.s32 $0x1, s13  }
.LBB3_18:
0xa2: {  	s0 =	sshrl.u32 s31, $0x2  }
.LBB3_20:
0xa3: {  	_ =	swait.ge [sflag:s18], s0  }
0xa4: {  	s31 =	ssub.s32 $0x0, s0;
	v1 =	vmov s24;
	vm0 =	veq.s32 v0, $0x0;
	[sflag:s18] =	ssyncset.done $0x0  }
0xa5: {  	vm15 =	veq.s32 v0, $0x2;
	v1 =	vsel vm0, s30, v1;
	[sflag:s18] =	ssyncadd.s32 s31  }
0xa6: {  	v1 =	vsel vm15, s22, v1;
	[sflag:s18] =	ssyncpa.u1 $0x1  }
0xa7: {  	[tilespmem:$0xF208] =	vst v1  }
.LBB3_21:
0xa8: {  	s0 =	sadd.s32 $0xF0, s19  }
0xa9: {  	s2 =	smov.u32 s7;
	p1 =	slt.s32 s0, s8  }
0xaa: {  	s2 =	smov.u32 @p1 s0;
	p1 =	sne.s32 s21, s17  }
.Ltmp10:
0xab: {  	_ = 	snop;
	(pc) =	sbr.rel @!p1 .LBB3_22-.Ltmp10, $3  }
0xac: {  	_ =	sdelay $0x1  }
0xad: {  	s22 =	smov.u32 s20;
	s31 =	sadd.s32 $0x1, s21;
	s20 =	smov.u32 s19  }
0xae: {  	p0 =	por !p0, !p0;
	s21 =	smov.u32 s31;
	s19 =	smov.u32 s2  }
.LBB3_3:
0xaf: {  	p1 =	sge.u32 s21, s13  }
0xb0: {  	s0 =	smulhi.u32 @!p1 $0xAAAAAAAB, s21  }
0xb1: {  	s2 =	smov.u32 s19;
	p2 =	sgt.s32 @!p1 s19, $0x27010  }
0xb2: {  	s3 =	sshra.s32 @!p1 s19, $0x1F;
	p2 =	por !p2, p1;
	s0 =	sshrl.u32 @!p1 s0, $0x1  }
0xb3: {  	s3 =	sand.u32 @!p1 s3, s19;
	s2 =	simm.s32 @p2 $0x27010;
	s0 =	smul.u32 @!p1 $0x3, s0  }
0xb4: {  	s2 =	ssub.s32 @!p1 s2, s3  }
0xb5: {  	s2 =	sadd.s32 @!p1 $0xFFFD8FF0, s2;
	s0 =	ssub.s32 @!p1 s21, s0  }
0xb6: {  	s3 =	sshll.u32 @!p1 s2, $0x2;
	p2 =	sgt.s32 @!p1 s2, $0xEF;
	s0 =	smul.u32 @!p1 $0x3C0, s0  }
0xb7: {  	s4 =	sand.u32 @!p1 $0x7, s19;
	s2 =	ssub.s32 @!p1 $0x3C0, s3;
	p2 =	por !p2, p1  }
0xb8: {  	s3 =	sshrl.u32 @!p1 s19, $0x3;
	s2 =	sshrl.u32 @!p1 s2, $0x2;
	s0 =	sshrl.u32 @!p1 s0, $0x2  }
0xb9: {  	s3 =	sadd.s32 @!p1 s3, s14;
	s2 =	simm.s32 @!p2 $0x0;
	s0 =	sadd.s32 @!p1 $0x10248, s0  }
0xba: {  	[tilespmem:s0], [sflag:$0xA] =	stream.linear.gather @!p1 [hbm4b:s3+s4], s2, $0x38;
	[tilespmem:$0x1F6F8] =	vst v63  }
0xbb: {  	s0 =	sadd.s32 $0xFFFFFFFF, s21  }
0xbc: {  	p1 =	sge.u32 s0, s13  }
0xbd: {  	p2 =	sgt.s32 @!p1 s20, $0x27010  }
0xbe: {  	s2 =	smov.u32 s20;
	s3 =	sshra.s32 @!p1 s20, $0x1F;
	p2 =	por !p2, p1  }
0xbf: {  	s3 =	sand.u32 @!p1 s3, s20;
	s2 =	simm.s32 @p2 $0x27010  }
0xc0: {  	s2 =	ssub.s32 @!p1 s2, s3  }
0xc1: {  	s2 =	sadd.s32 @!p1 $0xFFFD8FF0, s2  }
0xc2: {  	s4 =	sand.u32 @!p1 $0x1, s0;
	s3 =	sshll.u32 @!p1 s2, $0x2  }
0xc3: {  	p2 =	sgt.s32 @!p1 s2, $0xEF;
	s2 =	ssub.s32 @!p1 $0x3C0, s3;
	s3 =	smulhi.u32 @!p1 $0xAAAAAAAB, s0  }
0xc4: {  	s23 =	smul.u32 @!p1 $0x3C0, s4;
	p2 =	por !p2, p1;
	s2 =	sshrl.u32 @!p1 s2, $0x2  }
0xc5: {  	s5 =	simm.s32 @!p1 $0xA;
	s2 =	simm.s32 @!p2 $0x0;
	s3 =	sshrl.u32 @!p1 s3, $0x1  }
0xc6: {  	s23 =	sshrl.u32 @!p1 s23, $0x2;
	_ =	swait.ge @!p1 [sflag:s5], s2;
	s3 =	smul.u32 @!p1 $0x3, s3  }
0xc7: {  	s23 =	sadd.s32 @!p1 $0x10518, s23;
	s24 =	ssub.s32 @!p1 $0x0, s2;
	[sflag:s5] =	ssyncset.done @!p1 $0x0  }
0xc8: {  	[sflag:s5] =	ssyncadd.s32 @!p1 s24;
	s5 =	sshrl.u32 @!p1 s20, $0x3;
	s0 =	ssub.s32 @!p1 s0, s3  }
0xc9: {  	s24 =	sand.u32 @!p1 $0x7, s20;
	s5 =	sadd.s32 @!p1 s5, s15;
	s0 =	smul.u32 @!p1 $0x3C0, s0  }
0xca: {  	[tilespmem:s23], [sflag:$0xB] =	stream.linear.gather @!p1 [hbm4b:s5+s24], s2, $0x38;
	[tilespmem:$0x1F6F8] =	vst v63  }
0xcb: {  	s3 =	ssub.s32 @!p1 $0x27100, s20;
	s2 =	smul.u32 @!p1 $0x1E000, s4  }
0xcc: {  	p2 =	slt.s32 @!p1 s3, $0xF0  }
0xcd: {  	p2 =	por !p2, p1;
	s0 =	sshrl.u32 @!p1 s0, $0x2;
	s2 =	sshrl.u32 @!p1 s2, $0x2  }
0xce: {  	s3 =	simm.s32 @p2 $0xF0;
	s0 =	sadd.s32 @!p1 $0x10248, s0;
	s2 =	sor.u32 @!p1 $0x106F8, s2  }
0xcf: {  	[tilespmem:s2], [sflag:$0x9] =	stream.indirect.gather @!p1 [hbm4b:s6+s3], $0x80, s0, s3, $0xb8;
	[tilespmem:$0x1F6F8] =	vst v63  }
0xd0: {  	p1 =	slt.u32 s21, $0x2  }
.Ltmp11:
0xd1: {  	_ = 	snop;
	(pc) =	sbr.rel @p1 .LBB3_21-.Ltmp11, $1  }
0xd2: {  	_ =	sdelay $0x3  }
0xd3: {  	p1 =	sgt.s32 s22, $0x27010  }
0xd4: {  	s0 =	smov.u32 s22;
	s2 =	sshra.s32 s22, $0x1F;
	s3 =	ssub.s32 $0x27100, s22  }
0xd5: {  	s0 =	simm.s32 @!p1 $0x27010;
	s2 =	sand.u32 s2, s22;
	p1 =	slt.s32 s3, $0xF0  }
0xd6: {  	s0 =	ssub.s32 s0, s2;
	s3 =	simm.s32 @!p1 $0xF0  }
0xd7: {  	s0 =	sadd.s32 $0xFFFD8FF0, s0;
	s25 =	sshll.u32 s3, $0x7  }
0xd8: {  	s26 =	sshll.u32 s0, $0x2;
	s2 =	sand.u32 $0x3FFFFF80, s25  }
0xd9: {  	p1 =	sgt.s32 s0, $0xEF;
	s29 =	ssub.s32 $0x3C0, s26;
	_ =	swait.ge [sflag:s10], s2  }
0xda: {  	s2 =	ssub.s32 $0x0, s2;
	[sflag:s10] =	ssyncset.done $0x0;
	s0 =	sshrl.u32 s29, $0x2  }
0xdb: {  	[sflag:s10] =	ssyncadd.s32 s2;
	s0 =	simm.s32 @p1 $0x0  }
0xdc: {  	_ =	swait.ge [sflag:s11], s0  }
0xdd: {  	s0 =	ssub.s32 $0x0, s0;
	[sflag:s11] =	ssyncset.done $0x0  }
0xde: {  	[sflag:s11] =	ssyncadd.s32 s0  }
0xdf: {  	v1 =	vld [tilespmem:$0xF208];
	_ =	sdelay $0x4  }
0xe0: {  	(v2sf) =	vpush v1, $0x0  }
0xe1: {  	(v2sf) =	vpush v1, $0x1  }
0xe2: {  	(v2sf) =	vpush v1, $0x2;
	_ =	sdelay $0x3  }
0xe3: {  	s0 =	sadd.s32 $0xF0, s22  }
0xe4: {  	s2 =	ssub.s32 $0x4E200, s22;
	p1 =	slt.s32 s8, s0  }
0xe5: {  	s0 =	smov.u32 @p1 s8;
	p1 =	sgt.s32 s2, $0x0  }
0xe6: {  	s26 =	ssub.s32 s0, s22;
	s2 =	simm.s32 @!p1 $0x0  }
0xe7: {  	p1 =	slt.s32 s2, s26  }
0xe8: {  	s26 =	smov.u32 @p1 s2  }
0xe9: {  	s25 =	simm.s32 $0x1;
	p1 =	slt.s32 s26, $0x1  }
.Ltmp12:
0xea: {  	s25 =	simm.s32 @!p0 $0x0;
	(pc) =	sbr.rel @p1 .LBB3_8-.Ltmp12, $4  }
0xeb: {  	s31 =	smul.u32 $0x3C0, s25  }
0xec: {  	s28 =	spop (v2sf)  }
0xed: {  	s0 =	sshrl.u32 s31, $0x2;
	s30 =	spop (v2sf)  }
0xee: {  	s23 =	sadd.s32 $0x10518, s0;
	s22 =	spop (v2sf)  }
0xef: {  	s0 =	smin.u32 s26, $0x10  }
0xf0: {  	v1 =	vmov s0  }
0xf1: {  	p2 =	sgt.s32 s26, $0x10;
	vm1 =	vgt.u32 v1, v0  }
.Ltmp13:
0xf2: {  	_ = 	snop;
	(pc) =	sbr.rel @!p2 .LBB3_7-.Ltmp13, $2  }
0xf3: {  	_ =	sdelay $0x2  }
0xf4: {  	s4 =	simm.s32 $0x10;
	s24 =	sadd.s32 $0xFFFFFFF0, s26;
	s0 =	smov.u32 s23;
	vm0 =	vmmov vm1  }
.LBB3_6:
0xf5: {  	s2 =	smin.u32 s24, $0x10;
	s4 =	sadd.s32 $0x10, s4;
	v1 =	vld.msk [tilespmem:s0+$0x0 ss:$0x1], vm1  }
0xf6: {  	v2 =	vmov s2;
	p2 =	slt.s32 s4, s26  }
0xf7: {  	vm1 =	vgt.u32 v2, v0  }
.Ltmp14:
0xf8: {  	(pc) =	sbr.rel @p2 .LBB3_6-.Ltmp14, $3  }
0xf9: {  	_ =	sdelay $0x1  }
0xfa: {  	v1 =	vshll.u32 v1, $0x4  }
0xfb: {  	s24 =	sadd.s32 $0xFFFFFFF0, s24;
	[tilespmem:s0+$0x0] =	vst.msk vm0, v1;
	s0 =	sadd.s32 $0x10, s0;
	vm0 =	vmmov vm1  }
.LBB3_7:
0xfc: {  	_ =	sdelay $0x4  }
0xfd: {  	v1 =	vld.msk [tilespmem:s0+$0x0 ss:$0x1], vm1;
	_ =	sdelay $0x4  }
0xfe: {  	v1 =	vshll.u32 v1, $0x4  }
0xff: {  	[tilespmem:s0+$0x0] =	vst.msk vm0, v1  }
.LBB3_8:
0x100: {  	s0 =	sand.u32 $0x1, s21  }
0x101: {  	s0 =	smul.u32 $0xF0, s0  }
0x102: {  	p2 =	sne.s32 s30, $0xFFFFFFFF  }
0x103: {  	v1 =	vld.msk @!p2 [tilespmem:s0+$0x10518], $0x1;
	_ =	sdelay $0x4  }
0x104: {  	(v2sf) =	vpush @!p2 v1, $0x0;
	_ =	sdelay $0xc  }
.Ltmp15:
0x105: {  	_ = 	snop;
	(pc) =	sbr.rel @p1 .LBB3_19-.Ltmp15, $4  }
0x106: {  	_ = 	snop  }
0x107: {  	s29 =	spop @!p2 (v2sf)  }
0x108: {  	s22 =	simm.s32 @!p2 $0x0;
	s24 =	smov.u32 s29  }
0x109: {  	[sflag:s18] =	ssyncpa.u1 $0x0;
	s29 =	smov.u32 @p2 s28;
	s24 =	smov.u32 @p2 s30  }
0x10a: {  	v1 =	vld.msk [tilespmem:s23+$0x0], $0x1;
	_ =	sdelay $0x4  }
0x10b: {  	(v2sf) =	vpush v1, $0x0;
	_ =	sdelay $0xe  }
0x10c: {  	s2 =	smul.u32 $0x1E000, s25;
	s0 =	spop (v2sf)  }
0x10d: {  	s26 =	ssub.s32 $0x0, s26;
	p1 =	seq.s32 s29, s0  }
0x10e: {  	s30 =	sadd.s32 $0x1, s26;
	s2 =	sshrl.u32 s2, $0x2;
	p2 =	sgt.s32 @!p1 s29, $0x0  }
0x10f: {  	s25 =	sor.u32 $0x10738, s2;
	s2 =	smov.u32 s29;
	p2 =	por !p2, p1  }
0x110: {  	s2 =	simm.s32 @p2 $0x0;
	p2 =	seq.s32 s30, $0x0  }
.Ltmp16:
0x111: {  	_ = 	snop;
	(pc) =	sbr.rel @p2 .LBB3_11-.Ltmp16, $4  }
0x112: {  	_ = 	snop  }
0x113: {  	s28 =	simm.s32 $0x0;
	s31 =	sadd.s32 $0x1, s23;
	s2 =	smin.u32 @!p1 s2, $0x270F0  }
0x114: {  	s4 =	simm.s32 @!p1 $0x1;
	s5 =	simm.s32 @!p1 $0x7988;
	s3 =	sand.u32 @!p1 $0x3FFF8, s2  }
0x115: {  	s4 =	smov.u32 @p1 s28;
	s2 =	sand.u32 @!p1 $0x7, s2;
	s3 =	sadd.s32 @!p1 s1, s3  }
.LBB3_10:
0x116: {  	s9 =	smov.u32 s4  }
0x117: {  	[tilespmem:s5], [sflag:$0x2] =	stream.linear.gather @!p1 [hbm4b:s3+s2], $0x80, $0x38;
	[tilespmem:$0x1F6F8] =	vst v63  }
0x118: {  	s30 =	sadd.s32 $0x1, s30;
	s2 =	smov.u32 s0;
	v1 =	vld.msk [tilespmem:s31+$0x0], $0x1  }
0x119: {  	p2 =	seq.s32 s30, $0x0;
	_ =	sdelay $0x3  }
0x11a: {  	(v2sf) =	vpush v1, $0x0;
	_ =	sdelay $0xe  }
0x11b: {  	s0 =	spop (v2sf)  }
0x11c: {  	p1 =	seq.s32 s2, s0  }
0x11d: {  	p3 =	sgt.s32 @!p1 s2, $0x0;
	s3 =	sshll.u32 @!p1 s4, $0x9;
	s4 =	sadd.s32 @!p1 $0x1, s4  }
.Ltmp17:
0x11e: {  	p3 =	por !p3, p1;
	s3 =	sshra.s32 @!p1 s3, $0x2;
	(pc) =	sbr.rel @!p2 .LBB3_10-.Ltmp17, $4  }
0x11f: {  	s4 =	smov.u32 @p1 s9;
	s2 =	simm.s32 @p3 $0x0;
	s5 =	sadd.s32 @!p1 $0x7988, s3  }
0x120: {  	s2 =	smin.u32 @!p1 s2, $0x270F0  }
0x121: {  	s3 =	sand.u32 @!p1 $0x3FFF8, s2;
	s2 =	sand.u32 @!p1 $0x7, s2  }
0x122: {  	s31 =	sadd.s32 $0x1, s31;
	s3 =	sadd.s32 @!p1 s1, s3  }
.LBB3_11:
0x123: {  	[tilespmem:s5], [sflag:$0x2] =	stream.linear.gather @!p1 [hbm4b:s3+s2], $0x80, $0x38;
	[tilespmem:$0x1F6F8] =	vst v63  }
.Ltmp18:
0x124: {  	s0 =	sshll.u32 s4, $0x7;
	(pc) =	sbr.rel .LBB3_12-.Ltmp18, $4  }
0x125: {  	s30 =	simm.s32 $0x2;
	s0 =	sand.u32 $0x3FFFFF80, s0  }
0x126: {  	_ =	swait.ge [sflag:s30], s0  }
0x127: {  	s0 =	ssub.s32 $0x0, s0;
	[sflag:s30] =	ssyncset.done $0x0  }
0x128: {  	s31 =	simm.s32 $0x0;
	[sflag:s30] =	ssyncadd.s32 s0  }
.LBB3_13:
0x129: {  	v1 =	vld [tilespmem:s25+$0xFFFFFFC0];
	_ =	sdelay $0x3  }
0x12a: {  	s0 =	sshra.s32 s0, $0x2  }
0x12b: {  	[tilespmem:s0+$0x108] =	vst.add.f32.msk $0xffff, v1  }
0x12c: {  	v1 =	vld [tilespmem:s25+$0xFFFFFFD0];
	_ =	sdelay $0x4  }
0x12d: {  	[tilespmem:s0+$0x118] =	vst.add.f32.msk $0xffff, v1  }
0x12e: {  	v1 =	vld [tilespmem:s25+$0xFFFFFFE0];
	_ =	sdelay $0x4  }
0x12f: {  	[tilespmem:s0+$0x128] =	vst.add.f32.msk $0xffff, v1  }
0x130: {  	v1 =	vld [tilespmem:s25+$0xFFFFFFF0];
	_ =	sdelay $0x4  }
0x131: {  	[tilespmem:s0+$0x138] =	vst.add.f32.msk $0xffff, v1  }
0x132: {  	v1 =	vld [tilespmem:s25+$0x0];
	_ =	sdelay $0x4  }
0x133: {  	[tilespmem:s0+$0x148] =	vst.add.f32.msk $0xffff, v1  }
0x134: {  	v1 =	vld [tilespmem:s25+$0x10];
	_ =	sdelay $0x4  }
0x135: {  	[tilespmem:s0+$0x158] =	vst.add.f32.msk $0xffff, v1  }
0x136: {  	v1 =	vld [tilespmem:s25+$0x20];
	_ =	sdelay $0x4  }
0x137: {  	[tilespmem:s0+$0x168] =	vst.add.f32.msk $0xffff, v1  }
0x138: {  	v1 =	vld [tilespmem:s25+$0x30];
	_ =	sdelay $0x4  }
0x139: {  	[tilespmem:s0+$0x178] =	vst.add.f32.msk $0xffff, v1  }
.LBB3_17:
0x13a: {  	s26 =	sadd.s32 $0x1, s26  }
0x13b: {  	p1 =	seq.s32 s26, $0x0  }
.Ltmp19:
0x13c: {  	_ = 	snop;
	(pc) =	sbr.rel @p1 .LBB3_18-.Ltmp19, $2  }
0x13d: {  	_ =	sdelay $0x2  }
0x13e: {  	s23 =	sadd.s32 $0x1, s23;
	s25 =	sadd.s32 $0x80, s25;
	s29 =	smov.u32 s30  }
.LBB3_12:
0x13f: {  	v1 =	vld.msk [tilespmem:s23+$0x0], $0x1;
	_ =	sdelay $0x4  }
0x140: {  	(v2sf) =	vpush v1, $0x0;
	_ =	sdelay $0xe  }
0x141: {  	s30 =	spop (v2sf)  }
0x142: {  	p1 =	sne.s32 s29, s30  }
.Ltmp20:
0x143: {  	_ = 	snop;
	(pc) =	sbr.rel @!p1 .LBB3_13-.Ltmp20, $2  }
0x144: {  	_ =	sdelay $0x2  }
0x145: {  	s0 =	sshll.u32 s22, $0x9  }
0x146: {  	p1 =	seq.s32 s29, s24  }
.Ltmp21:
0x147: {  	_ = 	snop;
	(pc) =	sbr.rel @!p1 .LBB3_15-.Ltmp21, $1  }
0x148: {  	_ =	sdelay $0x3  }
0x149: {  	s0 =	sshra.s32 s0, $0x2  }
.Ltmp22:
0x14a: {  	s0 =	sadd.s32 $0x108, s0;
	(pc) =	sbr.rel .LBB3_16-.Ltmp22, $4  }
0x14b: {  	[spmem:s16] =	stream.linear.scatter [tilespmem:s0], [sflag:$0x1], $0x80, $0x38;
	[tilespmem:$0x1F6F8] =	vst v63  }
0x14c: {  	_ =	swait.ge [sflag:s12], $0x80  }
0x14d: {  	[sflag:s12] =	ssyncset.done $0x0  }
0x14e: {  	[sflag:s12] =	ssyncadd.s32 $0xFFFFFF80  }
.LBB3_15:
0x14f: {  	s2 =	sshll.u32 s28, $0x9  }
0x150: {  	s2 =	sshra.s32 s2, $0x2  }
0x151: {  	v1 =	vld [tilespmem:s2+$0x7988];
	_ =	sdelay $0x3  }
0x152: {  	s0 =	sshra.s32 s0, $0x2  }
0x153: {  	[tilespmem:s0+$0x108] =	vst.add.f32.msk $0xffff, v1  }
0x154: {  	v1 =	vld [tilespmem:s2+$0x7998];
	_ =	sdelay $0x4  }
0x155: {  	[tilespmem:s0+$0x118] =	vst.add.f32.msk $0xffff, v1  }
0x156: {  	v1 =	vld [tilespmem:s2+$0x79A8];
	_ =	sdelay $0x4  }
0x157: {  	[tilespmem:s0+$0x128] =	vst.add.f32.msk $0xffff, v1  }
0x158: {  	v1 =	vld [tilespmem:s2+$0x79B8];
	_ =	sdelay $0x4  }
0x159: {  	[tilespmem:s0+$0x138] =	vst.add.f32.msk $0xffff, v1  }
0x15a: {  	v1 =	vld [tilespmem:s2+$0x79C8];
	_ =	sdelay $0x4  }
0x15b: {  	[tilespmem:s0+$0x148] =	vst.add.f32.msk $0xffff, v1  }
0x15c: {  	v1 =	vld [tilespmem:s2+$0x79D8];
	_ =	sdelay $0x4  }
0x15d: {  	[tilespmem:s0+$0x158] =	vst.add.f32.msk $0xffff, v1  }
0x15e: {  	v1 =	vld [tilespmem:s2+$0x79E8];
	_ =	sdelay $0x4  }
0x15f: {  	[tilespmem:s0+$0x168] =	vst.add.f32.msk $0xffff, v1  }
0x160: {  	v1 =	vld [tilespmem:s2+$0x79F8];
	_ =	sdelay $0x2  }
0x161: {  	p1 =	sgt.u32 s29, $0x270F0  }
0x162: {  	s2 =	sand.u32 @!p1 $0x3FFF8, s29  }
0x163: {  	s3 =	sadd.s32 $0x108, s0;
	[tilespmem:s0+$0x178] =	vst.add.f32.msk $0xffff, v1;
	s0 =	sadd.s32 @!p1 s1, s2;
	s2 =	sand.u32 @!p1 $0x7, s29  }
0x164: {  	[hbm4b:s0+s2] =	stream.linear.scatter @!p1 [tilespmem:s3], [sflag:$0xC], $0x80, $0x38;
	[tilespmem:$0x1F6F8] =	vst v63  }
0x165: {  	s0 =	simm.s32 $0x0  }
0x166: {  	s0 =	simm.s32 @!p1 $0x200  }
0x167: {  	s31 =	sadd.s32 s0, s31  }
.LBB3_16:
0x168: {  	s0 =	sadd.s32 $0x1, s22  }
0x169: {  	s2 =	smulhi.u32 $0x88888889, s0;
	_ =	sdelay $0x1  }
0x16a: {  	v1 =	vld [tilespmem:s25+$0xFFFFFFC0];
	s2 =	sshrl.u32 s2, $0x7  }
0x16b: {  	s2 =	smul.u32 $0xF0, s2;
	_ =	sdelay $0x1  }
0x16c: {  	s22 =	ssub.s32 s0, s2  }
0x16d: {  	s0 =	sshll.u32 s22, $0x7  }
0x16e: {  	[tilespmem:s0+$0x108] =	vst v1  }
0x16f: {  	v1 =	vld [tilespmem:s25+$0xFFFFFFD0];
	_ =	sdelay $0x4  }
0x170: {  	[tilespmem:s0+$0x118] =	vst v1  }
0x171: {  	v1 =	vld [tilespmem:s25+$0xFFFFFFE0];
	_ =	sdelay $0x4  }
0x172: {  	[tilespmem:s0+$0x128] =	vst v1  }
0x173: {  	v1 =	vld [tilespmem:s25+$0xFFFFFFF0];
	_ =	sdelay $0x4  }
0x174: {  	[tilespmem:s0+$0x138] =	vst v1  }
0x175: {  	v1 =	vld [tilespmem:s25+$0x0];
	_ =	sdelay $0x4  }
0x176: {  	[tilespmem:s0+$0x148] =	vst v1  }
0x177: {  	v1 =	vld [tilespmem:s25+$0x10];
	_ =	sdelay $0x4  }
0x178: {  	[tilespmem:s0+$0x158] =	vst v1  }
0x179: {  	v1 =	vld [tilespmem:s25+$0x20];
	_ =	sdelay $0x4  }
0x17a: {  	[tilespmem:s0+$0x168] =	vst v1  }
0x17b: {  	v1 =	vld [tilespmem:s25+$0x30]  }
.Ltmp23:
0x17c: {  	_ = 	snop;
	(pc) =	sbr.rel .LBB3_17-.Ltmp23, $2  }
0x17d: {  	_ =	sdelay $0x2  }
0x17e: {  	s28 =	sadd.s32 $0x1, s28;
	[tilespmem:s0+$0x178] =	vst v1  }
.LBB3_19:
.Ltmp24:
0x17f: {  	(pc) =	sbr.rel .LBB3_20-.Ltmp24, $4  }
0x180: {  	_ = 	snop  }
0x181: {  	s0 =	simm.s32 $0x2  }
0x182: {  	_ =	swait.ge [sflag:s0], $0x0  }
0x183: {  	s30 =	smov.u32 s29;
	[sflag:s0] =	ssyncset.done $0x0;
	s0 =	simm.s32 $0x0  }
.LBB3_22:
0x184: {  	_ =	sfence.sel $0x180000  }
0x185: {  	s0 =	simm.s32 $0x9;
	[bflag:$0x0] =	sbarrier.arrive $0xFFFF  }
0x186: {  	s24 =	simm.s32 $0xA;
	[sflag:s0] =	ssyncpa.u1 $0x1  }
0x187: {  	s25 =	simm.s32 $0xB;
	[sflag:s24] =	ssyncpa.u1 $0x1  }
0x188: {  	s26 =	simm.s32 $0x2;
	[sflag:s25] =	ssyncpa.u1 $0x1  }
0x189: {  	[sflag:s26] =	ssyncpa.u1 $0x1  }
0x18a: {  	v0 =	vld [tilespmem:$0xF208];
	_ =	sdelay $0x4  }
0x18b: {  	(v2sf) =	vpush v0, $0x0  }
0x18c: {  	(v2sf) =	vpush v0, $0x1;
	_ =	sdelay $0x1  }
0x18d: {  	(v2sf) =	vpush v0, $0x2;
	_ =	sdelay $0xb  }
0x18e: {  	s0 =	spop (v2sf)  }
0x18f: {  	s2 =	spop (v2sf)  }
0x190: {  	s3 =	smov.u32 s0;
	p0 =	sne.s32 s0, s2  }
0x191: {  	s4 =	spop (v2sf);
	s3 =	simm.s32 @!p0 $0xFFFFFFFF  }
0x192: {  	v2 =	vimm.s32 $0x1;
	v3 =	vlaneseq.u32;
	p0 =	seq.s32 s4, $0xFFFFFFFF;
	v1 =	vmov s3  }
0x193: {  	s16 =	stileid.u32;
	v0 =	vperm.xlane v0, v2;
	p1 =	sne.s32 @!p0 s0, s2;
	v1 =	vperm.xlane v1, v3  }
0x194: {  	vm0 =	vcmask $0x3F04;
	s6 =	simm.s32 $0xF208;
	s0 =	simm.s32 @!p0 $0x1;
	p1 =	por !p1, p0  }
0x195: {  	s3 =	sshll.u32 s16, $0x1;
	s2 =	sshll.u32 @!p0 s4, $0x9;
	s0 =	simm.s32 @p1 $0x0;
	v0 =	vsel vm0, v1, v0  }
0x196: {  	s5 =	sor.u32 $0x1000, s3;
	s2 =	sshra.s32 @!p0 s2, $0x2;
	s0 =	sor.u32 @!p0 s0, s3;
	[tilespmem:$0xF208] =	vst v0  }
0x197: {  	[spmem:s5] =	stream.linear.scatter [tilespmem:s6], [sflag:$0x1], $0x2, $0x38;
	[tilespmem:$0x1F6F8] =	vst v63  }
0x198: {  	s2 =	sadd.s32 @!p0 $0x108, s2;
	s0 =	sshll.u32 @!p0 s0, $0x7  }
0x199: {  	[spmem:s0] =	stream.linear.scatter @!p0 [tilespmem:s2], [sflag:$0x1], $0x80, $0x38;
	[tilespmem:$0x1F6F8] =	vst v63  }
0x19a: {  	s0 =	simm.s32 @!p0 $0x82  }
0x19b: {  	s28 =	simm.s32 $0x1;
	s0 =	simm.s32 @p0 $0x2  }
0x19c: {  	_ =	swait.ge [sflag:s28], s0  }
0x19d: {  	s0 =	ssub.s32 $0x0, s0;
	[sflag:s28] =	ssyncset.done $0x0  }
0x19e: {  	p0 =	sne.s32 s16, $0x0;
	[sflag:s28] =	ssyncadd.s32 s0  }
.Ltmp25:
0x19f: {  	_ =	sfence.stream.spmem;
	(pc) =	sbr.rel @p0 .LBB3_39-.Ltmp25, $4  }
0x1a0: {  	s29 =	simm.s32 $0x3;
	[bflag:$0x0] =	sbarrier.arrive $0xFFFF  }
0x1a1: {  	s30 =	simm.s32 $0x4;
	[sflag:s29] =	ssyncpa.u1 $0x1  }
0x1a2: {  	s31 =	simm.s32 $0x3C;
	[sflag:s30] =	ssyncpa.u1 $0x1  }
0x1a3: {  	s15 =	rddreg [dreg:$0x4];
	[sflag:s31] =	ssyncpa.u1 $0x1  }
0x1a4: {  	_ =	sfence.stream.spmem;
	s0 =	simm.s32 $0x5  }
0x1a5: {  	s2 =	simm.s32 $0x1000;
	s3 =	simm.s32 $0xF218;
	[sflag:s0] =	ssyncpa.u1 $0x0  }
0x1a6: {  	[tilespmem:s3], [sflag:$0x5] =	stream.linear.gather [spmem:s2], $0x20, $0x38;
	[tilespmem:$0x1F6F8] =	vst v63  }
0x1a7: {  	s26 =	simm.s32 $0x0;
	s28 =	simm.s32 $0xF238  }
0x1a8: {  	[tilespmem:s28], [sflag:$0x5] =	stream.linear.gather [spmem:s26], $0x1000, $0x38;
	[tilespmem:$0x1F6F8] =	vst v63  }
0x1a9: {  	_ =	swait.ge [sflag:s0], $0x1020  }
0x1aa: {  	[sflag:s0] =	ssyncset.done $0x0  }
0x1ab: {  	s29 =	simm.s32 $0x0;
	[sflag:s0] =	ssyncadd.s32 $0xFFFFEFE0  }
0x1ac: {  	v0 =	vld.msk [tilespmem:s29+$0xF218], $0x1;
	_ =	sdelay $0x1  }
0x1ad: {  	s30 =	simm.s32 $0x1  }
0x1ae: {  	v1 =	vld.msk [tilespmem:s30+$0xF218], $0x1;
	_ =	sdelay $0x1  }
0x1af: {  	(v2sf) =	vpush v0, $0x0;
	_ =	sdelay $0x2  }
0x1b0: {  	(v2sf) =	vpush v1, $0x0;
	_ =	sdelay $0x2  }
0x1b1: {  	s31 =	simm.s32 $0x2  }
0x1b2: {  	v0 =	vld.msk [tilespmem:s31+$0xF218], $0x1;
	_ =	sdelay $0x2  }
0x1b3: {  	s4 =	simm.s32 $0xFFFFFFFF;
	s5 =	simm.s32 $0xFFFFFFFF;
	s0 =	simm.s32 $0xC  }
.LBB3_24:
0x1b4: {  	s2 =	smov.u32 s5;
	s3 =	smov.u32 s4  }
0x1b5: {  	s4 =	sshra.s32 s0, $0x2;
	p1 =	sne.s32 s0, $0x7C;
	s0 =	sadd.s32 $0x4, s0;
	(v2sf) =	vpush v0, $0x0  }
0x1b6: {  	v0 =	vld.msk [tilespmem:s4+$0xF218], $0x1  }
.Ltmp26:
0x1b7: {  	(pc) =	sbr.rel @p1 .LBB3_24-.Ltmp26, $4  }
0x1b8: {  	s5 =	spop (v2sf)  }
0x1b9: {  	p2 =	sne.s32 s3, $0xFFFFFFFF;
	s4 =	smov.u32 s5  }
0x1ba: {  	p3 =	seq.s32 s5, $0xFFFFFFFF;
	s4 =	smov.u32 @p2 s3  }
0x1bb: {  	s5 =	smov.u32 @p3 s2;
	s4 =	smov.u32 @p3 s3  }
0x1bc: {  	(v2sf) =	vpush v0, $0x0;
	_ =	sdelay $0x8  }
0x1bd: {  	s0 =	spop (v2sf)  }
0x1be: {  	p1 =	sne.s32 s4, $0xFFFFFFFF;
	s2 =	smov.u32 s0  }
0x1bf: {  	s9 =	simm.s32 $0x6;
	p2 =	seq.s32 s0, $0xFFFFFFFF;
	s2 =	smov.u32 @p1 s4  }
0x1c0: {  	s6 =	simm.s32 $0x0;
	s2 =	smov.u32 @p2 s4;
	s3 =	spop (v2sf)  }
0x1c1: {  	s0 =	smov.u32 @p2 s5;
	p1 =	sne.s32 s2, $0xFFFFFFFF;
	s4 =	smov.u32 s3  }
.Ltmp27:
0x1c2: {  	p2 =	seq.s32 s3, $0xFFFFFFFF;
	s4 =	smov.u32 @p1 s2;
	(pc) =	sbr.rel .LBB3_26-.Ltmp27, $4  }
0x1c3: {  	s10 =	simm.s32 $0xF188;
	s4 =	smov.u32 @p2 s2;
	s7 =	spop (v2sf)  }
0x1c4: {  	s11 =	simm.s32 $0x0;
	p1 =	sne.s32 s4, $0xFFFFFFFF;
	s8 =	smov.u32 s7  }
0x1c5: {  	s3 =	smov.u32 @p2 s0;
	p2 =	seq.s32 s7, $0xFFFFFFFF;
	s8 =	smov.u32 @p1 s4  }
0x1c6: {  	[sflag:s9] =	ssyncpa.u1 $0x0;
	s7 =	smov.u32 @p2 s3;
	s8 =	smov.u32 @p2 s4  }
.LBB3_32:
0x1c7: {  	p1 =	sgt.u32 s12, $0x270F0  }
0x1c8: {  	p2 =	seq.s32 @!p1 s12, s8  }
0x1c9: {  	p1 =	por p1, p2  }
0x1ca: {  	p2 =	sne.s32 @!p1 s12, s7  }
0x1cb: {  	p1 =	por p1, !p2  }
0x1cc: {  	s0 =	sshll.u32 @p1 s11, $0x9  }
0x1cd: {  	s0 =	sand.u32 @!p1 $0x3FFF8, s12  }
0x1ce: {  	s2 =	sand.u32 @!p1 $0x7, s12;
	s0 =	sadd.s32 @!p1 s1, s0  }
0x1cf: {  	[tilespmem:s10], [sflag:$0x6] =	stream.linear.gather @!p1 [hbm4b:s0+s2], $0x80, $0x38;
	[tilespmem:$0x1F6F8] =	vst v63  }
0x1d0: {  	_ =	swait.ge @!p1 [sflag:s9], $0x80  }
0x1d1: {  	[sflag:s9] =	ssyncset.done @!p1 $0x0  }
0x1d2: {  	[sflag:s9] =	ssyncadd.s32 @!p1 $0xFFFFFF80  }
0x1d3: {  	v1 =	vld @!p1 [tilespmem:$0xF188];
	_ =	sdelay $0x2  }
0x1d4: {  	s0 =	sshll.u32 @!p1 s11, $0x9  }
0x1d5: {  	s2 =	sshrl.u32 @!p1 s0, $0x2  }
0x1d6: {  	[tilespmem:s2+$0xF238] =	vst.add.f32.msk @!p1 $0xffff, v1  }
0x1d7: {  	v1 =	vld @!p1 [tilespmem:$0xF198];
	_ =	sdelay $0x4  }
0x1d8: {  	[tilespmem:s2+$0xF248] =	vst.add.f32.msk @!p1 $0xffff, v1  }
0x1d9: {  	v1 =	vld @!p1 [tilespmem:$0xF1A8];
	_ =	sdelay $0x4  }
0x1da: {  	[tilespmem:s2+$0xF258] =	vst.add.f32.msk @!p1 $0xffff, v1  }
0x1db: {  	v1 =	vld @!p1 [tilespmem:$0xF1B8];
	_ =	sdelay $0x4  }
0x1dc: {  	[tilespmem:s2+$0xF268] =	vst.add.f32.msk @!p1 $0xffff, v1  }
0x1dd: {  	v1 =	vld @!p1 [tilespmem:$0xF1C8];
	_ =	sdelay $0x4  }
0x1de: {  	[tilespmem:s2+$0xF278] =	vst.add.f32.msk @!p1 $0xffff, v1  }
0x1df: {  	v1 =	vld @!p1 [tilespmem:$0xF1D8];
	_ =	sdelay $0x4  }
0x1e0: {  	[tilespmem:s2+$0xF288] =	vst.add.f32.msk @!p1 $0xffff, v1  }
0x1e1: {  	v1 =	vld @!p1 [tilespmem:$0xF1E8];
	_ =	sdelay $0x4  }
0x1e2: {  	[tilespmem:s2+$0xF298] =	vst.add.f32.msk @!p1 $0xffff, v1  }
0x1e3: {  	v1 =	vld @!p1 [tilespmem:$0xF1F8];
	_ =	sdelay $0x4  }
0x1e4: {  	[tilespmem:s2+$0xF2A8] =	vst.add.f32.msk @!p1 $0xffff, v1  }
0x1e5: {  	s0 =	sshrl.u32 s0, $0x2;
	[tilespmem:s6+$0xF218] =	vst.msk $0x1, v0  }
0x1e6: {  	v0 =	vld [tilespmem:s0+$0xF238];
	_ =	sdelay $0x2  }
0x1e7: {  	s31 =	sshll.u32 s6, $0x9  }
0x1e8: {  	s2 =	sshra.s32 s31, $0x2  }
0x1e9: {  	[tilespmem:s2+$0xF238] =	vst v0  }
0x1ea: {  	v0 =	vld [tilespmem:s0+$0xF248];
	_ =	sdelay $0x4  }
0x1eb: {  	[tilespmem:s2+$0xF248] =	vst v0  }
0x1ec: {  	v0 =	vld [tilespmem:s0+$0xF258];
	_ =	sdelay $0x4  }
0x1ed: {  	[tilespmem:s2+$0xF258] =	vst v0  }
0x1ee: {  	v0 =	vld [tilespmem:s0+$0xF268];
	_ =	sdelay $0x4  }
0x1ef: {  	[tilespmem:s2+$0xF268] =	vst v0  }
0x1f0: {  	v0 =	vld [tilespmem:s0+$0xF278];
	_ =	sdelay $0x4  }
0x1f1: {  	[tilespmem:s2+$0xF278] =	vst v0  }
0x1f2: {  	v0 =	vld [tilespmem:s0+$0xF288];
	_ =	sdelay $0x4  }
0x1f3: {  	[tilespmem:s2+$0xF288] =	vst v0  }
0x1f4: {  	v0 =	vld [tilespmem:s0+$0xF298];
	_ =	sdelay $0x4  }
0x1f5: {  	[tilespmem:s2+$0xF298] =	vst v0  }
0x1f6: {  	v0 =	vld [tilespmem:s0+$0xF2A8];
	_ =	sdelay $0x4  }
0x1f7: {  	s6 =	sadd.s32 $0x1, s6;
	[tilespmem:s2+$0xF2A8] =	vst v0  }
.LBB3_33:
0x1f8: {  	s11 =	sadd.s32 $0x1, s11  }
0x1f9: {  	p1 =	sne.s32 s11, $0x20  }
.Ltmp28:
0x1fa: {  	_ = 	snop;
	(pc) =	sbr.rel @!p1 .LBB3_34-.Ltmp28, $1  }
0x1fb: {  	_ =	sdelay $0x3  }
.LBB3_26:
0x1fc: {  	v0 =	vld.msk [tilespmem:s11+$0xF218], $0x1;
	_ =	sdelay $0x4  }
0x1fd: {  	(v2sf) =	vpush v0, $0x0;
	_ =	sdelay $0xe  }
0x1fe: {  	s12 =	spop (v2sf)  }
0x1ff: {  	p1 =	seq.s32 s12, $0xFFFFFFFF  }
.Ltmp29:
0x200: {  	_ = 	snop;
	(pc) =	sbr.rel @p1 .LBB3_33-.Ltmp29, $1  }
0x201: {  	_ =	sdelay $0x3  }
0x202: {  	p1 =	slt.s32 s6, $0x1  }
.Ltmp30:
0x203: {  	_ = 	snop;
	(pc) =	sbr.rel @p1 .LBB3_32-.Ltmp30, $1  }
0x204: {  	_ =	sdelay $0x3  }
0x205: {  	s13 =	simm.s32 $0xF218;
	p1 =	por $0x0, $0x0  }
0x206: {  	v1 =	vld.msk @!p1 [tilespmem:s13+$0x0], $0x1;
	_ =	sdelay $0x4  }
0x207: {  	(v2sf) =	vpush @!p1 v1, $0x0;
	_ =	sdelay $0xd  }
0x208: {  	p3 =	sne.s32 s6, $0x1  }
.Ltmp31:
0x209: {  	s0 =	spop @!p1 (v2sf);
	(pc) =	sbr.rel @!p3 .LBB3_30-.Ltmp31, $4  }
0x20a: {  	p2 =	seq.s32 @!p1 s12, s0  }
0x20b: {  	s14 =	simm.s32 $0x0;
	p2 =	por !p2, p1  }
0x20c: {  	s2 =	simm.s32 $0xFFFFFFFF;
	s14 =	simm.s32 @p2 $0xFFFFFFFF  }
0x20d: {  	s0 =	simm.s32 $0x1;
	s14 =	smov.u32 @p1 s2  }
.LBB3_29:
0x20e: {  	s2 =	smov.u32 s14;
	p1 =	sne.s32 s14, $0xFFFFFFFF  }
0x20f: {  	s13 =	sadd.s32 $0x1, s13;
	s14 =	smov.u32 s0;
	s0 =	sadd.s32 $0x1, s0  }
0x210: {  	p2 =	sne.s32 s6, s0;
	v1 =	vld.msk @!p1 [tilespmem:s13+$0x0], $0x1;
	_ =	sdelay $0x4  }
0x211: {  	(v2sf) =	vpush @!p1 v1, $0x0;
	_ =	sdelay $0xe  }
.Ltmp32:
0x212: {  	s3 =	spop @!p1 (v2sf);
	(pc) =	sbr.rel @p2 .LBB3_29-.Ltmp32, $4  }
0x213: {  	p3 =	seq.s32 @!p1 s12, s3  }
0x214: {  	p3 =	por !p3, p1  }
0x215: {  	s14 =	simm.s32 @p3 $0xFFFFFFFF  }
0x216: {  	s14 =	smov.u32 @p1 s2  }
.LBB3_30:
0x217: {  	p1 =	seq.s32 s14, $0xFFFFFFFF  }
.Ltmp33:
0x218: {  	_ = 	snop;
	(pc) =	sbr.rel @p1 .LBB3_32-.Ltmp33, $1  }
0x219: {  	_ =	sdelay $0x3  }
0x21a: {  	s0 =	sshll.u32 s11, $0x7  }
0x21b: {  	s0 =	sand.u32 $0x3FFFFF80, s0  }
0x21c: {  	v0 =	vld [tilespmem:s0+$0xF238];
	_ =	sdelay $0x2  }
0x21d: {  	s2 =	sshll.u32 s14, $0x9  }
0x21e: {  	s2 =	sshra.s32 s2, $0x2  }
0x21f: {  	[tilespmem:s2+$0xF238] =	vst.add.f32.msk $0xffff, v0  }
0x220: {  	v0 =	vld [tilespmem:s0+$0xF248];
	_ =	sdelay $0x4  }
0x221: {  	[tilespmem:s2+$0xF248] =	vst.add.f32.msk $0xffff, v0  }
0x222: {  	v0 =	vld [tilespmem:s0+$0xF258];
	_ =	sdelay $0x4  }
0x223: {  	[tilespmem:s2+$0xF258] =	vst.add.f32.msk $0xffff, v0  }
0x224: {  	v0 =	vld [tilespmem:s0+$0xF268];
	_ =	sdelay $0x4  }
0x225: {  	[tilespmem:s2+$0xF268] =	vst.add.f32.msk $0xffff, v0  }
0x226: {  	v0 =	vld [tilespmem:s0+$0xF278];
	_ =	sdelay $0x4  }
0x227: {  	[tilespmem:s2+$0xF278] =	vst.add.f32.msk $0xffff, v0  }
0x228: {  	v0 =	vld [tilespmem:s0+$0xF288];
	_ =	sdelay $0x4  }
0x229: {  	[tilespmem:s2+$0xF288] =	vst.add.f32.msk $0xffff, v0  }
0x22a: {  	v0 =	vld [tilespmem:s0+$0xF298];
	_ =	sdelay $0x4  }
0x22b: {  	[tilespmem:s2+$0xF298] =	vst.add.f32.msk $0xffff, v0  }
0x22c: {  	v0 =	vld [tilespmem:s0+$0xF2A8]  }
.Ltmp34:
0x22d: {  	_ = 	snop;
	(pc) =	sbr.rel .LBB3_33-.Ltmp34, $2  }
0x22e: {  	_ =	sdelay $0x2  }
0x22f: {  	[tilespmem:s2+$0xF2A8] =	vst.add.f32.msk $0xffff, v0  }
.LBB3_34:
0x230: {  	s0 =	simm.s32 $0x6;
	p1 =	seq.s32 s6, $0x0  }
0x231: {  	[sflag:s0] =	ssyncpa.u1 $0x1;
	v0 =	vimm.s32 @p1 $0xFFFFFFFF  }
0x232: {  	s9 =	sadd.s32 $0xFFFFFFFF, s6;
	[tilespmem:$0x10238] =	vst @p1 v0  }
0x233: {  	v0 =	vld.msk @!p1 [tilespmem:s9+$0xF218], $0x1;
	_ =	sdelay $0x1  }
0x234: {  	v1 =	vld.msk @!p1 [tilespmem:$0xF218], $0x1;
	_ =	sdelay $0x2  }
0x235: {  	p2 =	seq.s32 @!p1 s9, $0x0;
	v0 =	vbroadcast @!p1 v0, $0x0  }
0x236: {  	vm0 =	vmmov @!p1 $0x1;
	p2 =	por !p2, p1  }
0x237: {  	v1 =	vnsel @!p1 vm0, $0xFFFFFFFF, v1;
	vm0 =	vcmask @!p1 $0x308;
	v0 =	vpsel !p2, $0xFFFFFFFF, v0  }
0x238: {  	p2 =	sne.s32 @!p1 s8, s7;
	v0 =	vsel @!p1 vm0, v1, v0  }
0x239: {  	s0 =	simm.s32 @!p1 $0xF238;
	s2 =	simm.s32 @!p1 $0x0;
	p3 =	por !p2, p1;
	[tilespmem:$0x10238] =	vst @!p1 v0  }
0x23a: {  	[spmem:s2] =	stream.linear.scatter @!p1 [tilespmem:s0], [sflag:$0x1], $0x80, $0x38;
	[tilespmem:$0x1F6F8] =	vst v63  }
0x23b: {  	s0 =	sshll.u32 @!p3 s9, $0x9  }
0x23c: {  	s0 =	sshra.s32 @!p3 s0, $0x2  }
0x23d: {  	s2 =	simm.s32 @!p3 $0x80;
	s0 =	sadd.s32 @!p3 $0xF238, s0  }
0x23e: {  	[spmem:s2] =	stream.linear.scatter @!p3 [tilespmem:s0], [sflag:$0x1], $0x80, $0x38;
	[tilespmem:$0x1F6F8] =	vst v63  }
0x23f: {  	s0 =	simm.s32 @!p3 $0x1  }
0x240: {  	_ =	swait.ge @!p3 [sflag:s0], $0x100  }
0x241: {  	p1 =	por p2, p1;
	[sflag:s0] =	ssyncset.done @!p3 $0x0  }
0x242: {  	[sflag:s0] =	ssyncadd.s32 @!p3 $0xFFFFFF00;
	s0 =	simm.s32 @!p1 $0x1  }
0x243: {  	_ =	swait.ge @!p1 [sflag:s0], $0x80  }
0x244: {  	s29 =	simm.s32 $0x10238;
	[sflag:s0] =	ssyncset.done @!p1 $0x0  }
0x245: {  	s30 =	simm.s32 $0x1000;
	s31 =	simm.s32 $0x1;
	[sflag:s0] =	ssyncadd.s32 @!p1 $0xFFFFFF80  }
0x246: {  	[spmem:s30] =	stream.linear.scatter [tilespmem:s29], [sflag:$0x1], $0x10, $0x38;
	[tilespmem:$0x1F6F8] =	vst v63  }
0x247: {  	_ =	swait.ge [sflag:s31], $0x10  }
0x248: {  	[sflag:s31] =	ssyncset.done $0x0  }
0x249: {  	p1 =	seq.s32 s15, $0x0;
	s8 =	rddreg [dreg:$0x1];
	[sflag:s31] =	ssyncadd.s32 $0xFFFFFFF0  }
0x24a: {  	s2 =	sshll.u32 @p1 s8, $0xE;
	s7 =	rddreg [dreg:$0x2]  }
0x24b: {  	s0 =	sadd.s32 @p1 $0x15C3C, s2;
	s2 =	sshll.u32 @p1 s7, $0x11  }
0x24c: {  	_ =	sfence.stream.spmem;
	s0 =	sor.u32 @p1 s2, s0  }
0x24d: {  	[sflag:s0] =	ssyncadd.remote.s32 @p1 $0x1;
	s0 =	simm.s32 @p1 $0x4  }
0x24e: {  	s3 =	simm.s32 @!p1 $0x3C;
	s2 =	sand.u32 $0xFFFFFFFE, s8;
	_ =	swait.ge @p1 [sflag:s0], $0x22  }
0x24f: {  	s4 =	simm.s32 @!p1 $0x0;
	s2 =	sadd.s32 @!p1 $0x4, s2;
	[sflag:s0] =	ssyncset.done @p1 $0x0  }
0x250: {  	s5 =	simm.s32 @!p1 $0x100;
	[sflag:s0] =	ssyncadd.s32 @p1 $0xFFFFFFDE;
	s0 =	sshll.u32 @!p1 s2, $0x1A  }
0x251: {  	s2 =	sshll.u32 @!p1 s2, $0xD;
	s0 =	sor.u32 @!p1 s0, s7;
	_ =	swait.eq @!p1 [sflag:s3], $0x1  }
0x252: {  	s2 =	sor.u32 @!p1 $0x1C04, s2;
	s3 =	simm.s32 @!p1 $0x1C03;
	s0 =	sor.u32 @!p1 $0x80004000, s0  }
0x253: {  	[spmem:s5], [sflag:s2] =	dma.general @!p1 [spmem:s4], [sflag:s3], length:$0x20, [dreg:$0x0], stride_count:$0x0, ici_dest:s0, dma_misc:DstOpCode:WRITE  }
0x254: {  	p2 =	slt.s32 s9, $0x2;
	s4 =	simm.s32 @!p1 $0x200;
	s5 =	simm.s32 @!p1 $0x202  }
0x255: {  	[spmem:s5], [sflag:s2] =	dma.general @!p1 [spmem:s4], [sflag:s3], length:$0x2, [dreg:$0x0], stride_count:$0x0, ici_dest:s0, dma_misc:DstOpCode:WRITE  }
.Ltmp35:
0x256: {  	s0 =	simm.s32 @!p1 $0x3;
	(pc) =	sbr.rel @p2 .LBB3_38-.Ltmp35, $4  }
0x257: {  	s2 =	sshll.u32 @!p1 s8, $0xE;
	_ =	swait.ge @!p1 [sflag:s0], $0x22  }
0x258: {  	s3 =	sshll.u32 @!p1 s7, $0x11;
	s2 =	sadd.s32 @!p1 $0x11C3C, s2;
	[sflag:s0] =	ssyncset.done @!p1 $0x0  }
0x259: {  	[sflag:s0] =	ssyncadd.s32 @!p1 $0xFFFFFFDE;
	s0 =	sor.u32 @!p1 s3, s2  }
0x25a: {  	[sflag:s0] =	ssyncadd.remote.s32 @!p1 $0xFFFFFFFF;
	s0 =	simm.s32 $0x0  }
0x25b: {  	s0 =	simm.s32 $0xF219  }
0x25c: {  	v0 =	vld.msk [tilespmem:s0+$0x0], $0x1;
	_ =	sdelay $0x4  }
0x25d: {  	(v2sf) =	vpush v0, $0x0;
	_ =	sdelay $0xb  }
0x25e: {  	s31 =	sadd.s32 $0xFFFFFFFE, s6  }
0x25f: {  	s0 =	sadd.s32 $0xFFFFFFFF, s31  }
0x260: {  	p2 =	sne.s32 s0, $0x0  }
.Ltmp36:
0x261: {  	s2 =	spop (v2sf);
	(pc) =	sbr.rel @!p2 .LBB3_37-.Ltmp36, $4  }
0x262: {  	s4 =	simm.s32 $0xF2B8;
	s7 =	simm.s32 $0x0;
	p1 =	sgt.u32 s2, $0x270F0  }
0x263: {  	s5 =	simm.s32 $0x0;
	s6 =	simm.s32 $0xF21A;
	s3 =	sand.u32 @!p1 $0x3FFF8, s2  }
0x264: {  	s2 =	sand.u32 @!p1 $0x7, s2;
	s7 =	simm.s32 @!p1 $0x200;
	s3 =	sadd.s32 @!p1 s1, s3  }
0x265: {  	[hbm4b:s3+s2] =	stream.linear.scatter @!p1 [tilespmem:s4], [sflag:$0x5], $0x80, $0x38;
	[tilespmem:$0x1F6F8] =	vst v63  }
.LBB3_36:
0x266: {  	v0 =	vld.msk [tilespmem:s6+$0x0], $0x1;
	s0 =	sadd.s32 $0xFFFFFFFF, s0;
	s5 =	sadd.s32 s5, s7  }
0x267: {  	p1 =	sne.s32 s0, $0x0;
	_ =	sdelay $0x3  }
0x268: {  	(v2sf) =	vpush v0, $0x0;
	_ =	sdelay $0xe  }
.Ltmp37:
0x269: {  	s2 =	spop (v2sf);
	(pc) =	sbr.rel @p1 .LBB3_36-.Ltmp37, $4  }
0x26a: {  	s7 =	simm.s32 $0x0;
	p2 =	sgt.u32 s2, $0x270F0  }
0x26b: {  	s4 =	sadd.s32 $0x80, s4;
	s7 =	simm.s32 @!p2 $0x200;
	s3 =	sand.u32 @!p2 $0x3FFF8, s2  }
0x26c: {  	s6 =	sadd.s32 $0x1, s6;
	s2 =	sand.u32 @!p2 $0x7, s2;
	s3 =	sadd.s32 @!p2 s1, s3  }
0x26d: {  	[hbm4b:s3+s2] =	stream.linear.scatter @!p2 [tilespmem:s4], [sflag:$0x5], $0x80, $0x38;
	[tilespmem:$0x1F6F8] =	vst v63  }
.LBB3_37:
0x26e: {  	s0 =	sadd.s32 s5, s7  }
0x26f: {  	s0 =	sshrl.u32 s0, $0x2  }
.LBB3_38:
0x270: {  	s2 =	simm.s32 $0x5  }
0x271: {  	_ =	swait.ge [sflag:s2], s0  }
0x272: {  	s31 =	ssub.s32 $0x0, s0;
	[sflag:s2] =	ssyncset.done $0x0  }
0x273: {  	[sflag:s2] =	ssyncadd.s32 s31  }
0x274: {  	[sflag:s2] =	ssyncpa.u1 $0x1  }
.LBB3_39:
0x275: {  	s0 =	sor.u32 s15, s16  }
0x276: {  	p1 =	sne.s32 s0, $0x0  }
.Ltmp38:
0x277: {  	_ = 	snop;
	(pc) =	sbr.rel @p1 .LBB3_54-.Ltmp38, $3  }
0x278: {  	_ =	sdelay $0x1  }
0x279: {  	[bflag:$0x0] =	sbarrier.arrive $0xFFFF  }
0x27a: {  	_ =	sfence  }
0x27b: {  	s0 =	simm.s32 $0x7  }
0x27c: {  	s2 =	simm.s32 $0x1000;
	s3 =	simm.s32 $0xF218;
	[sflag:s0] =	ssyncpa.u1 $0x0  }
0x27d: {  	[tilespmem:s3], [sflag:$0x7] =	stream.linear.gather [spmem:s2], $0x20, $0x38;
	[tilespmem:$0x1F6F8] =	vst v63  }
0x27e: {  	s30 =	simm.s32 $0xF238;
	s2 =	simm.s32 $0x0  }
0x27f: {  	[tilespmem:s30], [sflag:$0x7] =	stream.linear.gather [spmem:s2], $0x1000, $0x38;
	[tilespmem:$0x1F6F8] =	vst v63  }
.Ltmp39:
0x280: {  	_ = 	snop;
	(pc) =	sbr.rel .LBB3_41-.Ltmp39, $4  }
0x281: {  	_ =	swait.ge [sflag:s0], $0x1020  }
0x282: {  	[sflag:s0] =	ssyncset.done $0x0  }
0x283: {  	s31 =	simm.s32 $0x8;
	[sflag:s0] =	ssyncadd.s32 $0xFFFFEFE0  }
0x284: {  	s3 =	simm.s32 $0x0;
	[sflag:s31] =	ssyncpa.u1 $0x0  }
.LBB3_47:
0x285: {  	p1 =	slt.u32 s4, $0x270F1  }
0x286: {  	s0 =	sand.u32 @p1 $0x3FFF8, s4  }
0x287: {  	s4 =	sand.u32 @p1 $0x7, s4;
	s5 =	simm.s32 @p1 $0xF188;
	s0 =	sadd.s32 @p1 s1, s0  }
0x288: {  	[tilespmem:s5], [sflag:$0x8] =	stream.linear.gather @p1 [hbm4b:s0+s4], $0x80, $0x38;
	[tilespmem:$0x1F6F8] =	vst v63  }
0x289: {  	s0 =	simm.s32 @p1 $0x8  }
0x28a: {  	_ =	swait.ge @p1 [sflag:s0], $0x80  }
0x28b: {  	[sflag:s0] =	ssyncset.done @p1 $0x0  }
0x28c: {  	[sflag:s0] =	ssyncadd.s32 @p1 $0xFFFFFF80  }
0x28d: {  	v1 =	vld @p1 [tilespmem:$0xF188];
	_ =	sdelay $0x2  }
0x28e: {  	s0 =	sshll.u32 @p1 s3, $0x9  }
0x28f: {  	s4 =	sshrl.u32 @p1 s0, $0x2  }
0x290: {  	[tilespmem:s4+$0xF238] =	vst.add.f32.msk @p1 $0xffff, v1  }
0x291: {  	v1 =	vld @p1 [tilespmem:$0xF198];
	_ =	sdelay $0x4  }
0x292: {  	[tilespmem:s4+$0xF248] =	vst.add.f32.msk @p1 $0xffff, v1  }
0x293: {  	v1 =	vld @p1 [tilespmem:$0xF1A8];
	_ =	sdelay $0x4  }
0x294: {  	[tilespmem:s4+$0xF258] =	vst.add.f32.msk @p1 $0xffff, v1  }
0x295: {  	v1 =	vld @p1 [tilespmem:$0xF1B8];
	_ =	sdelay $0x4  }
0x296: {  	[tilespmem:s4+$0xF268] =	vst.add.f32.msk @p1 $0xffff, v1  }
0x297: {  	v1 =	vld @p1 [tilespmem:$0xF1C8];
	_ =	sdelay $0x4  }
0x298: {  	[tilespmem:s4+$0xF278] =	vst.add.f32.msk @p1 $0xffff, v1  }
0x299: {  	v1 =	vld @p1 [tilespmem:$0xF1D8];
	_ =	sdelay $0x4  }
0x29a: {  	[tilespmem:s4+$0xF288] =	vst.add.f32.msk @p1 $0xffff, v1  }
0x29b: {  	v1 =	vld @p1 [tilespmem:$0xF1E8];
	_ =	sdelay $0x4  }
0x29c: {  	[tilespmem:s4+$0xF298] =	vst.add.f32.msk @p1 $0xffff, v1  }
0x29d: {  	v1 =	vld @p1 [tilespmem:$0xF1F8];
	_ =	sdelay $0x3  }
0x29e: {  	s5 =	sshll.u32 @!p1 s3, $0x9  }
0x29f: {  	s5 =	smov.u32 @p1 s0;
	[tilespmem:s4+$0xF2A8] =	vst.add.f32.msk @p1 $0xffff, v1  }
0x2a0: {  	s0 =	sshrl.u32 s5, $0x2;
	[tilespmem:s2+$0xF218] =	vst.msk $0x1, v0  }
0x2a1: {  	v0 =	vld [tilespmem:s0+$0xF238];
	_ =	sdelay $0x2  }
0x2a2: {  	s31 =	sshll.u32 s2, $0x9  }
0x2a3: {  	s4 =	sshra.s32 s31, $0x2  }
0x2a4: {  	[tilespmem:s4+$0xF238] =	vst v0  }
0x2a5: {  	v0 =	vld [tilespmem:s0+$0xF248];
	_ =	sdelay $0x4  }
0x2a6: {  	[tilespmem:s4+$0xF248] =	vst v0  }
0x2a7: {  	v0 =	vld [tilespmem:s0+$0xF258];
	_ =	sdelay $0x4  }
0x2a8: {  	[tilespmem:s4+$0xF258] =	vst v0  }
0x2a9: {  	v0 =	vld [tilespmem:s0+$0xF268];
	_ =	sdelay $0x4  }
0x2aa: {  	[tilespmem:s4+$0xF268] =	vst v0  }
0x2ab: {  	v0 =	vld [tilespmem:s0+$0xF278];
	_ =	sdelay $0x4  }
0x2ac: {  	[tilespmem:s4+$0xF278] =	vst v0  }
0x2ad: {  	v0 =	vld [tilespmem:s0+$0xF288];
	_ =	sdelay $0x4  }
0x2ae: {  	[tilespmem:s4+$0xF288] =	vst v0  }
0x2af: {  	v0 =	vld [tilespmem:s0+$0xF298];
	_ =	sdelay $0x4  }
0x2b0: {  	[tilespmem:s4+$0xF298] =	vst v0  }
0x2b1: {  	v0 =	vld [tilespmem:s0+$0xF2A8];
	_ =	sdelay $0x4  }
0x2b2: {  	s2 =	sadd.s32 $0x1, s2;
	[tilespmem:s4+$0xF2A8] =	vst v0  }
.LBB3_48:
0x2b3: {  	s3 =	sadd.s32 $0x1, s3  }
0x2b4: {  	p1 =	sne.s32 s3, $0x20  }
.Ltmp40:
0x2b5: {  	_ = 	snop;
	(pc) =	sbr.rel @!p1 .LBB3_49-.Ltmp40, $1  }
0x2b6: {  	_ =	sdelay $0x3  }
.LBB3_41:
0x2b7: {  	v0 =	vld.msk [tilespmem:s3+$0xF218], $0x1;
	_ =	sdelay $0x4  }
0x2b8: {  	(v2sf) =	vpush v0, $0x0;
	_ =	sdelay $0xe  }
0x2b9: {  	s4 =	spop (v2sf)  }
0x2ba: {  	p1 =	seq.s32 s4, $0xFFFFFFFF  }
.Ltmp41:
0x2bb: {  	_ = 	snop;
	(pc) =	sbr.rel @p1 .LBB3_48-.Ltmp41, $1  }
0x2bc: {  	_ =	sdelay $0x3  }
0x2bd: {  	p1 =	slt.s32 s2, $0x1  }
.Ltmp42:
0x2be: {  	_ = 	snop;
	(pc) =	sbr.rel @p1 .LBB3_47-.Ltmp42, $1  }
0x2bf: {  	_ =	sdelay $0x3  }
0x2c0: {  	s5 =	simm.s32 $0xF218;
	p1 =	por $0x0, $0x0  }
0x2c1: {  	v1 =	vld.msk @!p1 [tilespmem:s5+$0x0], $0x1;
	_ =	sdelay $0x4  }
0x2c2: {  	(v2sf) =	vpush @!p1 v1, $0x0;
	_ =	sdelay $0xd  }
0x2c3: {  	p3 =	sne.s32 s2, $0x1  }
.Ltmp43:
0x2c4: {  	s0 =	spop @!p1 (v2sf);
	(pc) =	sbr.rel @!p3 .LBB3_45-.Ltmp43, $4  }
0x2c5: {  	p2 =	seq.s32 @!p1 s4, s0  }
0x2c6: {  	s6 =	simm.s32 $0x0;
	p2 =	por !p2, p1  }
0x2c7: {  	s7 =	simm.s32 $0xFFFFFFFF;
	s6 =	simm.s32 @p2 $0xFFFFFFFF  }
0x2c8: {  	s0 =	simm.s32 $0x1;
	s6 =	smov.u32 @p1 s7  }
.LBB3_44:
0x2c9: {  	s7 =	smov.u32 s6;
	p1 =	sne.s32 s6, $0xFFFFFFFF  }
0x2ca: {  	s5 =	sadd.s32 $0x1, s5;
	s6 =	smov.u32 s0;
	s0 =	sadd.s32 $0x1, s0  }
0x2cb: {  	p2 =	sne.s32 s2, s0;
	v1 =	vld.msk @!p1 [tilespmem:s5+$0x0], $0x1;
	_ =	sdelay $0x4  }
0x2cc: {  	(v2sf) =	vpush @!p1 v1, $0x0;
	_ =	sdelay $0xe  }
.Ltmp44:
0x2cd: {  	s8 =	spop @!p1 (v2sf);
	(pc) =	sbr.rel @p2 .LBB3_44-.Ltmp44, $4  }
0x2ce: {  	p3 =	seq.s32 @!p1 s4, s8  }
0x2cf: {  	p3 =	por !p3, p1  }
0x2d0: {  	s6 =	simm.s32 @p3 $0xFFFFFFFF  }
0x2d1: {  	s6 =	smov.u32 @p1 s7  }
.LBB3_45:
0x2d2: {  	p1 =	seq.s32 s6, $0xFFFFFFFF  }
.Ltmp45:
0x2d3: {  	_ = 	snop;
	(pc) =	sbr.rel @p1 .LBB3_47-.Ltmp45, $1  }
0x2d4: {  	_ =	sdelay $0x3  }
0x2d5: {  	s0 =	sshll.u32 s3, $0x7  }
0x2d6: {  	s0 =	sand.u32 $0x3FFFFF80, s0  }
0x2d7: {  	v0 =	vld [tilespmem:s0+$0xF238];
	_ =	sdelay $0x2  }
0x2d8: {  	s4 =	sshll.u32 s6, $0x9  }
0x2d9: {  	s4 =	sshra.s32 s4, $0x2  }
0x2da: {  	[tilespmem:s4+$0xF238] =	vst.add.f32.msk $0xffff, v0  }
0x2db: {  	v0 =	vld [tilespmem:s0+$0xF248];
	_ =	sdelay $0x4  }
0x2dc: {  	[tilespmem:s4+$0xF248] =	vst.add.f32.msk $0xffff, v0  }
0x2dd: {  	v0 =	vld [tilespmem:s0+$0xF258];
	_ =	sdelay $0x4  }
0x2de: {  	[tilespmem:s4+$0xF258] =	vst.add.f32.msk $0xffff, v0  }
0x2df: {  	v0 =	vld [tilespmem:s0+$0xF268];
	_ =	sdelay $0x4  }
0x2e0: {  	[tilespmem:s4+$0xF268] =	vst.add.f32.msk $0xffff, v0  }
0x2e1: {  	v0 =	vld [tilespmem:s0+$0xF278];
	_ =	sdelay $0x4  }
0x2e2: {  	[tilespmem:s4+$0xF278] =	vst.add.f32.msk $0xffff, v0  }
0x2e3: {  	v0 =	vld [tilespmem:s0+$0xF288];
	_ =	sdelay $0x4  }
0x2e4: {  	[tilespmem:s4+$0xF288] =	vst.add.f32.msk $0xffff, v0  }
0x2e5: {  	v0 =	vld [tilespmem:s0+$0xF298];
	_ =	sdelay $0x4  }
0x2e6: {  	[tilespmem:s4+$0xF298] =	vst.add.f32.msk $0xffff, v0  }
0x2e7: {  	v0 =	vld [tilespmem:s0+$0xF2A8]  }
.Ltmp46:
0x2e8: {  	_ = 	snop;
	(pc) =	sbr.rel .LBB3_48-.Ltmp46, $2  }
0x2e9: {  	_ =	sdelay $0x2  }
0x2ea: {  	[tilespmem:s4+$0xF2A8] =	vst.add.f32.msk $0xffff, v0  }
.LBB3_49:
0x2eb: {  	p1 =	slt.s32 s2, $0x1  }
.Ltmp47:
0x2ec: {  	_ = 	snop;
	(pc) =	sbr.rel @p1 .LBB3_53-.Ltmp47, $3  }
0x2ed: {  	_ =	sdelay $0x1  }
0x2ee: {  	s0 =	simm.s32 $0x8  }
0x2ef: {  	s3 =	simm.s32 $0x0;
	[sflag:s0] =	ssyncpa.u1 $0x1  }
0x2f0: {  	s0 =	simm.s32 $0xF218  }
0x2f1: {  	v0 =	vld.msk [tilespmem:s0+$0x0], $0x1;
	_ =	sdelay $0x4  }
0x2f2: {  	(v2sf) =	vpush v0, $0x0;
	_ =	sdelay $0xe  }
0x2f3: {  	s0 =	sadd.s32 $0xFFFFFFFF, s2;
	s5 =	spop (v2sf)  }
0x2f4: {  	p2 =	sne.s32 s0, $0x0;
	p1 =	sgt.u32 s5, $0x270F0  }
.Ltmp48:
0x2f5: {  	s6 =	sand.u32 @!p1 $0x3FFF8, s5;
	(pc) =	sbr.rel @!p2 .LBB3_52-.Ltmp48, $4  }
0x2f6: {  	s4 =	simm.s32 $0xF238;
	s5 =	sand.u32 @!p1 $0x7, s5;
	s2 =	sadd.s32 @!p1 s1, s6  }
0x2f7: {  	[hbm4b:s2+s5] =	stream.linear.scatter @!p1 [tilespmem:s4], [sflag:$0x7], $0x80, $0x38;
	[tilespmem:$0x1F6F8] =	vst v63  }
0x2f8: {  	s5 =	simm.s32 $0x0  }
0x2f9: {  	s2 =	simm.s32 $0xF219;
	s5 =	simm.s32 @!p1 $0x200  }
.LBB3_51:
0x2fa: {  	v0 =	vld.msk [tilespmem:s2+$0x0], $0x1;
	s0 =	sadd.s32 $0xFFFFFFFF, s0;
	s3 =	sadd.s32 s3, s5  }
0x2fb: {  	p1 =	sne.s32 s0, $0x0;
	_ =	sdelay $0x3  }
0x2fc: {  	(v2sf) =	vpush v0, $0x0;
	_ =	sdelay $0xe  }
.Ltmp49:
0x2fd: {  	s6 =	spop (v2sf);
	(pc) =	sbr.rel @p1 .LBB3_51-.Ltmp49, $4  }
0x2fe: {  	s5 =	simm.s32 $0x0;
	p2 =	sgt.u32 s6, $0x270F0  }
0x2ff: {  	s4 =	sadd.s32 $0x80, s4;
	s5 =	simm.s32 @!p2 $0x200;
	s7 =	sand.u32 @!p2 $0x3FFF8, s6  }
0x300: {  	s2 =	sadd.s32 $0x1, s2;
	s6 =	sand.u32 @!p2 $0x7, s6;
	s7 =	sadd.s32 @!p2 s1, s7  }
0x301: {  	[hbm4b:s7+s6] =	stream.linear.scatter @!p2 [tilespmem:s4], [sflag:$0x7], $0x80, $0x38;
	[tilespmem:$0x1F6F8] =	vst v63  }
.LBB3_52:
0x302: {  	s0 =	sadd.s32 s3, s5  }
0x303: {  	s3 =	sshrl.u32 s0, $0x2  }
.LBB3_53:
0x304: {  	s0 =	simm.s32 $0x7  }
0x305: {  	_ =	swait.ge [sflag:s0], s3  }
0x306: {  	s1 =	ssub.s32 $0x0, s3;
	[sflag:s0] =	ssyncset.done $0x0  }
0x307: {  	[sflag:s0] =	ssyncadd.s32 s1  }
0x308: {  	[sflag:s0] =	ssyncpa.u1 $0x1  }
.LBB3_54:
0x309: {  	_ =	sfence;
	s0 =	simm.s32 $0x1  }
0x30a: {  	[sflag:s0] =	ssyncpa.u1 $0x1  }
0x30b: {  	_ =	strace $0x90000053  }
0x30c: {  	[bflag:$0x2] =	sbarrier.arrive $0xFFFF  }
0x30d: {  	s0 =	rddreg [dreg:$0x3]  }
0x30e: {  	s0 =	sadd.s32 @!p0 $0x100000, s0  }
0x30f: {  	[sflag:s0] =	ssyncadd.tile.s32 @!p0 $0x1;
	_ =	shalt  }
.Lfunc_end3:
_tile_overlayer_lowered:
.L_overlay_start_3:
0x310: {  	(tag) =	ssettag $0x3  }
0x311: {  	s0 =	rddreg [dreg:$0x0];
	s2 =	stileid.u32  }
0x312: {  	s1 =	rddreg [dreg:$0x1];
	p0 =	sne.s32 s2, $0x0  }
0x313: {  	s3 =	rddreg [dreg:$0x2];
	[bflag:$0x3] =	sbarrier.arrive $0xFFFF;
	s2 =	simm.s32 @!p0 $0x1C01  }
0x314: {  	[timem:s3], [sflag:s2] =	dma.local @!p0 [hbm:s0], s1  }
0x315: {  	s0 =	simm.s32 @!p0 $0x1  }
0x316: {  	_ =	swait.ge @!p0 [sflag:s0], s1  }
0x317: {  	s1 =	ssub.s32 @!p0 $0x0, s1;
	[sflag:s0] =	ssyncset.done @!p0 $0x0  }
0x318: {  	[sflag:s0] =	ssyncadd.s32 @!p0 s1  }
0x319: {  	[bflag:$0x3] =	sbarrier.arrive $0xFFFF  }
0x31a: {  	_ =	shalt  }

// kernel: scatter_offload_async_start.2
scs
__scs_entry_jumppad:
0x0: {  	(pc) =	sbr.rel $0x88, $3  }
0x1: {  	(tag) =	ssettag $0x0;
	lr =	simm.s32 $0x1  }
0x2: {  	[smem:$0x3F99] =	sst lr;
	_ =	strace $0xD0000000  }
0x3: {  	_ = 	snop  }
0x4: {  	_ = 	snop  }
0x5: {  	_ = 	snop  }
0x6: {  	_ = 	snop  }
0x7: {  	_ = 	snop  }
__scs_overlays_trampoline_lowered:
0x8: {  	[smem:$0x3FA8] =	sst s0  }
0x9: {  	[smem:$0x3FA9] =	sst s1  }
0xa: {  	[smem:$0x3FAA] =	sst s2  }
0xb: {  	[smem:$0x3FAB] =	sst s3  }
0xc: {  	[smem:$0x3FAC] =	sst s4  }
0xd: {  	[smem:$0x3FAD] =	sst s5  }
0xe: {  	[smem:$0x3FAE] =	sst s6  }
0xf: {  	[smem:$0x3FAF] =	sst s7  }
0x10: {  	[smem:$0x3FB0] =	sst s8  }
0x11: {  	[smem:$0x3FB1] =	sst s9;
	s0 =	simm.s32 @!p0 $0x0  }
0x12: {  	s1 =	sld [smem:$0x3F97];
	s0 =	simm.s32 @p0 $0x1  }
0x13: {  	[smem:$0x3FB2] =	sst s0;
	s0 =	simm.s32 @!p1 $0x0  }
0x14: {  	s2 =	sld [smem:$0x3F96];
	s0 =	simm.s32 @p1 $0x1  }
0x15: {  	[smem:$0x3FB3] =	sst s0;
	s0 =	simm.s32 @!p2 $0x0  }
0x16: {  	s3 =	sld [smem:$0x3FDB];
	s0 =	simm.s32 @p2 $0x1  }
0x17: {  	s4 =	simm.s32 $0x1BF5;
	[smem:$0x3FB5] =	sst s0  }
0x18: {  	s0 =	sld [smem:$0x3F98];
	_ =	swait.ge [sflag:s4], $0x0  }
0x19: {  	s7 =	sld [smem:$0x3F99]  }
0x1a: {  	s8 =	sadd.s32 $0xFFFFE003, lr  }
0x1b: {  	s9 =	sadd.s32 $0xFFFFFEF7, lr;
	s5 =	simm.s32 $0xFFFFFFFF;
	p2 =	slt.u32 s8, $0xFFFFF086  }
0x1c: {  	p1 =	slt.u32 s9, $0xF7A;
	s5 =	simm.s32 @!p2 $0x0  }
0x1d: {  	s5 =	simm.s32 @p1 $0x1;
	p0 =	seq.s32 s7, s2  }
0x1e: {  	s7 =	smul.u32 @!p0 $0xF7A, s2;
	p2 =	seq.s32 @!p0 s5, $0x0  }
0x1f: {  	s9 =	smul.u32 $0xF7A, s1;
	s8 =	simm.s32 @!p0 $0x1BF5;
	p2 =	por !p2, p0  }
0x20: {  	[sflag:s8] =	ssyncset.s32 @!p0 $0xFFFFF086;
	s6 =	sadd.s32 @!p0 s3, s7;
	s7 =	simm.s32 @!p0 $0x108  }
0x21: {  	s3 =	sadd.s32 s3, s9;
	s6 =	sadd.s32 @!p0 $0x88, s6;
	s7 =	simm.s32 @p2 $0x1082  }
0x22: {  	[simem:s7], [sflag:s8] =	dma.local @!p0 [hbm:s6], $0xF7A  }
0x23: {  	s9 =	sor.u32 $0xD0000000, s2;
	s6 =	simm.s32 $0x108;
	_ =	swait.ge @!p0 [sflag:s8], $0x0  }
0x24: {  	s3 =	sadd.s32 $0x88, s3;
	s6 =	simm.s32 @!p1 $0x1082;
	[sflag:s4] =	ssyncset.s32 $0xFFFFF086  }
0x25: {  	[simem:s6], [sflag:s4] =	dma.local [hbm:s3], $0xF7A  }
0x26: {  	[smem:$0x3F99] =	sst s1;
	(tag) =	ssettag s2;
	_ =	strace s9  }
0x27: {  	s1 =	sld [smem:$0x3FA9]  }
0x28: {  	s2 =	sld [smem:$0x3FAA]  }
0x29: {  	s4 =	sld [smem:$0x3FAC]  }
0x2a: {  	p0 =	seq.s32 s5, $0x0;
	s5 =	sld [smem:$0x3FAD]  }
0x2b: {  	s6 =	sld [smem:$0x3FAE]  }
0x2c: {  	s7 =	sld [smem:$0x3FAF]  }
0x2d: {  	s3 =	simm.s32 $0x108;
	s8 =	sld [smem:$0x3FB0]  }
0x2e: {  	s3 =	simm.s32 @!p0 $0x1082;
	s9 =	sld [smem:$0x3FB1]  }
0x2f: {  	lr =	sadd.s32 s0, s3;
	s0 =	sld [smem:$0x3FA8]  }
0x30: {  	s3 =	sld [smem:$0x3FAB]  }
0x31: {  	[smem:$0x3FB4] =	sst s10  }
0x32: {  	s10 =	sld [smem:$0x3FB2];
	_ =	sdelay $0x3  }
0x33: {  	p0 =	seq.s32 s10, $0x1;
	s10 =	sld [smem:$0x3FB4];
	_ =	sdelay $0x3  }
0x34: {  	[smem:$0x3FB4] =	sst s10  }
0x35: {  	s10 =	sld [smem:$0x3FB3];
	_ =	sdelay $0x3  }
0x36: {  	p1 =	seq.s32 s10, $0x1;
	s10 =	sld [smem:$0x3FB4];
	_ =	sdelay $0x3  }
0x37: {  	[smem:$0x3FB4] =	sst s10  }
0x38: {  	s10 =	sld [smem:$0x3FB5]  }
0x39: {  	_ = 	snop;
	(pc) =	sbr.ind lr, $3  }
0x3a: {  	_ = 	snop  }
0x3b: {  	_ = 	snop  }
0x3c: {  	p2 =	seq.s32 s10, $0x1;
	s10 =	sld [smem:$0x3FB4]  }
0x3d: {  	_ =	shalt  }
0x3e: {  	_ =	shalt  }
0x3f: {  	_ =	shalt  }
0x40: {  	_ =	shalt  }
0x41: {  	_ =	shalt  }
0x42: {  	_ =	shalt  }
0x43: {  	_ =	shalt  }
0x44: {  	_ =	shalt  }
0x45: {  	_ =	shalt  }
0x46: {  	_ =	shalt  }
0x47: {  	_ =	shalt  }
0x48: {  	_ =	shalt  }
0x49: {  	_ =	shalt  }
0x4a: {  	_ =	shalt  }
0x4b: {  	_ =	shalt  }
0x4c: {  	_ =	shalt  }
0x4d: {  	_ =	shalt  }
0x4e: {  	_ =	shalt  }
0x4f: {  	_ =	shalt  }
0x50: {  	_ =	shalt  }
0x51: {  	_ =	shalt  }
0x52: {  	_ =	shalt  }
0x53: {  	_ =	shalt  }
0x54: {  	_ =	shalt  }
0x55: {  	_ =	shalt  }
0x56: {  	_ =	shalt  }
0x57: {  	_ =	shalt  }
0x58: {  	_ =	shalt  }
0x59: {  	_ =	shalt  }
0x5a: {  	_ =	shalt  }
0x5b: {  	_ =	shalt  }
0x5c: {  	_ =	shalt  }
0x5d: {  	_ =	shalt  }
0x5e: {  	_ =	shalt  }
0x5f: {  	_ =	shalt  }
0x60: {  	_ =	shalt  }
0x61: {  	_ =	shalt  }
0x62: {  	_ =	shalt  }
0x63: {  	_ =	shalt  }
0x64: {  	_ =	shalt  }
0x65: {  	_ =	shalt  }
0x66: {  	_ =	shalt  }
0x67: {  	_ =	shalt  }
0x68: {  	_ =	shalt  }
0x69: {  	_ =	shalt  }
0x6a: {  	_ =	shalt  }
0x6b: {  	_ =	shalt  }
0x6c: {  	_ =	shalt  }
0x6d: {  	_ =	shalt  }
0x6e: {  	_ =	shalt  }
0x6f: {  	_ =	shalt  }
0x70: {  	_ =	shalt  }
0x71: {  	_ =	shalt  }
0x72: {  	_ =	shalt  }
0x73: {  	_ =	shalt  }
0x74: {  	_ =	shalt  }
0x75: {  	_ =	shalt  }
0x76: {  	_ =	shalt  }
0x77: {  	_ =	shalt  }
0x78: {  	_ =	shalt  }
0x79: {  	_ =	shalt  }
0x7a: {  	_ =	shalt  }
0x7b: {  	_ =	shalt  }
0x7c: {  	_ =	shalt  }
0x7d: {  	_ =	shalt  }
0x7e: {  	_ =	shalt  }
0x7f: {  	_ =	shalt  }
0x80: {  	_ =	shalt  }
0x81: {  	_ =	shalt  }
0x82: {  	_ =	shalt  }
0x83: {  	_ =	shalt  }
0x84: {  	_ =	shalt  }
0x85: {  	_ =	shalt  }
0x86: {  	_ =	shalt  }
0x87: {  	_ =	shalt  }
.Lfunc_end0:
.L_simem_size_0:
called_computation.2_lowered:
.L_overlay_start_0:
0x88: {  	s0 =	sld [smem:$0x3FD9]  }
0x89: {  	s1 =	sld [smem:$0x3FFE];
	_ =	sdelay $0x3  }
0x8a: {  	s0 =	sadd.s32 s1, s0  }
0x8b: {  	[smem:$0x3FC0] =	sst s0  }
0x8c: {  	_ = 	snop  }
0x8d: {  	s0 =	sld [smem:$0x3FD0];
	(tm) =	ssettm $0x1  }
0x8e: {  	s16 =	sld [smem:$0x3FFB];
	_ =	sdelay $0x3  }
0x8f: {  	_ =	strace s16  }
0x90: {  	s1 =	sld [smem:$0x3FFC];
	_ =	sdelay $0x3  }
0x91: {  	_ =	strace s1  }
0x92: {  	s1 =	sld [smem:$0x3FFD];
	_ =	sdelay $0x3  }
0x93: {  	_ =	strace s1  }
0x94: {  	_ =	strace $0x8FFFFFFF  }
0x95: {  	s17 =	sld [smem:$0x3FDB];
	_ =	sdelay $0x1  }
0x96: {  	s2 =	simm.s32 $_scs_section_size  }
0x97: {  	s3 =	simm.s32 $_size__tile_overlayer_lowered;
	s4 =	simm.s32 $_tile_overlayer_lowered  }
0x98: {  	s20 =	simm.s32 $0x1BFF;
	s19 =	sshll.u32 s4, $0x1;
	s1 =	sadd.s32 s2, s17  }
0x99: {  	s5 =	simm.s32 $0x0;
	s18 =	sshll.u32 s3, $0x1;
	s3 =	sadd.s32 s19, s1  }
0x9a: {  	[timem:s5], [sflag:s20] =	dma.local [hbm:s3], s18  }
0x9b: {  	_ =	swait.ge [sflag:s20], s18  }
0x9c: {  	s2 =	ssub.s32 $0x0, s18;
	[sflag:s20] =	ssyncset.done $0x0  }
0x9d: {  	[sflag:s20] =	ssyncadd.s32 s2;
	_ =	sdelay $0x1  }
0x9e: {  	s21 =	simm.s32 $0x1B8B  }
0x9f: {  	_ =	swait.ge [sflag:s21], $0x1  }
0xa0: {  	[sflag:s21] =	ssyncset.done $0x0  }
0xa1: {  	s23 =	simm.s32 $0x1B8E;
	s22 =	sld [smem:$0x3FFE];
	[sflag:s21] =	ssyncadd.s32 $0xFFFFFFFF  }
0xa2: {  	s24 =	simm.s32 $execute0_lowered;
	[smem:$0x3FD2] =	sst s23  }
0xa3: {  	s3 =	sshll.u32 s24, $0x1;
	_ =	strace $0x80000049;
	[dreg:$0x1] =	wrdreg $0xFFFFFFFF  }
0xa4: {  	s25 =	simm.s32 $_size_execute0_lowered;
	s1 =	sadd.s32 s1, s3;
	[dreg:$0x0] =	wrdreg $0x0  }
0xa5: {  	s3 =	sshll.u32 s25, $0x1;
	[dreg:$0x2] =	wrdreg s1  }
0xa6: {  	[dreg:$0x3] =	wrdreg s3  }
0xa7: {  	[dreg:$0x4] =	wrdreg $0xC0  }
0xa8: {  	_ =	task [dreg:s5], $0x5FFFF  }
0xa9: {  	[dreg:$0x1] =	wrdreg $0xFFFFFFFF  }
0xaa: {  	[dreg:$0x0] =	wrdreg $0x60  }
0xab: {  	[dreg:$0x2] =	wrdreg s0  }
0xac: {  	[dreg:$0x3] =	wrdreg s22  }
0xad: {  	[dreg:$0x4] =	wrdreg $0xB  }
0xae: {  	_ =	task.clear_ibuf [dreg:s5], $0x5FFFF;
	_ =	strace $0x90000049  }
0xaf: {  	s26 =	simm.s32 $0xB;
	_ =	strace $0x8000004B  }
0xb0: {  	_ =	swait.ge [sflag:s26], $0x1  }
0xb1: {  	[sflag:s26] =	ssyncadd.s32 $0xFFFFFFFF  }
0xb2: {  	_ =	strace $0x9000004B  }
0xb3: {  	_ =	sfence  }
0xb4: {  	s28 =	sld [smem:$0x0];
	_ =	sdelay $0x1  }
0xb5: {  	s29 =	srdreg.scid  }
0xb6: {  	s30 =	sshll.u32 s29, $0xD;
	s31 =	sshrl.u32 s29, $0x2  }
0xb7: {  	s2 =	sand.u32 $0x4000, s30;
	s1 =	sand.u32 $0x1, s29;
	s0 =	sadd.s32 s31, s28  }
0xb8: {  	s1 =	sor.u32 s2, s1;
	s0 =	sshll.u32 s0, $0x11  }
0xb9: {  	s0 =	sor.u32 s0, s1  }
0xba: {  	s0 =	sadd.s32 $0x8F2B, s0  }
0xbb: {  	[sflag:s0] =	ssyncadd.remote.s32 $0x1  }
0xbc: {  	_ =	sfence.sel $0xFFFF  }
0xbd: {  	[dreg:$0x0] =	wrdreg $0xFFFFFFFF;
	(pc) =	sbr.abs _section_cstart, $3  }
0xbe: {  	[dreg:$0x1] =	wrdreg $0xFFFFFFFF  }
0xbf: {  	_ =	task.clear_ibuf [dreg:s5], $0x2FFFF;
	_ =	strace $0x9FFFFFFF  }
0xc0: {  	(tm) =	ssettm $0x7FFFFFFF  }
0xc1: {  	_ =	shalt  }
tec
execute0_lowered:
.L_overlay_start_1:
0x0: {  	(tag) =	ssettag $0x1  }
0x1: {  	s1 =	rddreg [dreg:$0x0]  }
0x2: {  	s0 =	rddreg [dreg:$0x1];
	_ =	strace $0x8000004A;
	s15 =	stileid.u32  }
0x3: {  	s2 =	simm.s32 $0x1;
	s4 =	smin.u32 s15, $0x8;
	s3 =	sshll.u32 s15, $0x1  }
0x4: {  	v1 =	vimm.s32 $0xFFFFFFFF;
	[sflag:s2] =	ssyncpa.u1 $0x0;
	s4 =	sadd.s32 s4, s3  }
0x5: {  	s5 =	simm.s32 $0x5DC0;
	p0 =	slt.u32 s15, $0x8;
	[tilespmem:$0x10] =	vst v1;
	s4 =	smul.u32 $0x1F40, s4  }
0x6: {  	v0 =	vimm.f32 $0.0e+00;
	[tilespmem:$0x20] =	vst v1;
	s5 =	simm.s32 @!p0 $0x3E80  }
0x7: {  	[tilespmem:$0x30] =	vst v0;
	s5 =	sadd.s32 s5, s4  }
0x8: {  	[tilespmem:$0x40] =	vst v0;
	s5 =	smin.u32 s5, $0x4E200  }
0x9: {  	s7 =	simm.s32 $0x2;
	[tilespmem:$0x50] =	vst v0;
	s9 =	ssub.s32 s5, s4  }
0xa: {  	s8 =	simm.s32 $0x8;
	s31 =	simm.s32 $0x9;
	[tilespmem:$0x60] =	vst v1;
	p0 =	sgt.s32 s9, $0x0  }
0xb: {  	s16 =	simm.s32 $0x0;
	s17 =	simm.s32 $0xF0;
	[tilespmem:$0x70] =	vst v1;
	s9 =	simm.s32 @!p0 $0x0  }
0xc: {  	s18 =	simm.s32 $0xFFFFFFFF;
	s19 =	simm.s32 $0xFFFFC280;
	[tilespmem:$0x80] =	vst v1;
	s6 =	smulhi.u32 $0x10624DD3, s9  }
0xd: {  	s20 =	simm.s32 $0xFFFFFFFE;
	s21 =	simm.s32 $0xF;
	s25 =	simm.s32 $0x0;
	v1 =	vimm.s32 $0x0;
	[tilespmem:$0xB0] =	vst v0  }
0xe: {  	s24 =	simm.s32 $0x0;
	s15 =	sshllo.u32 s15, $0x1;
	[tilespmem:$0x90] =	vst v1;
	s10 =	sshrl.u32 s6, $0x9  }
0xf: {  	[tilespmem:$0xA0] =	vst v1;
	[sflag:s7] =	ssyncpa.u1 $0x0;
	s7 =	simm.s32 $0x7;
	s11 =	smul.u32 $0x1F40, s10  }
.Ltmp0:
0x10: {  	s13 =	sor.u32 $0x80, s3;
	[sflag:s7] =	ssyncpa.u1 $0x0;
	(pc) =	sbr.rel .LBB2_1-.Ltmp0, $4  }
0x11: {  	s14 =	sor.u32 $0x81, s3;
	[sflag:s8] =	ssyncpa.u1 $0x0;
	p0 =	sne.s32 s9, s11  }
0x12: {  	s23 =	smov.u32 s4;
	[sflag:s31] =	ssyncpa.u1 $0x0;
	s2 =	simm.s32 @!p0 $0x0  }
0x13: {  	vm0 =	vmmov $0xffff;
	v2 =	vlaneseq.u32;
	s6 =	sadd.s32 $0xC4E00, s0;
	s9 =	sadd.s32 $0xCEC00, s0;
	s10 =	sadd.s32 s2, s10  }
0x14: {  	vm1 =	vmxor vm1, vm1;
	vm2 =	vmmov $0x1;
	vm3 =	vcmask $0x3F3C;
	p0 =	por $0x0, $0x0;
	s11 =	sadd.s32 $0x1, s10;
	s12 =	sadd.s32 $0x2, s10  }
.LBB2_9:
0x15: {  	p1 =	slt.u32 s24, $0x3  }
0x16: {  	s0 =	simm.s32 @!p1 $0x2  }
0x17: {  	_ =	swait.ge @!p1 [sflag:s0], $0x1F40  }
0x18: {  	[sflag:s0] =	ssyncset.done @!p1 $0x0  }
0x19: {  	[sflag:s0] =	ssyncadd.s32 @!p1 $0xFFFFE0C0;
	s0 =	simm.s32 @!p1 $0x9  }
0x1a: {  	_ =	swait.ge @!p1 [sflag:s0], $0x10  }
0x1b: {  	[sflag:s0] =	ssyncset.done @!p1 $0x0  }
0x1c: {  	[sflag:s0] =	ssyncadd.s32 @!p1 $0xFFFFFFF0;
	p1 =	sne.s32 s24, s12  }
.Ltmp1:
0x1d: {  	s2 =	sadd.s32 $0x1F40, s23;
	(pc) =	sbr.rel @!p1 .LBB2_10-.Ltmp1, $4  }
0x1e: {  	s22 =	smov.u32 s4;
	s31 =	sadd.s32 $0x1, s24;
	s17 =	sadd.s32 $0x1F40, s17  }
0x1f: {  	s18 =	sadd.s32 $0x1, s18;
	s25 =	smov.u32 s23;
	p2 =	slt.s32 s2, s5  }
0x20: {  	p0 =	por !p0, !p0;
	s19 =	sadd.s32 $0x1F40, s19;
	s22 =	smov.u32 @p2 s2  }
0x21: {  	s20 =	sadd.s32 $0x1, s20;
	s23 =	smov.u32 s22;
	s24 =	smov.u32 s31  }
.LBB2_1:
0x22: {  	p1 =	sge.u32 s24, s10  }
0x23: {  	s0 =	smulhi.u32 @!p1 $0xAAAAAAAB, s24;
	_ =	sdelay $0x1  }
0x24: {  	s0 =	sshrl.u32 @!p1 s0, $0x1  }
0x25: {  	s0 =	smul.u32 @!p1 $0x3, s0;
	_ =	sdelay $0x1  }
0x26: {  	s0 =	ssub.s32 @!p1 s24, s0  }
0x27: {  	s0 =	smul.u32 @!p1 $0x7D00, s0;
	_ =	sdelay $0x1  }
0x28: {  	s2 =	sshrl.u32 @!p1 s23, $0x3;
	s0 =	sshrl.u32 @!p1 s0, $0x2  }
0x29: {  	s22 =	sand.u32 @!p1 $0x7, s23;
	s2 =	sadd.s32 @!p1 s6, s2;
	s0 =	sadd.s32 @!p1 $0x100, s0  }
0x2a: {  	[tilespmem:s0], [sflag:$0x7] =	stream.linear.gather @!p1 [hbm4b:s2+s22], $0x1F40, $0x38;
	[tilespmem:$0x11A60] =	vst v63  }
0x2b: {  	s0 =	sadd.s32 $0xFFFFFFFF, s24  }
0x2c: {  	p1 =	sge.u32 s0, s10  }
.Ltmp2:
0x2d: {  	_ = 	snop;
	(pc) =	sbr.rel @p1 .LBB2_5-.Ltmp2, $1  }
0x2e: {  	_ =	sdelay $0x3  }
0x2f: {  	s2 =	smulhi.u32 $0xAAAAAAAB, s0;
	_ =	sdelay $0x1  }
0x30: {  	s2 =	sshrl.u32 s2, $0x1  }
0x31: {  	s2 =	smul.u32 $0x3, s2;
	_ =	sdelay $0x1  }
0x32: {  	s2 =	ssub.s32 s0, s2  }
0x33: {  	s2 =	smul.u32 $0x7D00, s2  }
0x34: {  	_ =	swait.ge [sflag:s7], $0x1F40  }
0x35: {  	[sflag:s7] =	ssyncset.done $0x0;
	s2 =	sshrl.u32 s2, $0x2  }
0x36: {  	[sflag:s7] =	ssyncadd.s32 $0xFFFFE0C0;
	(ifvalue) =	ssetifvalue $0xFFFFFFFF;
	v3 =	vld.msk [tilespmem:s2+$0x100 ss:$0x1], $0xffff;
	_ =	sdelay $0x2  }
0x37: {  	s30 =	smulhi.u32 $0xAAAAAAAB, s18;
	p1 =	sne.s32 s24, $0x1  }
0x38: {  	v4 =	vimm.s32 @!p1 $0x0  }
0x39: {  	s2 =	sshrl.u32 s30, $0x1;
	v4 =	vperm.xlane @!p1 v3, v4  }
0x3a: {  	s22 =	sshll.u32 s24, $0x4;
	s2 =	smul.u32 $0xFFFE8900, s2;
	vm4 =	vlt.u32 v3, $0x2800  }
0x3b: {  	s22 =	sand.u32 $0x10, s22;
	v3 =	vnsel vm4, $0xFFFFFFFE, v3;
	vm4 =	vlt.u32 @!p1 v4, $0x2800  }
0x3c: {  	s2 =	sshra.s32 s2, $0x2;
	[tilespmem:s22+$0x60] =	vst v3;
	v3 =	vnsel @!p1 vm4, $0xFFFFFFFE, v4  }
0x3d: {  	s28 =	sadd.s32 s2, s17;
	[tilespmem:$0x80] =	vst @!p1 v3  }
0x3e: {  	v3 =	vld.msk [tilespmem:s28+$0x0 ss:$0x1], $0xffff;
	_ =	sdelay $0x4  }
0x3f: {  	(xrf1) =	vunique.msk.u32 $0xffff, v3;
	_ =	sdelay $0xd  }
0x40: {  	v4 =	vimm.s32 $0xFFFFFFFF;
	v5, _, _ =	vpop (xrf1)  }
0x41: {  	vm5 =	vne.s32 v3, v4;
	vm4 =	veq.s32 v5, v2  }
0x42: {  	vm6 =	vlt.u32 v3, $0x2800;
	vm4 =	vmand vm5, vm4  }
0x43: {  	vm4 =	vmand vm6, vm4  }
0x44: {  	v4 =	vnsel vm4, $0xFFFFFFFF, v3  }
0x45: {  	s31 =	sand.u32 $0x1, s0  }
0x46: {  	s0 =	simm.s32 $0x1F40;
	p1 =	seq.s32 s31, $0x1  }
0x47: {  	s0 =	simm.s32 @!p1 $0x0  }
0x48: {  	s26 =	sadd.s32 $0x7DF0, s0;
	(ifvalue) =	ssetifvalue $0xFFFFFFFF  }
0x49: {  	v3 =	vperm.xlane v3, v1;
	[tilespmem:s26], [sflag:$0x8] =	stream.indirect_vreg.gather [hbm4b:s1+s16], $0x1, v4, vm0, $0x4038;
	v4 =	vnsel vm6, $0xFFFFFFFE, v4;
	[tilespmem:$0x11A60] =	vst v63  }
0x4a: {  	s2 =	simm.s32 $0x0;
	s22 =	sadd.s32 $0xFFFFFFF0, s28;
	[tilespmem:s28+$0x0] =	vst v4  }
.LBB2_3:
0x4b: {  	v4 =	vld.msk [tilespmem:s22+$0x0 ss:$0x1], $0xffff;
	s2 =	sadd.s32 $0x10, s2;
	v5 =	vmov v3;
	s28 =	smov.u32 s22  }
0x4c: {  	p1 =	slt.u32 s2, $0x1F30;
	_ =	sdelay $0x4  }
0x4d: {  	v3 =	vperm.xlane v4, v1;
	(xrf1) =	vunique.msk.u32 $0xffff, v4;
	_ =	sdelay $0xd  }
0x4e: {  	v6, _, _ =	vpop (xrf1)  }
0x4f: {  	vm5 =	vne.s32 v4, v5;
	vm4 =	veq.s32 v6, v2  }
0x50: {  	vm6 =	vlt.u32 v4, $0x2800;
	vm4 =	vmand vm5, vm4  }
0x51: {  	vm4 =	vmand vm6, vm4  }
0x52: {  	v4 =	vnsel vm4, $0xFFFFFFFF, v4  }
.Ltmp3:
0x53: {  	v5 =	vnsel vm6, $0xFFFFFFFE, v4;
	(pc) =	sbr.rel @p1 .LBB2_3-.Ltmp3, $3  }
0x54: {  	_ =	sdelay $0x1  }
0x55: {  	s22 =	sadd.s32 $0xFFFFFFF0, s22;
	s26 =	sadd.s32 $0xFFFFFFF0, s26;
	(ifvalue) =	ssetifvalue $0xFFFFFFFF  }
0x56: {  	[tilespmem:s26], [sflag:$0x8] =	stream.indirect_vreg.gather [hbm4b:s1+s16], $0x1, v4, vm0, $0x4038;
	[tilespmem:s28+$0x0] =	vst v5  }
0x57: {  	s2 =	sshrl.u32 s25, $0x3  }
0x58: {  	s0 =	sadd.s32 $0x9D40, s0;
	s2 =	sadd.s32 s9, s2  }
0x59: {  	[tilespmem:s0], [sflag:$0x8] =	stream.linear.gather [hbm:s2], $0x1F40, $0x38;
	[tilespmem:$0x11A60] =	vst v63  }
.LBB2_5:
0x5a: {  	p1 =	slt.u32 s24, $0x2  }
0x5b: {  	p2 =	sge.u32 @!p1 s24, s12  }
0x5c: {  	p1 =	por p1, p2  }
.Ltmp4:
0x5d: {  	_ = 	snop;
	(pc) =	sbr.rel @p1 .LBB2_9-.Ltmp4, $1  }
0x5e: {  	_ =	sdelay $0x3  }
0x5f: {  	s0 =	sadd.s32 $0xFFFFFFFE, s24  }
0x60: {  	s2 =	smulhi.u32 $0xAAAAAAAB, s0;
	_ =	sdelay $0x1  }
0x61: {  	s2 =	sshrl.u32 s2, $0x1  }
0x62: {  	s2 =	smul.u32 $0x3, s2;
	_ =	sdelay $0x1  }
0x63: {  	s0 =	ssub.s32 s0, s2  }
0x64: {  	_ =	swait.ge [sflag:s8], $0x3E80;
	s0 =	smul.u32 $0x1F40, s0  }
0x65: {  	p1 =	sne.s32 s24, s11;
	[sflag:s8] =	ssyncset.done $0x0  }
0x66: {  	[sflag:s8] =	ssyncadd.s32 $0xFFFFC180;
	s2 =	sadd.s32 @!p1 $0x203F, s0  }
0x67: {  	[spmem:s14] =	stream.linear.scatter @!p1 [tilespmem:s2], [sflag:$0x1], $0x1, $0x38;
	[tilespmem:$0x11A60] =	vst v63  }
0x68: {  	s2 =	simm.s32 @!p1 $0x1  }
0x69: {  	_ =	swait.ge @!p1 [sflag:s2], $0x1  }
0x6a: {  	s22 =	sshll.u32 s24, $0x4;
	[sflag:s2] =	ssyncset.done @!p1 $0x0  }
0x6b: {  	s25 =	sand.u32 $0x10, s22;
	[sflag:s2] =	ssyncadd.s32 @!p1 $0xFFFFFFFF  }
0x6c: {  	s2 =	sxor.u32 $0x10, s25;
	v4 =	vld [tilespmem:s25+$0x10]  }
0x6d: {  	v5 =	vld [tilespmem:s2+$0x60]  }
0x6e: {  	v3 =	vld [tilespmem:$0x80];
	_ =	sdelay $0x2  }
0x6f: {  	(v2sf) =	vpush v4, $0x0  }
0x70: {  	(v2sf) =	vpush v5, $0x0  }
0x71: {  	(v2sf) =	vpush v3, $0x0;
	_ =	sdelay $0xc  }
0x72: {  	s22 =	spop (v2sf)  }
0x73: {  	s26 =	spop (v2sf)  }
0x74: {  	s28 =	spop (v2sf)  }
0x75: {  	p2 =	seq.s32 s22, s26;
	p3 =	seq.s32 s28, s22  }
0x76: {  	p3 =	por p2, p3  }
0x77: {  	s26 =	sand.u32 $0x1, s24;
	v4 =	vpsel p3, $0xFFFFFFFF, v4  }
0x78: {  	s29 =	smul.u32 $0x1F40, s26;
	[tilespmem:s25+$0x10] =	vst.msk $0x1, v4  }
0x79: {  	v4 =	vld [tilespmem:$0x30]  }
0x7a: {  	v5 =	vld [tilespmem:s29+$0x9D40]  }
0x7b: {  	v6 =	vld [tilespmem:s25+$0x40];
	_ =	sdelay $0x3  }
0x7c: {  	vm4 =	vmmov vm1;
	v5 =	vadd.f32 v5, v4  }
0x7d: {  	vm5 =	vmmov vm2;
	vm4 =	vmmov @p2 vm2;
	s22 =	sshll.u32 s26, $0x4;
	v4 =	vadd.f32 v6, v4  }
0x7e: {  	s26 =	sor.u32 $0x11A40, s22;
	vm5 =	vmmov @p3 vm1;
	[tilespmem:s29+$0x9D40] =	vst.msk vm4, v5  }
0x7f: {  	[tilespmem:s26+$0x0] =	vst.msk vm5, v4  }
0x80: {  	v4 =	vld [tilespmem:s29+$0x7DF0];
	_ =	sdelay $0x3  }
0x81: {  	v5 =	vimm.f32 $0.0e+00  }
0x82: {  	v4 =	vshift.insert v4, v5, s21  }
0x83: {  	s22 =	sor.u32 $0x40, s2  }
0x84: {  	[tilespmem:s22+$0x0] =	vst.msk $0x1, v4  }
0x85: {  	[tilespmem:s29+$0x7DFF] =	vst.msk $0x1, v5  }
0x86: {  	v4 =	vld [tilespmem:s0+$0x2030];
	_ =	sdelay $0x1  }
0x87: {  	s22 =	smulhi.u32 $0xAAAAAAAB, s20;
	s0 =	simm.s32 $0x1  }
0x88: {  	s0 =	simm.s32 @!p0 $0x0  }
0x89: {  	s22 =	sshrl.u32 s22, $0x1;
	s0 =	smul.u32 $0x7D00, s0  }
0x8a: {  	s22 =	smul.u32 $0xFFFE8900, s22;
	v4 =	vshift.insert v4, v1, s21  }
0x8b: {  	s0 =	sshrl.u32 s0, $0x2  }
0x8c: {  	s22 =	sshra.s32 s22, $0x2;
	s30 =	sadd.s32 $0x9D40, s0;
	[tilespmem:s2+$0x10] =	vst.msk $0x1, v4  }
0x8d: {  	s22 =	sadd.s32 s22, s19;
	v6 =	vld [tilespmem:s30+$0x0]  }
0x8e: {  	v7 =	vld [tilespmem:s22+$0x0];
	_ =	sdelay $0x3  }
0x8f: {  	v5 =	vadd.f32 v6, v5  }
0x90: {  	vm4 =	vne.s32 v7, $0xFFFFFFFF  }
0x91: {  	(xrf2) =	vadd.seg.scan.f32 vm4, v5;
	_ =	sdelay $0x3  }
0x92: {  	s31 =	sadd.s32 $0x5EC0, s0;
	v5 =	vperm.xlane v4, v1  }
0x93: {  	v6 =	vld [tilespmem:s31+$0x0]  }
0x94: {  	vm5 =	veq.s32 v7, v3;
	vm6 =	veq.s32 v7, v5  }
0x95: {  	vm7 =	vgt.u32 v7, $0xFFFFFFFD;
	vm6 =	vmor vm6, vm5  }
0x96: {  	vm6 =	vmor vm6, vm7  }
0x97: {  	v9 =	vld [tilespmem:$0xA0];
	v7 =	vsel vm6, $0xFFFFFFFF, v7  }
0x98: {  	v10 =	vld [tilespmem:$0x90];
	v6 =	vsel vm5, $0x0, v6;
	v8, _, _ =	vpop (xrf2)  }
0x99: {  	v6 =	vadd.f32 v8, v6  }
0x9a: {  	s0 =	sadd.s32 $0xDBC0, s0  }
0x9b: {  	vm4 =	vmand vm4, vm3;
	[tilespmem:s0+$0x0] =	vst v6;
	(ifvalue) =	ssetifvalue $0xFFFFFFFF  }
0x9c: {  	vm6 =	veq.s32 v9, $0x1;
	[hbm4b:s1+s16] =	stream.indirect_vreg.scatter [tilespmem:s0], [sflag:$0x2], $0x1, v7, vm0, $0x4038;
	v7 =	vsel vm4, $0x0, v8;
	[tilespmem:$0x11A60] =	vst v63  }
0x9d: {  	s2 =	simm.s32 $0x0;
	s22 =	sadd.s32 $0x10, s22;
	vm4 =	vmor vm6, vm5;
	v6 =	vsel vm5, v8, v10;
	v7 =	vshift.insert v7, v0, s21  }
.LBB2_7:
0x9e: {  	v8 =	vld [tilespmem:s22+$0x0];
	s30 =	sadd.s32 $0x10, s30  }
0x9f: {  	s31 =	sadd.s32 $0x10, s31;
	v9 =	vld [tilespmem:s30+$0x0]  }
0xa0: {  	s2 =	sadd.s32 $0x10, s2;
	v10 =	vld [tilespmem:s31+$0x0]  }
0xa1: {  	p2 =	slt.u32 s2, $0x1F30;
	_ =	sdelay $0x2  }
0xa2: {  	v7 =	vadd.f32 v9, v7  }
0xa3: {  	vm5 =	vne.s32 v8, $0xFFFFFFFF  }
0xa4: {  	vm6 =	vmand vm5, vm3;
	(xrf2) =	vadd.seg.scan.f32 vm5, v7;
	_ =	sdelay $0x5  }
0xa5: {  	vm7 =	veq.s32 v8, v5;
	vm5 =	veq.s32 v8, v3  }
0xa6: {  	vm8 =	vgt.u32 v8, $0xFFFFFFFD;
	vm4 =	vmor vm4, vm5;
	vm7 =	vmor vm7, vm5  }
0xa7: {  	vm7 =	vmor vm7, vm8  }
0xa8: {  	v8 =	vsel vm7, $0xFFFFFFFF, v8  }
.Ltmp5:
0xa9: {  	v7 =	vsel vm5, $0x0, v10;
	v9, _, _ =	vpop (xrf2);
	(pc) =	sbr.rel @p2 .LBB2_7-.Ltmp5, $4  }
0xaa: {  	v6 =	vsel vm5, v9, v6;
	v10 =	vadd.f32 v9, v7;
	v7 =	vsel vm6, $0x0, v9  }
0xab: {  	s0 =	sadd.s32 $0x10, s0;
	v7 =	vshift.insert v7, v0, s21  }
0xac: {  	s22 =	sadd.s32 $0x10, s22;
	[tilespmem:s0+$0x0] =	vst v10;
	(ifvalue) =	ssetifvalue $0xFFFFFFFF  }
0xad: {  	[hbm4b:s1+s16] =	stream.indirect_vreg.scatter [tilespmem:s0], [sflag:$0x2], $0x1, v8, vm0, $0x4038;
	[tilespmem:$0x11A60] =	vst v63  }
0xae: {  	v3 =	vld [tilespmem:s29+$0xFAF0];
	_ =	sdelay $0x4  }
0xaf: {  	v3 =	vshift.insert v3, v0, s21  }
0xb0: {  	s0 =	simm.s32 $0x30  }
0xb1: {  	[tilespmem:s0+$0x0] =	vst.msk $0x1, v3  }
0xb2: {  	v3 =	vsel vm4, $0x1, v1;
	[tilespmem:$0x90] =	vst v6  }
0xb3: {  	s0 =	sadd.s32 @!p1 $0xFAFF, s29;
	[tilespmem:$0xA0] =	vst v3  }
0xb4: {  	[spmem:s15] =	stream.linear.scatter @!p1 [tilespmem:s0], [sflag:$0x1], $0x1, $0x38;
	[tilespmem:$0x11A60] =	vst v63  }
0xb5: {  	s0 =	simm.s32 @!p1 $0x1  }
0xb6: {  	v3 =	vmctz.xlane @!p1 vm4;
	_ =	swait.ge @!p1 [sflag:s0], $0x1  }
0xb7: {  	(v2sf) =	vpush @!p1 v4, $0x0  }
0xb8: {  	(v2sf) =	vpush @!p1 v3, $0x0;
	_ =	sdelay $0xd  }
0xb9: {  	s2 =	spop @!p1 (v2sf)  }
0xba: {  	s22 =	spop @!p1 (v2sf)  }
0xbb: {  	p2 =	sne.s32 @!p1 s28, s2;
	p3 =	slt.s32 @!p1 s22, $0xF  }
0xbc: {  	[sflag:s0] =	ssyncset.done @!p1 $0x0;
	p2 =	por p2, p1;
	p3 =	por !p3, p1  }
0xbd: {  	[sflag:s0] =	ssyncadd.s32 @!p1 $0xFFFFFFFF;
	v3 =	vimm.s32 @!p2 $0xFFFFFFFF;
	s22 =	simm.s32 @p3 $0xF  }
0xbe: {  	[tilespmem:$0x80] =	vst @!p2 v3;
	s2 =	sadd.s32 @!p1 $0x90, s22  }
0xbf: {  	[spmem:s3] =	stream.linear.scatter @!p1 [tilespmem:s2], [sflag:$0x1], $0x1, $0x38;
	[tilespmem:$0x11A60] =	vst v63  }
0xc0: {  	_ =	swait.ge @!p1 [sflag:s0], $0x1  }
0xc1: {  	[sflag:s0] =	ssyncset.done @!p1 $0x0  }
0xc2: {  	s2 =	simm.s32 @!p1 $0x80;
	[sflag:s0] =	ssyncadd.s32 @!p1 $0xFFFFFFFF  }
0xc3: {  	[spmem:s13] =	stream.linear.scatter @!p1 [tilespmem:s2], [sflag:$0x1], $0x1, $0x38;
	[tilespmem:$0x11A60] =	vst v63  }
0xc4: {  	_ =	swait.ge @!p1 [sflag:s0], $0x1  }
0xc5: {  	[sflag:s0] =	ssyncset.done @!p1 $0x0  }
0xc6: {  	[sflag:s0] =	ssyncadd.s32 @!p1 $0xFFFFFFFF;
	(ifvalue) =	ssetifvalue $0xFFFFFFFF;
	v3 =	vld [tilespmem:s25+$0x10];
	_ =	sdelay $0x3  }
.Ltmp6:
0xc7: {  	_ = 	snop;
	(pc) =	sbr.rel .LBB2_9-.Ltmp6, $3  }
0xc8: {  	_ =	sdelay $0x1  }
0xc9: {  	(ifvalue) =	ssetifvalue $0xFFFFFFFF  }
0xca: {  	[hbm4b:s1+s16] =	stream.indirect_vreg.scatter [tilespmem:s26], [sflag:$0x9], $0x1, v3, vm0, $0x4038;
	[tilespmem:$0x11A60] =	vst v63  }
.LBB2_10:
0xcb: {  	_ =	sfence.sel $0x180000  }
0xcc: {  	s0 =	simm.s32 $0x7;
	[bflag:$0x0] =	sbarrier.arrive $0xFFFF  }
0xcd: {  	s26 =	simm.s32 $0x8;
	[sflag:s0] =	ssyncpa.u1 $0x1  }
0xce: {  	s28 =	simm.s32 $0x9;
	[sflag:s26] =	ssyncpa.u1 $0x1  }
0xcf: {  	[sflag:s28] =	ssyncpa.u1 $0x1  }
0xd0: {  	_ =	sfence.stream.spmem  }
0xd1: {  	s29 =	simm.s32 $0x3;
	[bflag:$0x0] =	sbarrier.arrive $0xFFFF  }
0xd2: {  	s30 =	simm.s32 $0x4;
	[sflag:s29] =	ssyncpa.u1 $0x1  }
0xd3: {  	s31 =	simm.s32 $0x3C;
	s2 =	stileid.u32;
	[sflag:s30] =	ssyncpa.u1 $0x1  }
0xd4: {  	p0 =	sne.s32 s2, $0x0;
	[sflag:s31] =	ssyncpa.u1 $0x1  }
0xd5: {  	s0 =	simm.s32 @p0 $0x1;
	_ =	sfence @p0  }
0xd6: {  	[sflag:s0] =	ssyncpa.u1 @p0 $0x1;
	s0 =	simm.s32 @p0 $0x2  }
0xd7: {  	[sflag:s0] =	ssyncpa.u1 @p0 $0x1  }
0xd8: {  	_ =	strace @p0 $0x9000004A  }
0xd9: {  	[bflag:$0x2] =	sbarrier.arrive @p0 $0xFFFF  }
0xda: {  	_ =	shalt @p0  }
.LBB2_11:
0xdb: {  	_ =	sfence.stream.spmem;
	s0 =	simm.s32 $0x5  }
0xdc: {  	s2 =	simm.s32 $0x80;
	s3 =	simm.s32 $0xC0;
	[sflag:s0] =	ssyncpa.u1 $0x0  }
0xdd: {  	[tilespmem:s3], [sflag:$0x5] =	stream.linear.gather [spmem:s2], $0x20, $0x38;
	[tilespmem:$0x11A60] =	vst v63  }
0xde: {  	s2 =	simm.s32 $0x0;
	s3 =	simm.s32 $0xE0  }
0xdf: {  	[tilespmem:s3], [sflag:$0x5] =	stream.linear.gather [spmem:s2], $0x20, $0x38;
	[tilespmem:$0x11A60] =	vst v63  }
.Ltmp7:
0xe0: {  	_ = 	snop;
	(pc) =	sbr.rel .LBB2_12-.Ltmp7, $4  }
0xe1: {  	_ =	swait.ge [sflag:s0], $0x40  }
0xe2: {  	[sflag:s0] =	ssyncset.done $0x0  }
0xe3: {  	s31 =	simm.s32 $0x6;
	[sflag:s0] =	ssyncadd.s32 $0xFFFFFFC0  }
0xe4: {  	s4 =	simm.s32 $0x0;
	[sflag:s31] =	ssyncpa.u1 $0x0  }
.LBB2_17:
0xe5: {  	p0 =	sgt.u32 s5, $0x27FF  }
0xe6: {  	s0 =	sshrl.u32 @!p0 s5, $0x3  }
0xe7: {  	s5 =	sand.u32 @!p0 $0x7, s5;
	s6 =	simm.s32 @!p0 $0xB0;
	s0 =	sadd.s32 @!p0 s1, s0  }
0xe8: {  	[tilespmem:s6], [sflag:$0x6] =	stream.linear.gather @!p0 [hbm4b:s0+s5], $0x1, $0x38;
	[tilespmem:$0x11A60] =	vst v63  }
0xe9: {  	s0 =	simm.s32 @!p0 $0x6  }
0xea: {  	_ =	swait.ge @!p0 [sflag:s0], $0x1  }
0xeb: {  	[sflag:s0] =	ssyncset.done @!p0 $0x0  }
0xec: {  	[sflag:s0] =	ssyncadd.s32 @!p0 $0xFFFFFFFF  }
0xed: {  	v2 =	vmov @!p0 s4;
	v1 =	vld.msk @!p0 [tilespmem:$0xB0], $0x1;
	_ =	sdelay $0x3  }
0xee: {  	s0 =	simm.s32 @!p0 $0xE0  }
0xef: {  	[tilespmem:v2+s0+$0x0], v1 =	vst.idx.ret.add.f32.msk @!p0 $0x1, v1  }
0xf0: {  	[tilespmem:s2+$0xC0] =	vst.msk $0x1, v0  }
0xf1: {  	v0 =	vld.msk [tilespmem:s4+$0xE0], $0x1;
	_ =	sdelay $0x4  }
0xf2: {  	[tilespmem:s2+$0xE0] =	vst.msk $0x1, v0;
	s2 =	sadd.s32 $0x1, s2  }
.LBB2_19:
0xf3: {  	s4 =	sadd.s32 $0x1, s4  }
0xf4: {  	p0 =	sne.s32 s4, $0x20  }
.Ltmp8:
0xf5: {  	_ = 	snop;
	(pc) =	sbr.rel @!p0 .LBB2_20-.Ltmp8, $1  }
0xf6: {  	_ =	sdelay $0x3  }
.LBB2_12:
0xf7: {  	v0 =	vld.msk [tilespmem:s4+$0xC0], $0x1;
	_ =	sdelay $0x4  }
0xf8: {  	(v2sf) =	vpush v0, $0x0;
	_ =	sdelay $0xe  }
0xf9: {  	s5 =	spop (v2sf)  }
0xfa: {  	p0 =	seq.s32 s5, $0xFFFFFFFF  }
.Ltmp9:
0xfb: {  	_ = 	snop;
	(pc) =	sbr.rel @p0 .LBB2_19-.Ltmp9, $1  }
0xfc: {  	_ =	sdelay $0x3  }
0xfd: {  	p0 =	slt.s32 s2, $0x1  }
.Ltmp10:
0xfe: {  	_ = 	snop;
	(pc) =	sbr.rel @p0 .LBB2_17-.Ltmp10, $1  }
0xff: {  	_ =	sdelay $0x3  }
0x100: {  	s0 =	simm.s32 $0xC0;
	p0 =	por $0x0, $0x0  }
0x101: {  	v1 =	vld.msk @!p0 [tilespmem:s0+$0x0], $0x1;
	_ =	sdelay $0x4  }
0x102: {  	(v2sf) =	vpush @!p0 v1, $0x0;
	_ =	sdelay $0xd  }
0x103: {  	p2 =	sne.s32 s2, $0x1  }
.Ltmp11:
0x104: {  	s6 =	spop @!p0 (v2sf);
	(pc) =	sbr.rel @!p2 .LBB2_16-.Ltmp11, $4  }
0x105: {  	p1 =	seq.s32 @!p0 s5, s6  }
0x106: {  	s6 =	simm.s32 $0x0;
	p1 =	por !p1, p0  }
0x107: {  	s8 =	simm.s32 $0xFFFFFFFF;
	s6 =	simm.s32 @p1 $0xFFFFFFFF  }
0x108: {  	s7 =	simm.s32 $0x1;
	s6 =	smov.u32 @p0 s8  }
.LBB2_15:
0x109: {  	s8 =	smov.u32 s6;
	p0 =	sne.s32 s6, $0xFFFFFFFF  }
0x10a: {  	s0 =	sadd.s32 $0x1, s0;
	s6 =	smov.u32 s7;
	s7 =	sadd.s32 $0x1, s7  }
0x10b: {  	p1 =	sne.s32 s2, s7;
	v1 =	vld.msk @!p0 [tilespmem:s0+$0x0], $0x1;
	_ =	sdelay $0x4  }
0x10c: {  	(v2sf) =	vpush @!p0 v1, $0x0;
	_ =	sdelay $0xe  }
.Ltmp12:
0x10d: {  	s9 =	spop @!p0 (v2sf);
	(pc) =	sbr.rel @p1 .LBB2_15-.Ltmp12, $4  }
0x10e: {  	p2 =	seq.s32 @!p0 s5, s9  }
0x10f: {  	p2 =	por !p2, p0  }
0x110: {  	s6 =	simm.s32 @p2 $0xFFFFFFFF  }
0x111: {  	s6 =	smov.u32 @p0 s8  }
.LBB2_16:
0x112: {  	p0 =	sne.s32 s6, $0xFFFFFFFF  }
.Ltmp13:
0x113: {  	_ = 	snop;
	(pc) =	sbr.rel @!p0 .LBB2_17-.Ltmp13, $1  }
0x114: {  	_ =	sdelay $0x3  }
0x115: {  	v0 =	vld.msk [tilespmem:s4+$0xE0], $0x1;
	v1 =	vmov s6  }
.Ltmp14:
0x116: {  	_ = 	snop;
	(pc) =	sbr.rel .LBB2_19-.Ltmp14, $2  }
0x117: {  	_ =	sdelay $0x2  }
0x118: {  	[tilespmem:v1+s3+$0x0], v0 =	vst.idx.ret.add.f32.msk $0x1, v0  }
.LBB2_20:
0x119: {  	p0 =	slt.s32 s2, $0x1  }
.Ltmp15:
0x11a: {  	_ = 	snop;
	(pc) =	sbr.rel @p0 .LBB2_24-.Ltmp15, $3  }
0x11b: {  	_ =	sdelay $0x1  }
0x11c: {  	s0 =	simm.s32 $0x6  }
0x11d: {  	s3 =	simm.s32 $0x0;
	[sflag:s0] =	ssyncpa.u1 $0x1  }
0x11e: {  	s0 =	simm.s32 $0xC0  }
0x11f: {  	v0 =	vld.msk [tilespmem:s0+$0x0], $0x1;
	_ =	sdelay $0x4  }
0x120: {  	(v2sf) =	vpush v0, $0x0;
	_ =	sdelay $0xe  }
0x121: {  	s2 =	sadd.s32 $0xFFFFFFFF, s2;
	s4 =	spop (v2sf)  }
0x122: {  	p1 =	sne.s32 s2, $0x0;
	p0 =	sgt.u32 s4, $0x27FF  }
.Ltmp16:
0x123: {  	s5 =	sshrl.u32 @!p0 s4, $0x3;
	(pc) =	sbr.rel @!p1 .LBB2_23-.Ltmp16, $4  }
0x124: {  	s0 =	simm.s32 $0xE0;
	s4 =	sand.u32 @!p0 $0x7, s4;
	s5 =	sadd.s32 @!p0 s1, s5  }
0x125: {  	[hbm4b:s5+s4] =	stream.linear.scatter @!p0 [tilespmem:s0], [sflag:$0x5], $0x1, $0x38;
	[tilespmem:$0x11A60] =	vst v63  }
0x126: {  	s5 =	simm.s32 $0x0  }
0x127: {  	s4 =	simm.s32 $0xC1;
	s5 =	simm.s32 @!p0 $0x4  }
.LBB2_22:
0x128: {  	v0 =	vld.msk [tilespmem:s4+$0x0], $0x1;
	s2 =	sadd.s32 $0xFFFFFFFF, s2;
	s3 =	sadd.s32 s3, s5  }
0x129: {  	p0 =	sne.s32 s2, $0x0;
	_ =	sdelay $0x3  }
0x12a: {  	(v2sf) =	vpush v0, $0x0;
	_ =	sdelay $0xe  }
.Ltmp17:
0x12b: {  	s6 =	spop (v2sf);
	(pc) =	sbr.rel @p0 .LBB2_22-.Ltmp17, $4  }
0x12c: {  	s5 =	simm.s32 $0x0;
	p1 =	sgt.u32 s6, $0x27FF  }
0x12d: {  	s0 =	sadd.s32 $0x1, s0;
	s5 =	simm.s32 @!p1 $0x4;
	s7 =	sshrl.u32 @!p1 s6, $0x3  }
0x12e: {  	s4 =	sadd.s32 $0x1, s4;
	s6 =	sand.u32 @!p1 $0x7, s6;
	s7 =	sadd.s32 @!p1 s1, s7  }
0x12f: {  	[hbm4b:s7+s6] =	stream.linear.scatter @!p1 [tilespmem:s0], [sflag:$0x5], $0x1, $0x38;
	[tilespmem:$0x11A60] =	vst v63  }
.LBB2_23:
0x130: {  	s0 =	sadd.s32 s3, s5  }
0x131: {  	s3 =	sshrl.u32 s0, $0x2  }
.LBB2_24:
0x132: {  	s0 =	simm.s32 $0x5  }
0x133: {  	_ =	swait.ge [sflag:s0], s3  }
0x134: {  	s1 =	ssub.s32 $0x0, s3;
	[sflag:s0] =	ssyncset.done $0x0  }
0x135: {  	[sflag:s0] =	ssyncadd.s32 s1  }
0x136: {  	[sflag:s0] =	ssyncpa.u1 $0x1  }
0x137: {  	s29 =	simm.s32 $0x1;
	_ =	sfence  }
0x138: {  	s30 =	simm.s32 $0x2;
	[sflag:s29] =	ssyncpa.u1 $0x1  }
0x139: {  	[sflag:s30] =	ssyncpa.u1 $0x1  }
0x13a: {  	_ =	strace $0x9000004A  }
0x13b: {  	[bflag:$0x2] =	sbarrier.arrive $0xFFFF  }
0x13c: {  	s31 =	rddreg [dreg:$0x2]  }
0x13d: {  	s0 =	sadd.s32 $0x100000, s31  }
0x13e: {  	[sflag:s0] =	ssyncadd.tile.s32 $0x1;
	_ =	shalt  }
.Lfunc_end2:
_tile_overlayer_lowered:
.L_overlay_start_2:
0x13f: {  	(tag) =	ssettag $0x2  }
0x140: {  	s0 =	rddreg [dreg:$0x0];
	s2 =	stileid.u32  }
0x141: {  	s1 =	rddreg [dreg:$0x1];
	p0 =	sne.s32 s2, $0x0  }
0x142: {  	s3 =	rddreg [dreg:$0x2];
	[bflag:$0x3] =	sbarrier.arrive $0xFFFF;
	s2 =	simm.s32 @!p0 $0x1C01  }
0x143: {  	[timem:s3], [sflag:s2] =	dma.local @!p0 [hbm:s0], s1  }
0x144: {  	s0 =	simm.s32 @!p0 $0x1  }
0x145: {  	_ =	swait.ge @!p0 [sflag:s0], s1  }
0x146: {  	s1 =	ssub.s32 @!p0 $0x0, s1;
	[sflag:s0] =	ssyncset.done @!p0 $0x0  }
0x147: {  	[sflag:s0] =	ssyncadd.s32 @!p0 s1  }
0x148: {  	[bflag:$0x3] =	sbarrier.arrive $0xFFFF  }
0x149: {  	_ =	shalt  }

// kernel: scatter_offload_async_start
scs
__scs_entry_jumppad:
0x0: {  	(pc) =	sbr.rel $0x88, $3  }
0x1: {  	(tag) =	ssettag $0x0;
	lr =	simm.s32 $0x1  }
0x2: {  	[smem:$0x3F99] =	sst lr;
	_ =	strace $0xD0000000  }
0x3: {  	_ = 	snop  }
0x4: {  	_ = 	snop  }
0x5: {  	_ = 	snop  }
0x6: {  	_ = 	snop  }
0x7: {  	_ = 	snop  }
__scs_overlays_trampoline_lowered:
0x8: {  	[smem:$0x3FA8] =	sst s0  }
0x9: {  	[smem:$0x3FA9] =	sst s1  }
0xa: {  	[smem:$0x3FAA] =	sst s2  }
0xb: {  	[smem:$0x3FAB] =	sst s3  }
0xc: {  	[smem:$0x3FAC] =	sst s4  }
0xd: {  	[smem:$0x3FAD] =	sst s5  }
0xe: {  	[smem:$0x3FAE] =	sst s6  }
0xf: {  	[smem:$0x3FAF] =	sst s7  }
0x10: {  	[smem:$0x3FB0] =	sst s8  }
0x11: {  	[smem:$0x3FB1] =	sst s9;
	s0 =	simm.s32 @!p0 $0x0  }
0x12: {  	s1 =	sld [smem:$0x3F97];
	s0 =	simm.s32 @p0 $0x1  }
0x13: {  	[smem:$0x3FB2] =	sst s0;
	s0 =	simm.s32 @!p1 $0x0  }
0x14: {  	s2 =	sld [smem:$0x3F96];
	s0 =	simm.s32 @p1 $0x1  }
0x15: {  	[smem:$0x3FB3] =	sst s0;
	s0 =	simm.s32 @!p2 $0x0  }
0x16: {  	s3 =	sld [smem:$0x3FDB];
	s0 =	simm.s32 @p2 $0x1  }
0x17: {  	s4 =	simm.s32 $0x1BF5;
	[smem:$0x3FB5] =	sst s0  }
0x18: {  	s0 =	sld [smem:$0x3F98];
	_ =	swait.ge [sflag:s4], $0x0  }
0x19: {  	s7 =	sld [smem:$0x3F99]  }
0x1a: {  	s8 =	sadd.s32 $0xFFFFE003, lr  }
0x1b: {  	s9 =	sadd.s32 $0xFFFFFEF7, lr;
	s5 =	simm.s32 $0xFFFFFFFF;
	p2 =	slt.u32 s8, $0xFFFFF086  }
0x1c: {  	p1 =	slt.u32 s9, $0xF7A;
	s5 =	simm.s32 @!p2 $0x0  }
0x1d: {  	s5 =	simm.s32 @p1 $0x1;
	p0 =	seq.s32 s7, s2  }
0x1e: {  	s7 =	smul.u32 @!p0 $0xF7A, s2;
	p2 =	seq.s32 @!p0 s5, $0x0  }
0x1f: {  	s9 =	smul.u32 $0xF7A, s1;
	s8 =	simm.s32 @!p0 $0x1BF5;
	p2 =	por !p2, p0  }
0x20: {  	[sflag:s8] =	ssyncset.s32 @!p0 $0xFFFFF086;
	s6 =	sadd.s32 @!p0 s3, s7;
	s7 =	simm.s32 @!p0 $0x108  }
0x21: {  	s3 =	sadd.s32 s3, s9;
	s6 =	sadd.s32 @!p0 $0x88, s6;
	s7 =	simm.s32 @p2 $0x1082  }
0x22: {  	[simem:s7], [sflag:s8] =	dma.local @!p0 [hbm:s6], $0xF7A  }
0x23: {  	s9 =	sor.u32 $0xD0000000, s2;
	s6 =	simm.s32 $0x108;
	_ =	swait.ge @!p0 [sflag:s8], $0x0  }
0x24: {  	s3 =	sadd.s32 $0x88, s3;
	s6 =	simm.s32 @!p1 $0x1082;
	[sflag:s4] =	ssyncset.s32 $0xFFFFF086  }
0x25: {  	[simem:s6], [sflag:s4] =	dma.local [hbm:s3], $0xF7A  }
0x26: {  	[smem:$0x3F99] =	sst s1;
	(tag) =	ssettag s2;
	_ =	strace s9  }
0x27: {  	s1 =	sld [smem:$0x3FA9]  }
0x28: {  	s2 =	sld [smem:$0x3FAA]  }
0x29: {  	s4 =	sld [smem:$0x3FAC]  }
0x2a: {  	p0 =	seq.s32 s5, $0x0;
	s5 =	sld [smem:$0x3FAD]  }
0x2b: {  	s6 =	sld [smem:$0x3FAE]  }
0x2c: {  	s7 =	sld [smem:$0x3FAF]  }
0x2d: {  	s3 =	simm.s32 $0x108;
	s8 =	sld [smem:$0x3FB0]  }
0x2e: {  	s3 =	simm.s32 @!p0 $0x1082;
	s9 =	sld [smem:$0x3FB1]  }
0x2f: {  	lr =	sadd.s32 s0, s3;
	s0 =	sld [smem:$0x3FA8]  }
0x30: {  	s3 =	sld [smem:$0x3FAB]  }
0x31: {  	[smem:$0x3FB4] =	sst s10  }
0x32: {  	s10 =	sld [smem:$0x3FB2];
	_ =	sdelay $0x3  }
0x33: {  	p0 =	seq.s32 s10, $0x1;
	s10 =	sld [smem:$0x3FB4];
	_ =	sdelay $0x3  }
0x34: {  	[smem:$0x3FB4] =	sst s10  }
0x35: {  	s10 =	sld [smem:$0x3FB3];
	_ =	sdelay $0x3  }
0x36: {  	p1 =	seq.s32 s10, $0x1;
	s10 =	sld [smem:$0x3FB4];
	_ =	sdelay $0x3  }
0x37: {  	[smem:$0x3FB4] =	sst s10  }
0x38: {  	s10 =	sld [smem:$0x3FB5]  }
0x39: {  	_ = 	snop;
	(pc) =	sbr.ind lr, $3  }
0x3a: {  	_ = 	snop  }
0x3b: {  	_ = 	snop  }
0x3c: {  	p2 =	seq.s32 s10, $0x1;
	s10 =	sld [smem:$0x3FB4]  }
0x3d: {  	_ =	shalt  }
0x3e: {  	_ =	shalt  }
0x3f: {  	_ =	shalt  }
0x40: {  	_ =	shalt  }
0x41: {  	_ =	shalt  }
0x42: {  	_ =	shalt  }
0x43: {  	_ =	shalt  }
0x44: {  	_ =	shalt  }
0x45: {  	_ =	shalt  }
0x46: {  	_ =	shalt  }
0x47: {  	_ =	shalt  }
0x48: {  	_ =	shalt  }
0x49: {  	_ =	shalt  }
0x4a: {  	_ =	shalt  }
0x4b: {  	_ =	shalt  }
0x4c: {  	_ =	shalt  }
0x4d: {  	_ =	shalt  }
0x4e: {  	_ =	shalt  }
0x4f: {  	_ =	shalt  }
0x50: {  	_ =	shalt  }
0x51: {  	_ =	shalt  }
0x52: {  	_ =	shalt  }
0x53: {  	_ =	shalt  }
0x54: {  	_ =	shalt  }
0x55: {  	_ =	shalt  }
0x56: {  	_ =	shalt  }
0x57: {  	_ =	shalt  }
0x58: {  	_ =	shalt  }
0x59: {  	_ =	shalt  }
0x5a: {  	_ =	shalt  }
0x5b: {  	_ =	shalt  }
0x5c: {  	_ =	shalt  }
0x5d: {  	_ =	shalt  }
0x5e: {  	_ =	shalt  }
0x5f: {  	_ =	shalt  }
0x60: {  	_ =	shalt  }
0x61: {  	_ =	shalt  }
0x62: {  	_ =	shalt  }
0x63: {  	_ =	shalt  }
0x64: {  	_ =	shalt  }
0x65: {  	_ =	shalt  }
0x66: {  	_ =	shalt  }
0x67: {  	_ =	shalt  }
0x68: {  	_ =	shalt  }
0x69: {  	_ =	shalt  }
0x6a: {  	_ =	shalt  }
0x6b: {  	_ =	shalt  }
0x6c: {  	_ =	shalt  }
0x6d: {  	_ =	shalt  }
0x6e: {  	_ =	shalt  }
0x6f: {  	_ =	shalt  }
0x70: {  	_ =	shalt  }
0x71: {  	_ =	shalt  }
0x72: {  	_ =	shalt  }
0x73: {  	_ =	shalt  }
0x74: {  	_ =	shalt  }
0x75: {  	_ =	shalt  }
0x76: {  	_ =	shalt  }
0x77: {  	_ =	shalt  }
0x78: {  	_ =	shalt  }
0x79: {  	_ =	shalt  }
0x7a: {  	_ =	shalt  }
0x7b: {  	_ =	shalt  }
0x7c: {  	_ =	shalt  }
0x7d: {  	_ =	shalt  }
0x7e: {  	_ =	shalt  }
0x7f: {  	_ =	shalt  }
0x80: {  	_ =	shalt  }
0x81: {  	_ =	shalt  }
0x82: {  	_ =	shalt  }
0x83: {  	_ =	shalt  }
0x84: {  	_ =	shalt  }
0x85: {  	_ =	shalt  }
0x86: {  	_ =	shalt  }
0x87: {  	_ =	shalt  }
.Lfunc_end0:
.L_simem_size_0:
called_computation_lowered:
.L_overlay_start_0:
0x88: {  	s0 =	sld [smem:$0x3FD9]  }
0x89: {  	s1 =	sld [smem:$0x3FFE];
	_ =	sdelay $0x3  }
0x8a: {  	s0 =	sadd.s32 s1, s0  }
0x8b: {  	[smem:$0x3FC0] =	sst s0  }
0x8c: {  	_ = 	snop  }
0x8d: {  	(tm) =	ssettm $0x1  }
0x8e: {  	s15 =	sld [smem:$0x3FFB];
	_ =	sdelay $0x3  }
0x8f: {  	_ =	strace s15  }
0x90: {  	s0 =	sld [smem:$0x3FFC];
	_ =	sdelay $0x3  }
0x91: {  	_ =	strace s0  }
0x92: {  	s0 =	sld [smem:$0x3FFD];
	_ =	sdelay $0x3  }
0x93: {  	_ =	strace s0  }
0x94: {  	_ =	strace $0x8FFFFFFF  }
0x95: {  	s16 =	sld [smem:$0x3FDB];
	_ =	sdelay $0x1  }
0x96: {  	s17 =	simm.s32 $_scs_section_size  }
0x97: {  	s2 =	simm.s32 $_size__tile_overlayer_lowered;
	s3 =	simm.s32 $_tile_overlayer_lowered  }
0x98: {  	s20 =	simm.s32 $0x1BFF;
	s19 =	sshll.u32 s3, $0x1;
	s0 =	sadd.s32 s17, s16  }
0x99: {  	s4 =	simm.s32 $0x0;
	s18 =	sshll.u32 s2, $0x1;
	s2 =	sadd.s32 s19, s0  }
0x9a: {  	[timem:s4], [sflag:s20] =	dma.local [hbm:s2], s18  }
0x9b: {  	_ =	swait.ge [sflag:s20], s18  }
0x9c: {  	s1 =	ssub.s32 $0x0, s18;
	[sflag:s20] =	ssyncset.done $0x0  }
0x9d: {  	[sflag:s20] =	ssyncadd.s32 s1;
	_ =	sdelay $0x1  }
0x9e: {  	s21 =	simm.s32 $0x1B8B  }
0x9f: {  	_ =	swait.ge [sflag:s21], $0x1  }
0xa0: {  	[sflag:s21] =	ssyncset.done $0x0  }
0xa1: {  	s23 =	simm.s32 $0x1B8E;
	s22 =	sld [smem:$0x3FFE];
	[sflag:s21] =	ssyncadd.s32 $0xFFFFFFFF  }
0xa2: {  	s24 =	simm.s32 $execute0_lowered;
	[smem:$0x3FD2] =	sst s23  }
0xa3: {  	s2 =	sshll.u32 s24, $0x1;
	_ =	strace $0x8000004C;
	[dreg:$0x1] =	wrdreg $0xFFFFFFFF  }
0xa4: {  	s25 =	simm.s32 $_size_execute0_lowered;
	s0 =	sadd.s32 s0, s2;
	[dreg:$0x0] =	wrdreg $0x0  }
0xa5: {  	s2 =	sshll.u32 s25, $0x1;
	[dreg:$0x2] =	wrdreg s0  }
0xa6: {  	[dreg:$0x3] =	wrdreg s2  }
0xa7: {  	[dreg:$0x4] =	wrdreg $0xC0  }
0xa8: {  	_ =	task [dreg:s4], $0x5FFFF  }
0xa9: {  	[dreg:$0x1] =	wrdreg $0xFFFFFFFF  }
0xaa: {  	[dreg:$0x0] =	wrdreg $0x60  }
0xab: {  	[dreg:$0x2] =	wrdreg s22  }
0xac: {  	[dreg:$0x3] =	wrdreg $0x9  }
0xad: {  	_ =	task.clear_ibuf [dreg:s4], $0x4FFFF;
	_ =	strace $0x9000004C  }
0xae: {  	s26 =	simm.s32 $0x9;
	_ =	strace $0x8000004E  }
0xaf: {  	_ =	swait.ge [sflag:s26], $0x1  }
0xb0: {  	[sflag:s26] =	ssyncadd.s32 $0xFFFFFFFF  }
0xb1: {  	_ =	strace $0x9000004E  }
0xb2: {  	_ =	sfence  }
0xb3: {  	s28 =	sld [smem:$0x0];
	_ =	sdelay $0x1  }
0xb4: {  	s29 =	srdreg.scid  }
0xb5: {  	s30 =	sshll.u32 s29, $0xD;
	s31 =	sshrl.u32 s29, $0x2  }
0xb6: {  	s1 =	sand.u32 $0x1, s29;
	s2 =	sand.u32 $0x4000, s30;
	s0 =	sadd.s32 s31, s28  }
0xb7: {  	s1 =	sor.u32 s2, s1;
	s0 =	sshll.u32 s0, $0x11  }
0xb8: {  	s0 =	sor.u32 s0, s1  }
0xb9: {  	s0 =	sadd.s32 $0x8F2B, s0  }
0xba: {  	[sflag:s0] =	ssyncadd.remote.s32 $0x1  }
0xbb: {  	_ =	sfence.sel $0xFFFF  }
0xbc: {  	[dreg:$0x0] =	wrdreg $0xFFFFFFFF;
	(pc) =	sbr.abs _section_cstart, $3  }
0xbd: {  	[dreg:$0x1] =	wrdreg $0xFFFFFFFF  }
0xbe: {  	_ =	task.clear_ibuf [dreg:s4], $0x2FFFF;
	_ =	strace $0x9FFFFFFF  }
0xbf: {  	(tm) =	ssettm $0x7FFFFFFF  }
tec
execute0_lowered:
.L_overlay_start_1:
0x0: {  	(tag) =	ssettag $0x1  }
0x1: {  	s0 =	rddreg [dreg:$0x0];
	_ =	strace $0x8000004D;
	s15 =	stileid.u32  }
0x2: {  	s2 =	simm.s32 $0x1;
	s1 =	smin.u32 s15, $0x8;
	s3 =	sshll.u32 s15, $0x1  }
0x3: {  	v1 =	vimm.s32 $0xFFFFFFFF;
	[sflag:s2] =	ssyncpa.u1 $0x0;
	s1 =	sadd.s32 s1, s3  }
0x4: {  	p0 =	slt.u32 s15, $0x8;
	[tilespmem:$0x10] =	vst v1;
	s4 =	smul.u32 $0x1F40, s1;
	s1 =	simm.s32 $0x5DC0  }
0x5: {  	v0 =	vimm.f32 $0.0e+00;
	[tilespmem:$0x20] =	vst v1;
	s1 =	simm.s32 @!p0 $0x3E80  }
0x6: {  	[tilespmem:$0x30] =	vst v0;
	s1 =	sadd.s32 s1, s4  }
0x7: {  	[tilespmem:$0x40] =	vst v0;
	s5 =	smin.u32 s1, $0x4E200  }
0x8: {  	s7 =	simm.s32 $0x2;
	s8 =	simm.s32 $0x8;
	[tilespmem:$0x50] =	vst v0;
	s9 =	ssub.s32 s5, s4  }
0x9: {  	s31 =	simm.s32 $0x9;
	s16 =	simm.s32 $0x0;
	[tilespmem:$0x60] =	vst v1;
	p0 =	sgt.s32 s9, $0x0  }
0xa: {  	s17 =	simm.s32 $0xF0;
	s18 =	simm.s32 $0xFFFFFFFF;
	[tilespmem:$0x70] =	vst v1;
	s9 =	simm.s32 @!p0 $0x0  }
0xb: {  	s19 =	simm.s32 $0xFFFFC280;
	s20 =	simm.s32 $0xFFFFFFFE;
	[tilespmem:$0x80] =	vst v1;
	s30 =	smulhi.u32 $0x10624DD3, s9  }
0xc: {  	s21 =	simm.s32 $0xF;
	s25 =	simm.s32 $0x0;
	s24 =	simm.s32 $0x0;
	v1 =	vimm.s32 $0x0;
	[tilespmem:$0xB0] =	vst v0  }
0xd: {  	s6 =	sadd.s32 $0x13C00, s0;
	s15 =	sshllo.u32 s15, $0x1;
	[tilespmem:$0x90] =	vst v1;
	s10 =	sshrl.u32 s30, $0x9  }
0xe: {  	[tilespmem:$0xA0] =	vst v1;
	[sflag:s7] =	ssyncpa.u1 $0x0;
	s7 =	simm.s32 $0x7;
	s11 =	smul.u32 $0x1F40, s10  }
.Ltmp0:
0xf: {  	s13 =	sor.u32 $0x80, s3;
	[sflag:s7] =	ssyncpa.u1 $0x0;
	(pc) =	sbr.rel .LBB2_1-.Ltmp0, $4  }
0x10: {  	s14 =	sor.u32 $0x81, s3;
	[sflag:s8] =	ssyncpa.u1 $0x0;
	p0 =	sne.s32 s9, s11  }
0x11: {  	s23 =	smov.u32 s4;
	s1 =	sadd.s32 $0x2800, s0;
	s2 =	simm.s32 @!p0 $0x0  }
0x12: {  	vm0 =	vmmov $0xffff;
	v2 =	vlaneseq.u32;
	[sflag:s31] =	ssyncpa.u1 $0x0;
	s9 =	sadd.s32 $0x1DA00, s0;
	s10 =	sadd.s32 s2, s10  }
0x13: {  	vm1 =	vmxor vm1, vm1;
	vm2 =	vmmov $0x1;
	vm3 =	vcmask $0x3F3C;
	p0 =	por $0x0, $0x0;
	s11 =	sadd.s32 $0x1, s10;
	s12 =	sadd.s32 $0x2, s10  }
.LBB2_9:
0x14: {  	p1 =	slt.u32 s24, $0x3  }
0x15: {  	s0 =	simm.s32 @!p1 $0x2  }
0x16: {  	_ =	swait.ge @!p1 [sflag:s0], $0x1F40  }
0x17: {  	[sflag:s0] =	ssyncset.done @!p1 $0x0  }
0x18: {  	[sflag:s0] =	ssyncadd.s32 @!p1 $0xFFFFE0C0;
	s0 =	simm.s32 @!p1 $0x9  }
0x19: {  	_ =	swait.ge @!p1 [sflag:s0], $0x10  }
0x1a: {  	[sflag:s0] =	ssyncset.done @!p1 $0x0  }
0x1b: {  	[sflag:s0] =	ssyncadd.s32 @!p1 $0xFFFFFFF0;
	p1 =	sne.s32 s24, s12  }
.Ltmp1:
0x1c: {  	s2 =	sadd.s32 $0x1F40, s23;
	(pc) =	sbr.rel @!p1 .LBB2_10-.Ltmp1, $4  }
0x1d: {  	s22 =	smov.u32 s4;
	s31 =	sadd.s32 $0x1, s24;
	s17 =	sadd.s32 $0x1F40, s17  }
0x1e: {  	s18 =	sadd.s32 $0x1, s18;
	s25 =	smov.u32 s23;
	p2 =	slt.s32 s2, s5  }
0x1f: {  	p0 =	por !p0, !p0;
	s19 =	sadd.s32 $0x1F40, s19;
	s22 =	smov.u32 @p2 s2  }
0x20: {  	s20 =	sadd.s32 $0x1, s20;
	s23 =	smov.u32 s22;
	s24 =	smov.u32 s31  }
.LBB2_1:
0x21: {  	p1 =	sge.u32 s24, s10  }
0x22: {  	s0 =	smulhi.u32 @!p1 $0xAAAAAAAB, s24;
	_ =	sdelay $0x1  }
0x23: {  	s0 =	sshrl.u32 @!p1 s0, $0x1  }
0x24: {  	s0 =	smul.u32 @!p1 $0x3, s0;
	_ =	sdelay $0x1  }
0x25: {  	s0 =	ssub.s32 @!p1 s24, s0  }
0x26: {  	s0 =	smul.u32 @!p1 $0x7D00, s0;
	_ =	sdelay $0x1  }
0x27: {  	s2 =	sshrl.u32 @!p1 s23, $0x3;
	s0 =	sshrl.u32 @!p1 s0, $0x2  }
0x28: {  	s22 =	sand.u32 @!p1 $0x7, s23;
	s2 =	sadd.s32 @!p1 s6, s2;
	s0 =	sadd.s32 @!p1 $0x100, s0  }
0x29: {  	[tilespmem:s0], [sflag:$0x7] =	stream.linear.gather @!p1 [hbm4b:s2+s22], $0x1F40, $0x38;
	[tilespmem:$0x11A60] =	vst v63  }
0x2a: {  	s0 =	sadd.s32 $0xFFFFFFFF, s24  }
0x2b: {  	p1 =	sge.u32 s0, s10  }
.Ltmp2:
0x2c: {  	_ = 	snop;
	(pc) =	sbr.rel @p1 .LBB2_5-.Ltmp2, $1  }
0x2d: {  	_ =	sdelay $0x3  }
0x2e: {  	s2 =	smulhi.u32 $0xAAAAAAAB, s0;
	_ =	sdelay $0x1  }
0x2f: {  	s2 =	sshrl.u32 s2, $0x1  }
0x30: {  	s2 =	smul.u32 $0x3, s2;
	_ =	sdelay $0x1  }
0x31: {  	s2 =	ssub.s32 s0, s2  }
0x32: {  	s2 =	smul.u32 $0x7D00, s2  }
0x33: {  	_ =	swait.ge [sflag:s7], $0x1F40  }
0x34: {  	[sflag:s7] =	ssyncset.done $0x0;
	s2 =	sshrl.u32 s2, $0x2  }
0x35: {  	[sflag:s7] =	ssyncadd.s32 $0xFFFFE0C0;
	(ifvalue) =	ssetifvalue $0xFFFFFFFF;
	v3 =	vld.msk [tilespmem:s2+$0x100 ss:$0x1], $0xffff;
	_ =	sdelay $0x2  }
0x36: {  	s30 =	smulhi.u32 $0xAAAAAAAB, s18;
	p1 =	sne.s32 s24, $0x1  }
0x37: {  	v4 =	vimm.s32 @!p1 $0x0  }
0x38: {  	s2 =	sshrl.u32 s30, $0x1;
	v4 =	vperm.xlane @!p1 v3, v4  }
0x39: {  	s22 =	sshll.u32 s24, $0x4;
	s2 =	smul.u32 $0xFFFE8900, s2;
	vm4 =	vlt.u32 v3, $0x2800  }
0x3a: {  	s22 =	sand.u32 $0x10, s22;
	v3 =	vnsel vm4, $0xFFFFFFFE, v3;
	vm4 =	vlt.u32 @!p1 v4, $0x2800  }
0x3b: {  	s2 =	sshra.s32 s2, $0x2;
	[tilespmem:s22+$0x60] =	vst v3;
	v3 =	vnsel @!p1 vm4, $0xFFFFFFFE, v4  }
0x3c: {  	s28 =	sadd.s32 s2, s17;
	[tilespmem:$0x80] =	vst @!p1 v3  }
0x3d: {  	v3 =	vld.msk [tilespmem:s28+$0x0 ss:$0x1], $0xffff;
	_ =	sdelay $0x4  }
0x3e: {  	(xrf1) =	vunique.msk.u32 $0xffff, v3;
	_ =	sdelay $0xd  }
0x3f: {  	v4 =	vimm.s32 $0xFFFFFFFF;
	v5, _, _ =	vpop (xrf1)  }
0x40: {  	vm5 =	vne.s32 v3, v4;
	vm4 =	veq.s32 v5, v2  }
0x41: {  	vm6 =	vlt.u32 v3, $0x2800;
	vm4 =	vmand vm5, vm4  }
0x42: {  	vm4 =	vmand vm6, vm4  }
0x43: {  	v4 =	vnsel vm4, $0xFFFFFFFF, v3  }
0x44: {  	s31 =	sand.u32 $0x1, s0  }
0x45: {  	s0 =	simm.s32 $0x1F40;
	p1 =	seq.s32 s31, $0x1  }
0x46: {  	s0 =	simm.s32 @!p1 $0x0  }
0x47: {  	s26 =	sadd.s32 $0x7DF0, s0;
	(ifvalue) =	ssetifvalue $0xFFFFFFFF  }
0x48: {  	v3 =	vperm.xlane v3, v1;
	[tilespmem:s26], [sflag:$0x8] =	stream.indirect_vreg.gather [hbm4b:s1+s16], $0x1, v4, vm0, $0x4038;
	v4 =	vnsel vm6, $0xFFFFFFFE, v4;
	[tilespmem:$0x11A60] =	vst v63  }
0x49: {  	s2 =	simm.s32 $0x0;
	s22 =	sadd.s32 $0xFFFFFFF0, s28;
	[tilespmem:s28+$0x0] =	vst v4  }
.LBB2_3:
0x4a: {  	v4 =	vld.msk [tilespmem:s22+$0x0 ss:$0x1], $0xffff;
	s2 =	sadd.s32 $0x10, s2;
	v5 =	vmov v3;
	s28 =	smov.u32 s22  }
0x4b: {  	p1 =	slt.u32 s2, $0x1F30;
	_ =	sdelay $0x4  }
0x4c: {  	v3 =	vperm.xlane v4, v1;
	(xrf1) =	vunique.msk.u32 $0xffff, v4;
	_ =	sdelay $0xd  }
0x4d: {  	v6, _, _ =	vpop (xrf1)  }
0x4e: {  	vm5 =	vne.s32 v4, v5;
	vm4 =	veq.s32 v6, v2  }
0x4f: {  	vm6 =	vlt.u32 v4, $0x2800;
	vm4 =	vmand vm5, vm4  }
0x50: {  	vm4 =	vmand vm6, vm4  }
0x51: {  	v4 =	vnsel vm4, $0xFFFFFFFF, v4  }
.Ltmp3:
0x52: {  	v5 =	vnsel vm6, $0xFFFFFFFE, v4;
	(pc) =	sbr.rel @p1 .LBB2_3-.Ltmp3, $3  }
0x53: {  	_ =	sdelay $0x1  }
0x54: {  	s22 =	sadd.s32 $0xFFFFFFF0, s22;
	s26 =	sadd.s32 $0xFFFFFFF0, s26;
	(ifvalue) =	ssetifvalue $0xFFFFFFFF  }
0x55: {  	[tilespmem:s26], [sflag:$0x8] =	stream.indirect_vreg.gather [hbm4b:s1+s16], $0x1, v4, vm0, $0x4038;
	[tilespmem:s28+$0x0] =	vst v5  }
0x56: {  	s2 =	sshrl.u32 s25, $0x3  }
0x57: {  	s0 =	sadd.s32 $0x9D40, s0;
	s2 =	sadd.s32 s9, s2  }
0x58: {  	[tilespmem:s0], [sflag:$0x8] =	stream.linear.gather [hbm:s2], $0x1F40, $0x38;
	[tilespmem:$0x11A60] =	vst v63  }
.LBB2_5:
0x59: {  	p1 =	slt.u32 s24, $0x2  }
0x5a: {  	p2 =	sge.u32 @!p1 s24, s12  }
0x5b: {  	p1 =	por p1, p2  }
.Ltmp4:
0x5c: {  	_ = 	snop;
	(pc) =	sbr.rel @p1 .LBB2_9-.Ltmp4, $1  }
0x5d: {  	_ =	sdelay $0x3  }
0x5e: {  	s0 =	sadd.s32 $0xFFFFFFFE, s24  }
0x5f: {  	s2 =	smulhi.u32 $0xAAAAAAAB, s0;
	_ =	sdelay $0x1  }
0x60: {  	s2 =	sshrl.u32 s2, $0x1  }
0x61: {  	s2 =	smul.u32 $0x3, s2;
	_ =	sdelay $0x1  }
0x62: {  	s0 =	ssub.s32 s0, s2  }
0x63: {  	_ =	swait.ge [sflag:s8], $0x3E80;
	s0 =	smul.u32 $0x1F40, s0  }
0x64: {  	p1 =	sne.s32 s24, s11;
	[sflag:s8] =	ssyncset.done $0x0  }
0x65: {  	[sflag:s8] =	ssyncadd.s32 $0xFFFFC180;
	s2 =	sadd.s32 @!p1 $0x203F, s0  }
0x66: {  	[spmem:s14] =	stream.linear.scatter @!p1 [tilespmem:s2], [sflag:$0x1], $0x1, $0x38;
	[tilespmem:$0x11A60] =	vst v63  }
0x67: {  	s2 =	simm.s32 @!p1 $0x1  }
0x68: {  	_ =	swait.ge @!p1 [sflag:s2], $0x1  }
0x69: {  	s22 =	sshll.u32 s24, $0x4;
	[sflag:s2] =	ssyncset.done @!p1 $0x0  }
0x6a: {  	s25 =	sand.u32 $0x10, s22;
	[sflag:s2] =	ssyncadd.s32 @!p1 $0xFFFFFFFF  }
0x6b: {  	s2 =	sxor.u32 $0x10, s25;
	v4 =	vld [tilespmem:s25+$0x10]  }
0x6c: {  	v5 =	vld [tilespmem:s2+$0x60]  }
0x6d: {  	v3 =	vld [tilespmem:$0x80];
	_ =	sdelay $0x2  }
0x6e: {  	(v2sf) =	vpush v4, $0x0  }
0x6f: {  	(v2sf) =	vpush v5, $0x0  }
0x70: {  	(v2sf) =	vpush v3, $0x0;
	_ =	sdelay $0xc  }
0x71: {  	s22 =	spop (v2sf)  }
0x72: {  	s26 =	spop (v2sf)  }
0x73: {  	s28 =	spop (v2sf)  }
0x74: {  	p2 =	seq.s32 s22, s26;
	p3 =	seq.s32 s28, s22  }
0x75: {  	p3 =	por p2, p3  }
0x76: {  	s26 =	sand.u32 $0x1, s24;
	v4 =	vpsel p3, $0xFFFFFFFF, v4  }
0x77: {  	s29 =	smul.u32 $0x1F40, s26;
	[tilespmem:s25+$0x10] =	vst.msk $0x1, v4  }
0x78: {  	v4 =	vld [tilespmem:$0x30]  }
0x79: {  	v5 =	vld [tilespmem:s29+$0x9D40]  }
0x7a: {  	v6 =	vld [tilespmem:s25+$0x40];
	_ =	sdelay $0x3  }
0x7b: {  	vm4 =	vmmov vm1;
	v5 =	vadd.f32 v5, v4  }
0x7c: {  	vm5 =	vmmov vm2;
	vm4 =	vmmov @p2 vm2;
	s22 =	sshll.u32 s26, $0x4;
	v4 =	vadd.f32 v6, v4  }
0x7d: {  	s26 =	sor.u32 $0x11A40, s22;
	vm5 =	vmmov @p3 vm1;
	[tilespmem:s29+$0x9D40] =	vst.msk vm4, v5  }
0x7e: {  	[tilespmem:s26+$0x0] =	vst.msk vm5, v4  }
0x7f: {  	v4 =	vld [tilespmem:s29+$0x7DF0];
	_ =	sdelay $0x3  }
0x80: {  	v5 =	vimm.f32 $0.0e+00  }
0x81: {  	v4 =	vshift.insert v4, v5, s21  }
0x82: {  	s22 =	sor.u32 $0x40, s2  }
0x83: {  	[tilespmem:s22+$0x0] =	vst.msk $0x1, v4  }
0x84: {  	[tilespmem:s29+$0x7DFF] =	vst.msk $0x1, v5  }
0x85: {  	v4 =	vld [tilespmem:s0+$0x2030];
	_ =	sdelay $0x1  }
0x86: {  	s22 =	smulhi.u32 $0xAAAAAAAB, s20;
	s0 =	simm.s32 $0x1  }
0x87: {  	s0 =	simm.s32 @!p0 $0x0  }
0x88: {  	s22 =	sshrl.u32 s22, $0x1;
	s0 =	smul.u32 $0x7D00, s0  }
0x89: {  	s22 =	smul.u32 $0xFFFE8900, s22;
	v4 =	vshift.insert v4, v1, s21  }
0x8a: {  	s0 =	sshrl.u32 s0, $0x2  }
0x8b: {  	s22 =	sshra.s32 s22, $0x2;
	s30 =	sadd.s32 $0x9D40, s0;
	[tilespmem:s2+$0x10] =	vst.msk $0x1, v4  }
0x8c: {  	s22 =	sadd.s32 s22, s19;
	v6 =	vld [tilespmem:s30+$0x0]  }
0x8d: {  	v7 =	vld [tilespmem:s22+$0x0];
	_ =	sdelay $0x3  }
0x8e: {  	v5 =	vadd.f32 v6, v5  }
0x8f: {  	vm4 =	vne.s32 v7, $0xFFFFFFFF  }
0x90: {  	(xrf2) =	vadd.seg.scan.f32 vm4, v5;
	_ =	sdelay $0x3  }
0x91: {  	s31 =	sadd.s32 $0x5EC0, s0;
	v5 =	vperm.xlane v4, v1  }
0x92: {  	v6 =	vld [tilespmem:s31+$0x0]  }
0x93: {  	vm5 =	veq.s32 v7, v3;
	vm6 =	veq.s32 v7, v5  }
0x94: {  	vm7 =	vgt.u32 v7, $0xFFFFFFFD;
	vm6 =	vmor vm6, vm5  }
0x95: {  	vm6 =	vmor vm6, vm7  }
0x96: {  	v9 =	vld [tilespmem:$0xA0];
	v7 =	vsel vm6, $0xFFFFFFFF, v7  }
0x97: {  	v10 =	vld [tilespmem:$0x90];
	v6 =	vsel vm5, $0x0, v6;
	v8, _, _ =	vpop (xrf2)  }
0x98: {  	v6 =	vadd.f32 v8, v6  }
0x99: {  	s0 =	sadd.s32 $0xDBC0, s0  }
0x9a: {  	vm4 =	vmand vm4, vm3;
	[tilespmem:s0+$0x0] =	vst v6;
	(ifvalue) =	ssetifvalue $0xFFFFFFFF  }
0x9b: {  	vm6 =	veq.s32 v9, $0x1;
	[hbm4b:s1+s16] =	stream.indirect_vreg.scatter [tilespmem:s0], [sflag:$0x2], $0x1, v7, vm0, $0x4038;
	v7 =	vsel vm4, $0x0, v8;
	[tilespmem:$0x11A60] =	vst v63  }
0x9c: {  	s2 =	simm.s32 $0x0;
	s22 =	sadd.s32 $0x10, s22;
	vm4 =	vmor vm6, vm5;
	v6 =	vsel vm5, v8, v10;
	v7 =	vshift.insert v7, v0, s21  }
.LBB2_7:
0x9d: {  	v8 =	vld [tilespmem:s22+$0x0];
	s30 =	sadd.s32 $0x10, s30  }
0x9e: {  	s31 =	sadd.s32 $0x10, s31;
	v9 =	vld [tilespmem:s30+$0x0]  }
0x9f: {  	s2 =	sadd.s32 $0x10, s2;
	v10 =	vld [tilespmem:s31+$0x0]  }
0xa0: {  	p2 =	slt.u32 s2, $0x1F30;
	_ =	sdelay $0x2  }
0xa1: {  	v7 =	vadd.f32 v9, v7  }
0xa2: {  	vm5 =	vne.s32 v8, $0xFFFFFFFF  }
0xa3: {  	vm6 =	vmand vm5, vm3;
	(xrf2) =	vadd.seg.scan.f32 vm5, v7;
	_ =	sdelay $0x5  }
0xa4: {  	vm7 =	veq.s32 v8, v5;
	vm5 =	veq.s32 v8, v3  }
0xa5: {  	vm8 =	vgt.u32 v8, $0xFFFFFFFD;
	vm4 =	vmor vm4, vm5;
	vm7 =	vmor vm7, vm5  }
0xa6: {  	vm7 =	vmor vm7, vm8  }
0xa7: {  	v8 =	vsel vm7, $0xFFFFFFFF, v8  }
.Ltmp5:
0xa8: {  	v7 =	vsel vm5, $0x0, v10;
	v9, _, _ =	vpop (xrf2);
	(pc) =	sbr.rel @p2 .LBB2_7-.Ltmp5, $4  }
0xa9: {  	v6 =	vsel vm5, v9, v6;
	v10 =	vadd.f32 v9, v7;
	v7 =	vsel vm6, $0x0, v9  }
0xaa: {  	s0 =	sadd.s32 $0x10, s0;
	v7 =	vshift.insert v7, v0, s21  }
0xab: {  	s22 =	sadd.s32 $0x10, s22;
	[tilespmem:s0+$0x0] =	vst v10;
	(ifvalue) =	ssetifvalue $0xFFFFFFFF  }
0xac: {  	[hbm4b:s1+s16] =	stream.indirect_vreg.scatter [tilespmem:s0], [sflag:$0x2], $0x1, v8, vm0, $0x4038;
	[tilespmem:$0x11A60] =	vst v63  }
0xad: {  	v3 =	vld [tilespmem:s29+$0xFAF0];
	_ =	sdelay $0x4  }
0xae: {  	v3 =	vshift.insert v3, v0, s21  }
0xaf: {  	s0 =	simm.s32 $0x30  }
0xb0: {  	[tilespmem:s0+$0x0] =	vst.msk $0x1, v3  }
0xb1: {  	v3 =	vsel vm4, $0x1, v1;
	[tilespmem:$0x90] =	vst v6  }
0xb2: {  	s0 =	sadd.s32 @!p1 $0xFAFF, s29;
	[tilespmem:$0xA0] =	vst v3  }
0xb3: {  	[spmem:s15] =	stream.linear.scatter @!p1 [tilespmem:s0], [sflag:$0x1], $0x1, $0x38;
	[tilespmem:$0x11A60] =	vst v63  }
0xb4: {  	s0 =	simm.s32 @!p1 $0x1  }
0xb5: {  	v3 =	vmctz.xlane @!p1 vm4;
	_ =	swait.ge @!p1 [sflag:s0], $0x1  }
0xb6: {  	(v2sf) =	vpush @!p1 v4, $0x0  }
0xb7: {  	(v2sf) =	vpush @!p1 v3, $0x0;
	_ =	sdelay $0xd  }
0xb8: {  	s2 =	spop @!p1 (v2sf)  }
0xb9: {  	s22 =	spop @!p1 (v2sf)  }
0xba: {  	p2 =	sne.s32 @!p1 s28, s2;
	p3 =	slt.s32 @!p1 s22, $0xF  }
0xbb: {  	[sflag:s0] =	ssyncset.done @!p1 $0x0;
	p2 =	por p2, p1;
	p3 =	por !p3, p1  }
0xbc: {  	[sflag:s0] =	ssyncadd.s32 @!p1 $0xFFFFFFFF;
	v3 =	vimm.s32 @!p2 $0xFFFFFFFF;
	s22 =	simm.s32 @p3 $0xF  }
0xbd: {  	[tilespmem:$0x80] =	vst @!p2 v3;
	s2 =	sadd.s32 @!p1 $0x90, s22  }
0xbe: {  	[spmem:s3] =	stream.linear.scatter @!p1 [tilespmem:s2], [sflag:$0x1], $0x1, $0x38;
	[tilespmem:$0x11A60] =	vst v63  }
0xbf: {  	_ =	swait.ge @!p1 [sflag:s0], $0x1  }
0xc0: {  	[sflag:s0] =	ssyncset.done @!p1 $0x0  }
0xc1: {  	s2 =	simm.s32 @!p1 $0x80;
	[sflag:s0] =	ssyncadd.s32 @!p1 $0xFFFFFFFF  }
0xc2: {  	[spmem:s13] =	stream.linear.scatter @!p1 [tilespmem:s2], [sflag:$0x1], $0x1, $0x38;
	[tilespmem:$0x11A60] =	vst v63  }
0xc3: {  	_ =	swait.ge @!p1 [sflag:s0], $0x1  }
0xc4: {  	[sflag:s0] =	ssyncset.done @!p1 $0x0  }
0xc5: {  	[sflag:s0] =	ssyncadd.s32 @!p1 $0xFFFFFFFF;
	(ifvalue) =	ssetifvalue $0xFFFFFFFF;
	v3 =	vld [tilespmem:s25+$0x10];
	_ =	sdelay $0x3  }
.Ltmp6:
0xc6: {  	_ = 	snop;
	(pc) =	sbr.rel .LBB2_9-.Ltmp6, $3  }
0xc7: {  	_ =	sdelay $0x1  }
0xc8: {  	(ifvalue) =	ssetifvalue $0xFFFFFFFF  }
0xc9: {  	[hbm4b:s1+s16] =	stream.indirect_vreg.scatter [tilespmem:s26], [sflag:$0x9], $0x1, v3, vm0, $0x4038;
	[tilespmem:$0x11A60] =	vst v63  }
.LBB2_10:
0xca: {  	_ =	sfence.sel $0x180000  }
0xcb: {  	s0 =	simm.s32 $0x7;
	[bflag:$0x0] =	sbarrier.arrive $0xFFFF  }
0xcc: {  	s26 =	simm.s32 $0x8;
	[sflag:s0] =	ssyncpa.u1 $0x1  }
0xcd: {  	s28 =	simm.s32 $0x9;
	[sflag:s26] =	ssyncpa.u1 $0x1  }
0xce: {  	[sflag:s28] =	ssyncpa.u1 $0x1  }
0xcf: {  	_ =	sfence.stream.spmem  }
0xd0: {  	s29 =	simm.s32 $0x3;
	[bflag:$0x0] =	sbarrier.arrive $0xFFFF  }
0xd1: {  	s30 =	simm.s32 $0x4;
	[sflag:s29] =	ssyncpa.u1 $0x1  }
0xd2: {  	s31 =	simm.s32 $0x3C;
	s2 =	stileid.u32;
	[sflag:s30] =	ssyncpa.u1 $0x1  }
0xd3: {  	p0 =	sne.s32 s2, $0x0;
	[sflag:s31] =	ssyncpa.u1 $0x1  }
0xd4: {  	s0 =	simm.s32 @p0 $0x1;
	_ =	sfence @p0  }
0xd5: {  	[sflag:s0] =	ssyncpa.u1 @p0 $0x1;
	s0 =	simm.s32 @p0 $0x2  }
0xd6: {  	[sflag:s0] =	ssyncpa.u1 @p0 $0x1  }
0xd7: {  	_ =	strace @p0 $0x9000004D  }
0xd8: {  	[bflag:$0x2] =	sbarrier.arrive @p0 $0xFFFF  }
0xd9: {  	_ =	shalt @p0  }
.LBB2_11:
0xda: {  	_ =	sfence.stream.spmem;
	s0 =	simm.s32 $0x5  }
0xdb: {  	s2 =	simm.s32 $0x80;
	s3 =	simm.s32 $0xC0;
	[sflag:s0] =	ssyncpa.u1 $0x0  }
0xdc: {  	[tilespmem:s3], [sflag:$0x5] =	stream.linear.gather [spmem:s2], $0x20, $0x38;
	[tilespmem:$0x11A60] =	vst v63  }
0xdd: {  	s2 =	simm.s32 $0x0;
	s3 =	simm.s32 $0xE0  }
0xde: {  	[tilespmem:s3], [sflag:$0x5] =	stream.linear.gather [spmem:s2], $0x20, $0x38;
	[tilespmem:$0x11A60] =	vst v63  }
.Ltmp7:
0xdf: {  	_ = 	snop;
	(pc) =	sbr.rel .LBB2_12-.Ltmp7, $4  }
0xe0: {  	_ =	swait.ge [sflag:s0], $0x40  }
0xe1: {  	[sflag:s0] =	ssyncset.done $0x0  }
0xe2: {  	s31 =	simm.s32 $0x6;
	[sflag:s0] =	ssyncadd.s32 $0xFFFFFFC0  }
0xe3: {  	s4 =	simm.s32 $0x0;
	[sflag:s31] =	ssyncpa.u1 $0x0  }
.LBB2_17:
0xe4: {  	p0 =	sgt.u32 s5, $0x27FF  }
0xe5: {  	s0 =	sshrl.u32 @!p0 s5, $0x3  }
0xe6: {  	s5 =	sand.u32 @!p0 $0x7, s5;
	s6 =	simm.s32 @!p0 $0xB0;
	s0 =	sadd.s32 @!p0 s1, s0  }
0xe7: {  	[tilespmem:s6], [sflag:$0x6] =	stream.linear.gather @!p0 [hbm4b:s0+s5], $0x1, $0x38;
	[tilespmem:$0x11A60] =	vst v63  }
0xe8: {  	s0 =	simm.s32 @!p0 $0x6  }
0xe9: {  	_ =	swait.ge @!p0 [sflag:s0], $0x1  }
0xea: {  	[sflag:s0] =	ssyncset.done @!p0 $0x0  }
0xeb: {  	[sflag:s0] =	ssyncadd.s32 @!p0 $0xFFFFFFFF  }
0xec: {  	v2 =	vmov @!p0 s4;
	v1 =	vld.msk @!p0 [tilespmem:$0xB0], $0x1;
	_ =	sdelay $0x3  }
0xed: {  	s0 =	simm.s32 @!p0 $0xE0  }
0xee: {  	[tilespmem:v2+s0+$0x0], v1 =	vst.idx.ret.add.f32.msk @!p0 $0x1, v1  }
0xef: {  	[tilespmem:s2+$0xC0] =	vst.msk $0x1, v0  }
0xf0: {  	v0 =	vld.msk [tilespmem:s4+$0xE0], $0x1;
	_ =	sdelay $0x4  }
0xf1: {  	[tilespmem:s2+$0xE0] =	vst.msk $0x1, v0;
	s2 =	sadd.s32 $0x1, s2  }
.LBB2_19:
0xf2: {  	s4 =	sadd.s32 $0x1, s4  }
0xf3: {  	p0 =	sne.s32 s4, $0x20  }
.Ltmp8:
0xf4: {  	_ = 	snop;
	(pc) =	sbr.rel @!p0 .LBB2_20-.Ltmp8, $1  }
0xf5: {  	_ =	sdelay $0x3  }
.LBB2_12:
0xf6: {  	v0 =	vld.msk [tilespmem:s4+$0xC0], $0x1;
	_ =	sdelay $0x4  }
0xf7: {  	(v2sf) =	vpush v0, $0x0;
	_ =	sdelay $0xe  }
0xf8: {  	s5 =	spop (v2sf)  }
0xf9: {  	p0 =	seq.s32 s5, $0xFFFFFFFF  }
.Ltmp9:
0xfa: {  	_ = 	snop;
	(pc) =	sbr.rel @p0 .LBB2_19-.Ltmp9, $1  }
0xfb: {  	_ =	sdelay $0x3  }
0xfc: {  	p0 =	slt.s32 s2, $0x1  }
.Ltmp10:
0xfd: {  	_ = 	snop;
	(pc) =	sbr.rel @p0 .LBB2_17-.Ltmp10, $1  }
0xfe: {  	_ =	sdelay $0x3  }
0xff: {  	s0 =	simm.s32 $0xC0;
	p0 =	por $0x0, $0x0  }
0x100: {  	v1 =	vld.msk @!p0 [tilespmem:s0+$0x0], $0x1;
	_ =	sdelay $0x4  }
0x101: {  	(v2sf) =	vpush @!p0 v1, $0x0;
	_ =	sdelay $0xd  }
0x102: {  	p2 =	sne.s32 s2, $0x1  }
.Ltmp11:
0x103: {  	s6 =	spop @!p0 (v2sf);
	(pc) =	sbr.rel @!p2 .LBB2_16-.Ltmp11, $4  }
0x104: {  	p1 =	seq.s32 @!p0 s5, s6  }
0x105: {  	s6 =	simm.s32 $0x0;
	p1 =	por !p1, p0  }
0x106: {  	s8 =	simm.s32 $0xFFFFFFFF;
	s6 =	simm.s32 @p1 $0xFFFFFFFF  }
0x107: {  	s7 =	simm.s32 $0x1;
	s6 =	smov.u32 @p0 s8  }
.LBB2_15:
0x108: {  	s8 =	smov.u32 s6;
	p0 =	sne.s32 s6, $0xFFFFFFFF  }
0x109: {  	s0 =	sadd.s32 $0x1, s0;
	s6 =	smov.u32 s7;
	s7 =	sadd.s32 $0x1, s7  }
0x10a: {  	p1 =	sne.s32 s2, s7;
	v1 =	vld.msk @!p0 [tilespmem:s0+$0x0], $0x1;
	_ =	sdelay $0x4  }
0x10b: {  	(v2sf) =	vpush @!p0 v1, $0x0;
	_ =	sdelay $0xe  }
.Ltmp12:
0x10c: {  	s9 =	spop @!p0 (v2sf);
	(pc) =	sbr.rel @p1 .LBB2_15-.Ltmp12, $4  }
0x10d: {  	p2 =	seq.s32 @!p0 s5, s9  }
0x10e: {  	p2 =	por !p2, p0  }
0x10f: {  	s6 =	simm.s32 @p2 $0xFFFFFFFF  }
0x110: {  	s6 =	smov.u32 @p0 s8  }
.LBB2_16:
0x111: {  	p0 =	sne.s32 s6, $0xFFFFFFFF  }
.Ltmp13:
0x112: {  	_ = 	snop;
	(pc) =	sbr.rel @!p0 .LBB2_17-.Ltmp13, $1  }
0x113: {  	_ =	sdelay $0x3  }
0x114: {  	v0 =	vld.msk [tilespmem:s4+$0xE0], $0x1;
	v1 =	vmov s6  }
.Ltmp14:
0x115: {  	_ = 	snop;
	(pc) =	sbr.rel .LBB2_19-.Ltmp14, $2  }
0x116: {  	_ =	sdelay $0x2  }
0x117: {  	[tilespmem:v1+s3+$0x0], v0 =	vst.idx.ret.add.f32.msk $0x1, v0  }
.LBB2_20:
0x118: {  	p0 =	slt.s32 s2, $0x1  }
.Ltmp15:
0x119: {  	_ = 	snop;
	(pc) =	sbr.rel @p0 .LBB2_24-.Ltmp15, $3  }
0x11a: {  	_ =	sdelay $0x1  }
0x11b: {  	s0 =	simm.s32 $0x6  }
0x11c: {  	s3 =	simm.s32 $0x0;
	[sflag:s0] =	ssyncpa.u1 $0x1  }
0x11d: {  	s0 =	simm.s32 $0xC0  }
0x11e: {  	v0 =	vld.msk [tilespmem:s0+$0x0], $0x1;
	_ =	sdelay $0x4  }
0x11f: {  	(v2sf) =	vpush v0, $0x0;
	_ =	sdelay $0xe  }
0x120: {  	s2 =	sadd.s32 $0xFFFFFFFF, s2;
	s4 =	spop (v2sf)  }
0x121: {  	p1 =	sne.s32 s2, $0x0;
	p0 =	sgt.u32 s4, $0x27FF  }
.Ltmp16:
0x122: {  	s5 =	sshrl.u32 @!p0 s4, $0x3;
	(pc) =	sbr.rel @!p1 .LBB2_23-.Ltmp16, $4  }
0x123: {  	s0 =	simm.s32 $0xE0;
	s4 =	sand.u32 @!p0 $0x7, s4;
	s5 =	sadd.s32 @!p0 s1, s5  }
0x124: {  	[hbm4b:s5+s4] =	stream.linear.scatter @!p0 [tilespmem:s0], [sflag:$0x5], $0x1, $0x38;
	[tilespmem:$0x11A60] =	vst v63  }
0x125: {  	s5 =	simm.s32 $0x0  }
0x126: {  	s4 =	simm.s32 $0xC1;
	s5 =	simm.s32 @!p0 $0x4  }
.LBB2_22:
0x127: {  	v0 =	vld.msk [tilespmem:s4+$0x0], $0x1;
	s2 =	sadd.s32 $0xFFFFFFFF, s2;
	s3 =	sadd.s32 s3, s5  }
0x128: {  	p0 =	sne.s32 s2, $0x0;
	_ =	sdelay $0x3  }
0x129: {  	(v2sf) =	vpush v0, $0x0;
	_ =	sdelay $0xe  }
.Ltmp17:
0x12a: {  	s6 =	spop (v2sf);
	(pc) =	sbr.rel @p0 .LBB2_22-.Ltmp17, $4  }
0x12b: {  	s5 =	simm.s32 $0x0;
	p1 =	sgt.u32 s6, $0x27FF  }
0x12c: {  	s0 =	sadd.s32 $0x1, s0;
	s5 =	simm.s32 @!p1 $0x4;
	s7 =	sshrl.u32 @!p1 s6, $0x3  }
0x12d: {  	s4 =	sadd.s32 $0x1, s4;
	s6 =	sand.u32 @!p1 $0x7, s6;
	s7 =	sadd.s32 @!p1 s1, s7  }
0x12e: {  	[hbm4b:s7+s6] =	stream.linear.scatter @!p1 [tilespmem:s0], [sflag:$0x5], $0x1, $0x38;
	[tilespmem:$0x11A60] =	vst v63  }
.LBB2_23:
0x12f: {  	s0 =	sadd.s32 s3, s5  }
0x130: {  	s3 =	sshrl.u32 s0, $0x2  }
.LBB2_24:
0x131: {  	s0 =	simm.s32 $0x5  }
0x132: {  	_ =	swait.ge [sflag:s0], s3  }
0x133: {  	s1 =	ssub.s32 $0x0, s3;
	[sflag:s0] =	ssyncset.done $0x0  }
0x134: {  	[sflag:s0] =	ssyncadd.s32 s1  }
0x135: {  	[sflag:s0] =	ssyncpa.u1 $0x1  }
0x136: {  	s29 =	simm.s32 $0x1;
	_ =	sfence  }
0x137: {  	s30 =	simm.s32 $0x2;
	[sflag:s29] =	ssyncpa.u1 $0x1  }
0x138: {  	[sflag:s30] =	ssyncpa.u1 $0x1  }
0x139: {  	_ =	strace $0x9000004D  }
0x13a: {  	[bflag:$0x2] =	sbarrier.arrive $0xFFFF  }
0x13b: {  	s31 =	rddreg [dreg:$0x1]  }
0x13c: {  	s0 =	sadd.s32 $0x100000, s31  }
0x13d: {  	[sflag:s0] =	ssyncadd.tile.s32 $0x1;
	_ =	shalt  }
.Lfunc_end2:
_tile_overlayer_lowered:
.L_overlay_start_2:
0x13e: {  	(tag) =	ssettag $0x2  }
0x13f: {  	s0 =	rddreg [dreg:$0x0];
	s2 =	stileid.u32  }
0x140: {  	s1 =	rddreg [dreg:$0x1];
	p0 =	sne.s32 s2, $0x0  }
0x141: {  	s3 =	rddreg [dreg:$0x2];
	[bflag:$0x3] =	sbarrier.arrive $0xFFFF;
	s2 =	simm.s32 @!p0 $0x1C01  }
0x142: {  	[timem:s3], [sflag:s2] =	dma.local @!p0 [hbm:s0], s1  }
0x143: {  	s0 =	simm.s32 @!p0 $0x1  }
0x144: {  	_ =	swait.ge @!p0 [sflag:s0], s1  }
0x145: {  	s1 =	ssub.s32 @!p0 $0x0, s1;
	[sflag:s0] =	ssyncset.done @!p0 $0x0  }
0x146: {  	[sflag:s0] =	ssyncadd.s32 @!p0 s1  }
0x147: {  	[bflag:$0x3] =	sbarrier.arrive $0xFFFF  }
0x148: {  	_ =	shalt  }

</sc_bundles>
